<compile_context>
chip_gen: v7x
topology: tpu7x:2x2x1
jax: 0.10.2.dev20260603
libtpu: 0.0.44.dev20260713+nightly
codegen_flags: <defaults>
</compile_context>

<pallas_src>
import functools
import numpy as np
import jax
import jax.numpy as jnp
from jax import lax
from jax.experimental import pallas as pl
from jax.experimental.pallas import tpu as pltpu, tpu_sc as plsc

N = 10000
E = 320000
IN_DIM = 128
NH = 64
T = 3
R = 4
H = 4
L = 2
DK = 16

NTILES = 32
EPT = E // NTILES
C = 80
G = C // 16
NCHUNK = EPT // C
ACC_W = 128
RPS = N // 16



BN = 1000
_INTERP = False


def _adapt_body(x_ref, nt_ref, w_ref, b_ref, o_ref):
    x = x_ref[...]
    nt = nt_ref[...]
    acc = jnp.zeros((BN, NH), jnp.float32)
    for t in range(T):
        y = jnp.tanh(
            lax.dot_general(x, w_ref[t], (((1,), (1,)), ((), ())),
                            preferred_element_type=jnp.float32)
            + b_ref[t][None, :])
        acc = acc + jnp.where(nt == t, 1.0, 0.0) * y
    o_ref[...] = acc


def _adapt(x, nt, wad, bad):
    return pl.pallas_call(
        _adapt_body,
        grid=(N // BN,),
        in_specs=[
            pl.BlockSpec((BN, IN_DIM), lambda i: (i, 0)),
            pl.BlockSpec((BN, 1), lambda i: (i, 0)),
            pl.BlockSpec((T, NH, IN_DIM), lambda i: (0, 0, 0)),
            pl.BlockSpec((T, NH), lambda i: (0, 0)),
        ],
        out_specs=pl.BlockSpec((BN, NH), lambda i: (i, 0)),
        out_shape=jax.ShapeDtypeStruct((N, NH), jnp.float32),
        interpret=_INTERP,
    )(x, nt, wad, bad)


def _node_body(h_ref, nt_ref, akv_ref, wq_ref, bq_ref, kv_ref, q_ref):
    hblk = h_ref[...]
    nt = nt_ref[...]
    hms = []
    q = jnp.zeros((BN, NH), jnp.float32)
    for t in range(T):
        m = jnp.where(nt == t, 1.0, 0.0)
        hm = m * hblk
        hms.append(hm)
        q = q + lax.dot_general(hm, wq_ref[t], (((1,), (1,)), ((), ())),
                                preferred_element_type=jnp.float32)
        q = q + m * bq_ref[t][None, :]
    q_ref[...] = jnp.concatenate([q, jnp.zeros((BN, NH), jnp.float32)], axis=1)
    for r in range(R):
        s = jnp.zeros((BN, 2 * NH), jnp.float32)
        for t in range(T):
            s = s + lax.dot_general(hms[t], akv_ref[t, r],
                                    (((1,), (0,)), ((), ())),
                                    preferred_element_type=jnp.float32)
        kv_ref[:, r * 2 * NH:(r + 1) * 2 * NH] = s


def _node(h, nt, akv, wq, bq):
    return pl.pallas_call(
        _node_body,
        grid=(N // BN,),
        in_specs=[
            pl.BlockSpec((BN, NH), lambda i: (i, 0)),
            pl.BlockSpec((BN, 1), lambda i: (i, 0)),
            pl.BlockSpec((T, R, NH, 2 * NH), lambda i: (0, 0, 0, 0)),
            pl.BlockSpec((T, NH, NH), lambda i: (0, 0, 0)),
            pl.BlockSpec((T, NH), lambda i: (0, 0)),
        ],
        out_specs=[
            pl.BlockSpec((BN, R * 2 * NH), lambda i: (i, 0)),
            pl.BlockSpec((BN, 2 * NH), lambda i: (i, 0)),
        ],
        out_shape=[
            jax.ShapeDtypeStruct((N, R * 2 * NH), jnp.float32),
            jax.ShapeDtypeStruct((N, 2 * NH), jnp.float32),
        ],
        interpret=_INTERP,
    )(h, nt, akv, wq, bq)


def _final_body(p_ref, h_ref, nt_ref, wa_ref, ba_ref, sk_ref, g_ref, b_ref,
                o_ref):
    p = p_ref[0] + p_ref[1]
    den = p[:, NH:NH + H]
    rep = (lax.broadcasted_iota(jnp.int32, (H, NH), 1) // DK
           == lax.broadcasted_iota(jnp.int32, (H, NH), 0)).astype(jnp.float32)
    den_rep = lax.dot_general(den, rep, (((1,), (0,)), ((), ())),
                              preferred_element_type=jnp.float32)
    agg = p[:, :NH] / (den_rep + 1e-9)
    tr = jax.nn.gelu(agg)
    nt = nt_ref[...]
    out = jnp.zeros((BN, NH), jnp.float32)
    skv = jnp.zeros((BN, 1), jnp.float32)
    for t in range(T):
        m = jnp.where(nt == t, 1.0, 0.0)
        out = out + m * (
            lax.dot_general(tr, wa_ref[t], (((1,), (1,)), ((), ())),
                            preferred_element_type=jnp.float32)
            + ba_ref[t][None, :])
        skv = skv + m * jax.nn.sigmoid(sk_ref[0, t])
    res = out * skv + h_ref[...] * (1.0 - skv)
    mu = jnp.mean(res, axis=1, keepdims=True)
    var = jnp.mean((res - mu) ** 2, axis=1, keepdims=True)
    o_ref[...] = g_ref[...] * (res - mu) * lax.rsqrt(var + 1e-5) + b_ref[...]


def _final(parts, h, nt, wa, ba, sk, lng, lnb):
    return pl.pallas_call(
        _final_body,
        grid=(N // BN,),
        in_specs=[
            pl.BlockSpec((2, BN, ACC_W), lambda i: (0, i, 0)),
            pl.BlockSpec((BN, NH), lambda i: (i, 0)),
            pl.BlockSpec((BN, 1), lambda i: (i, 0)),
            pl.BlockSpec((T, NH, NH), lambda i: (0, 0, 0)),
            pl.BlockSpec((T, NH), lambda i: (0, 0)),
            pl.BlockSpec((1, T), lambda i: (0, 0)),
            pl.BlockSpec((1, NH), lambda i: (0, 0)),
            pl.BlockSpec((1, NH), lambda i: (0, 0)),
        ],
        out_specs=pl.BlockSpec((BN, NH), lambda i: (i, 0)),
        out_shape=jax.ShapeDtypeStruct((N, NH), jnp.float32),
        interpret=_INTERP,
    )(parts, h, nt, wa, ba, sk, lng, lnb)



_EDGE_CACHE = []


def _build_edge():
  mesh = plsc.VectorSubcoreMesh(core_axis_name="c", subcore_axis_name="s")

  @functools.partial(
    pl.kernel,
    out_type=jax.ShapeDtypeStruct((2, N, ACC_W), jnp.float32),
    mesh=mesh,
      compiler_params=pltpu.CompilerParams(needs_layout_passes=False),
      scratch_types=[
          pltpu.VMEM((2, C), jnp.int32),
          pltpu.VMEM((C,), jnp.int32),
          pltpu.VMEM((C, 2 * NH), jnp.float32),
          pltpu.VMEM((C, 2 * NH), jnp.float32),
          pltpu.VMEM((C, 2 * NH), jnp.float32),
          pltpu.VMEM((C, ACC_W), jnp.float32),
          pltpu.VMEM_SHARED((N, ACC_W), jnp.float32),
          pltpu.SemaphoreType.DMA,
          pltpu.SemaphoreType.DMA,
          pltpu.SemaphoreType.DMA,
      ],
  )
  def _edge(kv4_hbm, tab_hbm, q_hbm, ikt_hbm, idst_hbm,
            out_hbm, ikt_v, idst_v, kv_v, tab_v, q_v, scat_v,
            acc_sh, sem0, sem1, sem2):
      cid = lax.axis_index("c")
      sid = lax.axis_index("s")
      wid = sid * 2 + cid

      zero16 = jnp.zeros((16,), jnp.float32)

      def _zrow(i, _):
          for kk in range(ACC_W // 16):
              scat_v[i, pl.ds(kk * 16, 16)] = zero16
          return 0

      lax.fori_loop(0, C, _zrow, 0)

      NZC = N // C
      for i in range((NZC + 15) // 16):
          m = sid + i * 16

          @pl.when(m < NZC)
          def _():
              pltpu.sync_copy(scat_v, acc_sh.at[pl.ds(m * C, C)])

      plsc.subcore_barrier()

      def _chunk(j, _):
          pltpu.sync_copy(ikt_hbm.at[wid, j], ikt_v)
          pltpu.sync_copy(idst_hbm.at[wid, j, 0], idst_v)
          a = pltpu.async_copy(kv4_hbm.at[ikt_v.at[0]], kv_v, sem0)
          b = pltpu.async_copy(tab_hbm.at[ikt_v.at[1]], tab_v, sem1)
          c = pltpu.async_copy(q_hbm.at[idst_v], q_v, sem2)
          a.wait()
          b.wait()
          c.wait()
          li = lax.iota(jnp.int32, 16)

          def _ec(e, _):
              ew4 = jnp.zeros((16,), jnp.float32)
              for h in range(H):
                  kh = kv_v[e, pl.ds(h * DK, DK)] + tab_v[e, pl.ds(h * DK, DK)]
                  qh = q_v[e, pl.ds(h * DK, DK)]
                  att = jnp.sum(kh * qh)
                  ewv = jnp.exp(jnp.full((16,), att, jnp.float32))
                  vh = (kv_v[e, pl.ds(NH + h * DK, DK)]
                        + tab_v[e, pl.ds(NH + h * DK, DK)])
                  scat_v[e, pl.ds(h * DK, DK)] = vh * ewv
                  ew4 = ew4 + jnp.where(li == h, 1.0, 0.0) * ewv
              scat_v[e, pl.ds(NH, 16)] = ew4
              return 0

          lax.fori_loop(0, C, _ec, 0)
          pltpu.sync_copy(scat_v, acc_sh.at[idst_v], add=True)
          return 0

      lax.fori_loop(0, NCHUNK, _chunk, 0)
      plsc.subcore_barrier()
      NZC = N // C
      for i in range((NZC + 15) // 16):
          m = sid + i * 16

          @pl.when(m < NZC)
          def _():
              pltpu.sync_copy(acc_sh.at[pl.ds(m * C, C)],
                              out_hbm.at[cid, pl.ds(m * C, C)])

  return _edge


def _get_edge():
    if not _EDGE_CACHE:
        _EDGE_CACHE.append(_build_edge())
    return _EDGE_CACHE[0]



def _blockdiag(a):
    out = jnp.zeros((H, DK, H, DK), jnp.float32)
    idx = jnp.arange(H)
    out = out.at[idx, :, idx, :].set(a)
    return out.reshape(NH, NH)


def _sin_table():
    half = NH // 2
    freqs = jnp.exp(-jnp.log(10000.0)
                    * jnp.arange(half, dtype=jnp.float32) / half)
    ang = jnp.arange(256, dtype=jnp.float32)[:, None] * freqs[None, :]
    return jnp.concatenate([jnp.sin(ang), jnp.cos(ang)], axis=-1)


def kernel(node_feature, node_type, edge_time, edge_index, edge_type, Wadapt,
           badapt, Wk, bk, Wq, bq, Wv, bv, Wrte, brte, rel_pri, rel_att,
           rel_msg, Wa, ba, skip, ln_g, ln_b):
    nt2 = node_type.reshape(N, 1).astype(jnp.int32)
    src = edge_index[0].astype(jnp.int32)
    dst = edge_index[1].astype(jnp.int32)
    et = edge_type.astype(jnp.int32)
    t_src = node_type[src].astype(jnp.int32)
    isrc_r = (src * R + et).reshape(NTILES, NCHUNK, C)
    itab = ((t_src * R + et) * 256
            + edge_time.astype(jnp.int32)).reshape(NTILES, NCHUNK, C)
    ikt = jnp.stack([isrc_r, itab], axis=2)
    idst = dst.reshape(NTILES, NCHUNK, 1, C)

    sin_tab = _sin_table()
    h = _adapt(node_feature, nt2, Wadapt, badapt)
    for l in range(L):
        bda = [_blockdiag(rel_att[l, r])
               * jnp.repeat(rel_pri[l, r] / (DK ** 0.5), DK)[None, :]
               for r in range(R)]
        bdm = [_blockdiag(rel_msg[l, r]) for r in range(R)]
        akv = jnp.stack([
            jnp.stack([
                jnp.concatenate([Wk[l, t].T @ bda[r], Wv[l, t].T @ bdm[r]],
                                axis=1)
                for r in range(R)], axis=0)
            for t in range(T)], axis=0)
        rte = sin_tab @ Wrte[l].T + brte[l]
        tab = jnp.stack([
            jnp.stack([
                jnp.concatenate([
                    (rte @ Wk[l, t].T + bk[l, t]) @ bda[r],
                    (rte @ Wv[l, t].T + bv[l, t]) @ bdm[r]], axis=1)
                for r in range(R)], axis=0)
            for t in range(T)], axis=0).reshape(T * R * 256, 2 * NH)
        kv4, q = _node(h, nt2, akv, Wq[l], bq[l])
        parts = _get_edge()(kv4.reshape(N * R, 2 * NH), tab, q, ikt, idst)
        h = _final(parts, h, nt2, Wa[l], ba[l], skip[l].reshape(1, T),
                   ln_g[l].reshape(1, NH), ln_b[l].reshape(1, NH))
    return h

# --- scband reference (transcript-rebuilt; emitter-appended) ---
"""Pipeline reference for scband-gnn-9809705304606 (READ-ONLY COPY).

The authoritative reference and input builder live on the scoring server;
editing this copy changes nothing except your own understanding.
"""

import jax, jax.numpy as jnp
import numpy as np

N = 10000
E = 320000
IN_DIM = 128
NH = 64
T = 3
R = 4
H = 4
L = 2
DK = NH // H


def _sin_emb(t, d):
    half = d // 2
    freqs = jnp.exp(-jnp.log(10000.0) * jnp.arange(half, dtype=jnp.float32) / half)
    ang = t.astype(jnp.float32)[:, None] * freqs[None, :]
    return jnp.concatenate([jnp.sin(ang), jnp.cos(ang)], axis=-1)


def setup_inputs(seed: int = 0):
    key = jax.random.key(seed)
    ks = [jax.random.fold_in(key, i) for i in range(24)]
    eye = jnp.eye(DK, dtype=jnp.float32)
    inp = {}
    inp["node_feature"] = jax.random.normal(ks[0], (N, IN_DIM), dtype=jnp.float32)
    inp["node_type"] = jax.random.randint(ks[1], (N,), 0, T)
    inp["edge_time"] = jax.random.randint(ks[2], (E,), 0, 256)
    inp["edge_index"] = jax.random.randint(ks[3], (2, E), 0, N)
    inp["edge_type"] = jax.random.randint(ks[4], (E,), 0, R)
    inp["Wadapt"] = 0.05 * jax.random.normal(ks[5], (T, NH, IN_DIM), dtype=jnp.float32)
    inp["badapt"] = jnp.zeros((T, NH), dtype=jnp.float32)
    inp["Wk"] = 0.05 * jax.random.normal(ks[6], (L, T, NH, NH), dtype=jnp.float32)
    inp["bk"] = jnp.zeros((L, T, NH), dtype=jnp.float32)
    inp["Wq"] = 0.05 * jax.random.normal(ks[7], (L, T, NH, NH), dtype=jnp.float32)
    inp["bq"] = jnp.zeros((L, T, NH), dtype=jnp.float32)
    inp["Wv"] = 0.05 * jax.random.normal(ks[8], (L, T, NH, NH), dtype=jnp.float32)
    inp["bv"] = jnp.zeros((L, T, NH), dtype=jnp.float32)
    inp["Wrte"] = 0.05 * jax.random.normal(ks[9], (L, NH, NH), dtype=jnp.float32)
    inp["brte"] = jnp.zeros((L, NH), dtype=jnp.float32)
    inp["rel_pri"] = jnp.ones((L, R, H), dtype=jnp.float32)
    inp["rel_att"] = eye[None, None, None] + 0.05 * jax.random.normal(ks[10], (L, R, H, DK, DK), dtype=jnp.float32)
    inp["rel_msg"] = eye[None, None, None] + 0.05 * jax.random.normal(ks[11], (L, R, H, DK, DK), dtype=jnp.float32)
    inp["Wa"] = 0.05 * jax.random.normal(ks[12], (L, T, NH, NH), dtype=jnp.float32)
    inp["ba"] = jnp.zeros((L, T, NH), dtype=jnp.float32)
    inp["skip"] = jnp.ones((L, T), dtype=jnp.float32)
    inp["ln_g"] = jnp.ones((L, NH), dtype=jnp.float32)
    inp["ln_b"] = jnp.zeros((L, NH), dtype=jnp.float32)
    return inp


def _forward(node_feature, Wadapt, badapt, Wk, bk, Wq, bq, Wv, bv, Wrte, brte, rel_pri, rel_att, rel_msg, Wa, ba, skip, ln_g, ln_b, node_type, edge_time, edge_index, edge_type):
    n = node_feature.shape[0]
    e = edge_index.shape[1]
    tmask = (node_type[:, None] == jnp.arange(T)[None, :]).astype(jnp.float32)
    # type-wise input adaptation: res[idx] = tanh(adapt_ws[t](x[idx])); dropout omitted (eval)
    h = jnp.zeros((n, NH), dtype=jnp.float32)
    for t in range(T):
        h = h + tmask[:, t:t+1] * jnp.tanh(node_feature @ Wadapt[t].T + badapt[t])
    src = edge_index[0]
    dst = edge_index[1]
    emask = tmask[src]
    rte_raw = _sin_emb(edge_time, NH)
    for l in range(L):
        # relative temporal encoding added to source features (HGT RTE)
        rte = rte_raw @ Wrte[l].T + brte[l]
        h_src = h[src] + rte
        k_e = jnp.zeros((e, NH), dtype=jnp.float32)
        v_e = jnp.zeros((e, NH), dtype=jnp.float32)
        q_n = jnp.zeros((n, NH), dtype=jnp.float32)
        for t in range(T):
            k_e = k_e + emask[:, t:t+1] * (h_src @ Wk[l, t].T + bk[l, t])
            v_e = v_e + emask[:, t:t+1] * (h_src @ Wv[l, t].T + bv[l, t])
            q_n = q_n + tmask[:, t:t+1] * (h @ Wq[l, t].T + bq[l, t])
        k_e = k_e.reshape(e, H, DK)
        v_e = v_e.reshape(e, H, DK)
        q_e = q_n[dst].reshape(e, H, DK)
        k_rel = jnp.zeros((e, H, DK), dtype=jnp.float32)
        m_rel = jnp.zeros((e, H, DK), dtype=jnp.float32)
        for r in range(R):
            rm = (edge_type == r).astype(jnp.float32)[:, None, None]
            k_rel = k_rel + rm * jnp.einsum('ehd,hdf->ehf', k_e, rel_att[l, r])
            m_rel = m_rel + rm * jnp.einsum('ehd,hdf->ehf', v_e, rel_msg[l, r])
        att = jnp.sum(k_rel * q_e, axis=-1) * rel_pri[l][edge_type] / (DK ** 0.5)
        amax = jax.lax.stop_gradient(jax.ops.segment_max(att, dst, num_segments=n))
        amax = jnp.where(jnp.isfinite(amax), amax, 0.0)
        expw = jnp.exp(att - amax[dst])
        denom = jax.ops.segment_sum(expw, dst, num_segments=n)
        alpha = expw / (denom[dst] + 1e-9)
        agg = jax.ops.segment_sum(alpha[:, :, None] * m_rel, dst, num_segments=n).reshape(n, NH)
        trans = jax.nn.gelu(agg)
        out = jnp.zeros((n, NH), dtype=jnp.float32)
        for t in range(T):
            out = out + tmask[:, t:t+1] * (trans @ Wa[l, t].T + ba[l, t])
        sk = jax.nn.sigmoid(skip[l])[node_type][:, None]
        res = out * sk + h * (1.0 - sk)
        mu = jnp.mean(res, axis=-1, keepdims=True)
        var = jnp.var(res, axis=-1, keepdims=True)
        h = ln_g[l] * (res - mu) * jax.lax.rsqrt(var + 1e-5) + ln_b[l]
    return h


def reference(node_feature, node_type, edge_time, edge_index, edge_type, Wadapt, badapt, Wk, bk, Wq, bq, Wv, bv, Wrte, brte, rel_pri, rel_att, rel_msg, Wa, ba, skip, ln_g, ln_b):
    return _forward(node_feature, Wadapt, badapt, Wk, bk, Wq, bq, Wv, bv, Wrte, brte, rel_pri, rel_att, rel_msg, Wa, ba, skip, ln_g, ln_b, node_type, edge_time, edge_index, edge_type)

if __name__ == "__main__":
    import jax
    _d = setup_inputs()
    print(jax.jit(kernel)(*tuple(_d.values())))

</pallas_src>

<mosaic_0001>
#map = affine_map<(d0, d1) -> (0, 0)>
#map1 = affine_map<(d0, d1) -> (0, 0, 0, 0)>
#map2 = affine_map<(d0, d1) -> (0, 0, 0)>
module attributes {stable_mosaic.version = 14 : i64} {
  func.func @_edge(%arg0: i32, %arg1: i32, %arg2: memref<40000x128xf32, #tpu.memory_space<hbm>>, %arg3: memref<3072x128xf32, #tpu.memory_space<hbm>>, %arg4: memref<10000x128xf32, #tpu.memory_space<hbm>>, %arg5: memref<32x125x2x80xi32, #tpu.memory_space<hbm>>, %arg6: memref<32x125x1x80xi32, #tpu.memory_space<hbm>>, %arg7: memref<2x10000x128xf32, #tpu.memory_space<hbm>>, %arg8: memref<2x80xi32, #tpu.memory_space<vmem>>, %arg9: memref<80xi32, #tpu.memory_space<vmem>>, %arg10: memref<80x128xf32, #tpu.memory_space<vmem>>, %arg11: memref<80x128xf32, #tpu.memory_space<vmem>>, %arg12: memref<80x128xf32, #tpu.memory_space<vmem>>, %arg13: memref<80x128xf32, #tpu.memory_space<vmem>>, %arg14: memref<10000x128xf32, #tpu.memory_space<vmem_shared>>, %arg15: memref<!tpu.dma_semaphore, #tpu.memory_space<semaphore_mem>>, %arg16: memref<!tpu.dma_semaphore, #tpu.memory_space<semaphore_mem>>, %arg17: memref<!tpu.dma_semaphore, #tpu.memory_space<semaphore_mem>>) attributes {dimension_semantics = [#tpu.dimension_semantics<core_parallel>, #tpu.dimension_semantics<subcore_parallel>], iteration_bounds = array<i64: 2, 16>, scalar_prefetch = 0 : i64, scratch_operands = 10 : i64, tpu.core_type = #tpu.core_type<sc_vector_subcore>, window_params = [{transform_indices = #map}, {transform_indices = #map}, {transform_indices = #map}, {transform_indices = #map1}, {transform_indices = #map1}, {transform_indices = #map2}]} {
    %mul3A = arith.constant 2 : i32
    %mul3A_0 = arith.muli %arg1, %mul3A : i32
    %add3A = arith.addi %mul3A_0, %arg0 : i32
    %broadcast_in_dim3A = arith.constant 0.000000e+00 : f32
    %broadcast_in_dim3A_1 = vector.broadcast %broadcast_in_dim3A : f32 to vector<16xf32>
    %scan3A = arith.constant 0 : i32
    %scan3A_2 = arith.constant 0 : i32
    %scan3A_3 = arith.constant 80 : i32
    %scan3A_4 = arith.addi %scan3A_2, %scan3A_3 : i32
    %scan3A_5 = arith.constant 1 : i32
    %scan3A_6 = scf.for %scan3A_125 = %scan3A_2 to %scan3A_4 step %scan3A_5 iter_args(%scan3A_126 = %scan3A) -> (i32)  : i32 {
      %swap3A = arith.index_cast %scan3A_125 : i32 to index
      %swap3A_127 = arith.constant 0 : index
      %swap3A_128 = tpu.vector_load %arg13[%swap3A, %swap3A_127] {strides = array<i32>} : memref<80x128xf32, #tpu.memory_space<vmem>>, vector<16xf32>,
      tpu.vector_store %arg13[%swap3A, %swap3A_127], %broadcast_in_dim3A_1 {strides = array<i32>} : memref<80x128xf32, #tpu.memory_space<vmem>>, vector<16xf32>,
      %swap3A_129 = arith.index_cast %scan3A_125 : i32 to index
      %swap3A_130 = arith.constant 16 : index
      %swap3A_131 = tpu.vector_load %arg13[%swap3A_129, %swap3A_130] {strides = array<i32>} : memref<80x128xf32, #tpu.memory_space<vmem>>, vector<16xf32>,
      tpu.vector_store %arg13[%swap3A_129, %swap3A_130], %broadcast_in_dim3A_1 {strides = array<i32>} : memref<80x128xf32, #tpu.memory_space<vmem>>, vector<16xf32>,
      %swap3A_132 = arith.index_cast %scan3A_125 : i32 to index
      %swap3A_133 = arith.constant 32 : index
      %swap3A_134 = tpu.vector_load %arg13[%swap3A_132, %swap3A_133] {strides = array<i32>} : memref<80x128xf32, #tpu.memory_space<vmem>>, vector<16xf32>,
      tpu.vector_store %arg13[%swap3A_132, %swap3A_133], %broadcast_in_dim3A_1 {strides = array<i32>} : memref<80x128xf32, #tpu.memory_space<vmem>>, vector<16xf32>,
      %swap3A_135 = arith.index_cast %scan3A_125 : i32 to index
      %swap3A_136 = arith.constant 48 : index
      %swap3A_137 = tpu.vector_load %arg13[%swap3A_135, %swap3A_136] {strides = array<i32>} : memref<80x128xf32, #tpu.memory_space<vmem>>, vector<16xf32>,
      tpu.vector_store %arg13[%swap3A_135, %swap3A_136], %broadcast_in_dim3A_1 {strides = array<i32>} : memref<80x128xf32, #tpu.memory_space<vmem>>, vector<16xf32>,
      %swap3A_138 = arith.index_cast %scan3A_125 : i32 to index
      %swap3A_139 = arith.constant 64 : index
      %swap3A_140 = tpu.vector_load %arg13[%swap3A_138, %swap3A_139] {strides = array<i32>} : memref<80x128xf32, #tpu.memory_space<vmem>>, vector<16xf32>,
      tpu.vector_store %arg13[%swap3A_138, %swap3A_139], %broadcast_in_dim3A_1 {strides = array<i32>} : memref<80x128xf32, #tpu.memory_space<vmem>>, vector<16xf32>,
      %swap3A_141 = arith.index_cast %scan3A_125 : i32 to index
      %swap3A_142 = arith.constant 80 : index
      %swap3A_143 = tpu.vector_load %arg13[%swap3A_141, %swap3A_142] {strides = array<i32>} : memref<80x128xf32, #tpu.memory_space<vmem>>, vector<16xf32>,
      tpu.vector_store %arg13[%swap3A_141, %swap3A_142], %broadcast_in_dim3A_1 {strides = array<i32>} : memref<80x128xf32, #tpu.memory_space<vmem>>, vector<16xf32>,
      %swap3A_144 = arith.index_cast %scan3A_125 : i32 to index
      %swap3A_145 = arith.constant 96 : index
      %swap3A_146 = tpu.vector_load %arg13[%swap3A_144, %swap3A_145] {strides = array<i32>} : memref<80x128xf32, #tpu.memory_space<vmem>>, vector<16xf32>,
      tpu.vector_store %arg13[%swap3A_144, %swap3A_145], %broadcast_in_dim3A_1 {strides = array<i32>} : memref<80x128xf32, #tpu.memory_space<vmem>>, vector<16xf32>,
      %swap3A_147 = arith.index_cast %scan3A_125 : i32 to index
      %swap3A_148 = arith.constant 112 : index
      %swap3A_149 = tpu.vector_load %arg13[%swap3A_147, %swap3A_148] {strides = array<i32>} : memref<80x128xf32, #tpu.memory_space<vmem>>, vector<16xf32>,
      tpu.vector_store %arg13[%swap3A_147, %swap3A_148], %broadcast_in_dim3A_1 {strides = array<i32>} : memref<80x128xf32, #tpu.memory_space<vmem>>, vector<16xf32>,
      %scan3A_150 = arith.constant 0 : i32
      scf.yield %scan3A_150 : i32
    }
    %scan3A_7 = arith.constant 80 : i32
    %add3A_8 = arith.constant 0 : i32
    %add3A_9 = arith.addi %arg1, %add3A_8 : i32
    %lt3A = arith.constant 125 : i32
    %lt3A_10 = arith.cmpi slt, %add3A_9, %lt3A : i32
    %convert_element_type3A = arith.extui %lt3A_10 : i1 to i32
    %cond3A = arith.constant 0 : i32
    %cond3A_11 = arith.cmpi ne, %convert_element_type3A, %cond3A : i32
    scf.if %cond3A_11 {
      %mul3A_125 = arith.constant 80 : i32
      %mul3A_126 = arith.muli %add3A_9, %mul3A_125 : i32
      "tpu.region"() ({
        %run_scoped3A = tpu.sem_alloc : memref<!tpu.dma_semaphore, #tpu.memory_space<semaphore_mem>>
        %dma_start3A = arith.constant 0 : i32
        %dma_start3A_127 = tpu.memref_slice %arg14[%mul3A_126, %dma_start3A] : memref<10000x128xf32, #tpu.memory_space<vmem_shared>> -> memref<80x128xf32, #tpu.memory_space<vmem_shared>>
        %dma_start3A_128 = arith.constant 0 : i32
        %dma_start3A_129 = tpu.memref_slice %arg14[%mul3A_126, %dma_start3A_128] : memref<10000x128xf32, #tpu.memory_space<vmem_shared>> -> memref<80x128xf32, #tpu.memory_space<vmem_shared>>
        tpu.enqueue_dma source(%arg13 : memref<80x128xf32, #tpu.memory_space<vmem>>) target(%dma_start3A_129 : memref<80x128xf32, #tpu.memory_space<vmem_shared>>) target_semaphore(%run_scoped3A : memref<!tpu.dma_semaphore, #tpu.memory_space<semaphore_mem>>)
        %dma_wait3A = arith.constant 0 : i32
        %dma_wait3A_130 = tpu.memref_slice %arg14[%mul3A_126, %dma_wait3A] : memref<10000x128xf32, #tpu.memory_space<vmem_shared>> -> memref<80x128xf32, #tpu.memory_space<vmem_shared>>
        %dma_wait3A_131 = arith.constant 0 : i32
        %dma_wait3A_132 = tpu.memref_slice %arg14[%mul3A_126, %dma_wait3A_131] : memref<10000x128xf32, #tpu.memory_space<vmem_shared>> -> memref<80x128xf32, #tpu.memory_space<vmem_shared>>
        tpu.wait_dma2 semaphore(%run_scoped3A : memref<!tpu.dma_semaphore, #tpu.memory_space<semaphore_mem>>) src(%arg13 : memref<80x128xf32, #tpu.memory_space<vmem>>) dst(%dma_wait3A_132 : memref<80x128xf32, #tpu.memory_space<vmem_shared>>)
        tpu.yield
      }) : () -> ()
    } else {
    }
    %add3A_12 = arith.constant 16 : i32
    %add3A_13 = arith.addi %arg1, %add3A_12 : i32
    %lt3A_14 = arith.constant 125 : i32
    %lt3A_15 = arith.cmpi slt, %add3A_13, %lt3A_14 : i32
    %convert_element_type3A_16 = arith.extui %lt3A_15 : i1 to i32
    %cond3A_17 = arith.constant 0 : i32
    %cond3A_18 = arith.cmpi ne, %convert_element_type3A_16, %cond3A_17 : i32
    scf.if %cond3A_18 {
      %mul3A_125 = arith.constant 80 : i32
      %mul3A_126 = arith.muli %add3A_13, %mul3A_125 : i32
      "tpu.region"() ({
        %run_scoped3A = tpu.sem_alloc : memref<!tpu.dma_semaphore, #tpu.memory_space<semaphore_mem>>
        %dma_start3A = arith.constant 0 : i32
        %dma_start3A_127 = tpu.memref_slice %arg14[%mul3A_126, %dma_start3A] : memref<10000x128xf32, #tpu.memory_space<vmem_shared>> -> memref<80x128xf32, #tpu.memory_space<vmem_shared>>
        %dma_start3A_128 = arith.constant 0 : i32
        %dma_start3A_129 = tpu.memref_slice %arg14[%mul3A_126, %dma_start3A_128] : memref<10000x128xf32, #tpu.memory_space<vmem_shared>> -> memref<80x128xf32, #tpu.memory_space<vmem_shared>>
        tpu.enqueue_dma source(%arg13 : memref<80x128xf32, #tpu.memory_space<vmem>>) target(%dma_start3A_129 : memref<80x128xf32, #tpu.memory_space<vmem_shared>>) target_semaphore(%run_scoped3A : memref<!tpu.dma_semaphore, #tpu.memory_space<semaphore_mem>>)
        %dma_wait3A = arith.constant 0 : i32
        %dma_wait3A_130 = tpu.memref_slice %arg14[%mul3A_126, %dma_wait3A] : memref<10000x128xf32, #tpu.memory_space<vmem_shared>> -> memref<80x128xf32, #tpu.memory_space<vmem_shared>>
        %dma_wait3A_131 = arith.constant 0 : i32
        %dma_wait3A_132 = tpu.memref_slice %arg14[%mul3A_126, %dma_wait3A_131] : memref<10000x128xf32, #tpu.memory_space<vmem_shared>> -> memref<80x128xf32, #tpu.memory_space<vmem_shared>>
        tpu.wait_dma2 semaphore(%run_scoped3A : memref<!tpu.dma_semaphore, #tpu.memory_space<semaphore_mem>>) src(%arg13 : memref<80x128xf32, #tpu.memory_space<vmem>>) dst(%dma_wait3A_132 : memref<80x128xf32, #tpu.memory_space<vmem_shared>>)
        tpu.yield
      }) : () -> ()
    } else {
    }
    %add3A_19 = arith.constant 32 : i32
    %add3A_20 = arith.addi %arg1, %add3A_19 : i32
    %lt3A_21 = arith.constant 125 : i32
    %lt3A_22 = arith.cmpi slt, %add3A_20, %lt3A_21 : i32
    %convert_element_type3A_23 = arith.extui %lt3A_22 : i1 to i32
    %cond3A_24 = arith.constant 0 : i32
    %cond3A_25 = arith.cmpi ne, %convert_element_type3A_23, %cond3A_24 : i32
    scf.if %cond3A_25 {
      %mul3A_125 = arith.constant 80 : i32
      %mul3A_126 = arith.muli %add3A_20, %mul3A_125 : i32
      "tpu.region"() ({
        %run_scoped3A = tpu.sem_alloc : memref<!tpu.dma_semaphore, #tpu.memory_space<semaphore_mem>>
        %dma_start3A = arith.constant 0 : i32
        %dma_start3A_127 = tpu.memref_slice %arg14[%mul3A_126, %dma_start3A] : memref<10000x128xf32, #tpu.memory_space<vmem_shared>> -> memref<80x128xf32, #tpu.memory_space<vmem_shared>>
        %dma_start3A_128 = arith.constant 0 : i32
        %dma_start3A_129 = tpu.memref_slice %arg14[%mul3A_126, %dma_start3A_128] : memref<10000x128xf32, #tpu.memory_space<vmem_shared>> -> memref<80x128xf32, #tpu.memory_space<vmem_shared>>
        tpu.enqueue_dma source(%arg13 : memref<80x128xf32, #tpu.memory_space<vmem>>) target(%dma_start3A_129 : memref<80x128xf32, #tpu.memory_space<vmem_shared>>) target_semaphore(%run_scoped3A : memref<!tpu.dma_semaphore, #tpu.memory_space<semaphore_mem>>)
        %dma_wait3A = arith.constant 0 : i32
        %dma_wait3A_130 = tpu.memref_slice %arg14[%mul3A_126, %dma_wait3A] : memref<10000x128xf32, #tpu.memory_space<vmem_shared>> -> memref<80x128xf32, #tpu.memory_space<vmem_shared>>
        %dma_wait3A_131 = arith.constant 0 : i32
        %dma_wait3A_132 = tpu.memref_slice %arg14[%mul3A_126, %dma_wait3A_131] : memref<10000x128xf32, #tpu.memory_space<vmem_shared>> -> memref<80x128xf32, #tpu.memory_space<vmem_shared>>
        tpu.wait_dma2 semaphore(%run_scoped3A : memref<!tpu.dma_semaphore, #tpu.memory_space<semaphore_mem>>) src(%arg13 : memref<80x128xf32, #tpu.memory_space<vmem>>) dst(%dma_wait3A_132 : memref<80x128xf32, #tpu.memory_space<vmem_shared>>)
        tpu.yield
      }) : () -> ()
    } else {
    }
    %add3A_26 = arith.constant 48 : i32
    %add3A_27 = arith.addi %arg1, %add3A_26 : i32
    %lt3A_28 = arith.constant 125 : i32
    %lt3A_29 = arith.cmpi slt, %add3A_27, %lt3A_28 : i32
    %convert_element_type3A_30 = arith.extui %lt3A_29 : i1 to i32
    %cond3A_31 = arith.constant 0 : i32
    %cond3A_32 = arith.cmpi ne, %convert_element_type3A_30, %cond3A_31 : i32
    scf.if %cond3A_32 {
      %mul3A_125 = arith.constant 80 : i32
      %mul3A_126 = arith.muli %add3A_27, %mul3A_125 : i32
      "tpu.region"() ({
        %run_scoped3A = tpu.sem_alloc : memref<!tpu.dma_semaphore, #tpu.memory_space<semaphore_mem>>
        %dma_start3A = arith.constant 0 : i32
        %dma_start3A_127 = tpu.memref_slice %arg14[%mul3A_126, %dma_start3A] : memref<10000x128xf32, #tpu.memory_space<vmem_shared>> -> memref<80x128xf32, #tpu.memory_space<vmem_shared>>
        %dma_start3A_128 = arith.constant 0 : i32
        %dma_start3A_129 = tpu.memref_slice %arg14[%mul3A_126, %dma_start3A_128] : memref<10000x128xf32, #tpu.memory_space<vmem_shared>> -> memref<80x128xf32, #tpu.memory_space<vmem_shared>>
        tpu.enqueue_dma source(%arg13 : memref<80x128xf32, #tpu.memory_space<vmem>>) target(%dma_start3A_129 : memref<80x128xf32, #tpu.memory_space<vmem_shared>>) target_semaphore(%run_scoped3A : memref<!tpu.dma_semaphore, #tpu.memory_space<semaphore_mem>>)
        %dma_wait3A = arith.constant 0 : i32
        %dma_wait3A_130 = tpu.memref_slice %arg14[%mul3A_126, %dma_wait3A] : memref<10000x128xf32, #tpu.memory_space<vmem_shared>> -> memref<80x128xf32, #tpu.memory_space<vmem_shared>>
        %dma_wait3A_131 = arith.constant 0 : i32
        %dma_wait3A_132 = tpu.memref_slice %arg14[%mul3A_126, %dma_wait3A_131] : memref<10000x128xf32, #tpu.memory_space<vmem_shared>> -> memref<80x128xf32, #tpu.memory_space<vmem_shared>>
        tpu.wait_dma2 semaphore(%run_scoped3A : memref<!tpu.dma_semaphore, #tpu.memory_space<semaphore_mem>>) src(%arg13 : memref<80x128xf32, #tpu.memory_space<vmem>>) dst(%dma_wait3A_132 : memref<80x128xf32, #tpu.memory_space<vmem_shared>>)
        tpu.yield
      }) : () -> ()
    } else {
    }
    %add3A_33 = arith.constant 64 : i32
    %add3A_34 = arith.addi %arg1, %add3A_33 : i32
    %lt3A_35 = arith.constant 125 : i32
    %lt3A_36 = arith.cmpi slt, %add3A_34, %lt3A_35 : i32
    %convert_element_type3A_37 = arith.extui %lt3A_36 : i1 to i32
    %cond3A_38 = arith.constant 0 : i32
    %cond3A_39 = arith.cmpi ne, %convert_element_type3A_37, %cond3A_38 : i32
    scf.if %cond3A_39 {
      %mul3A_125 = arith.constant 80 : i32
      %mul3A_126 = arith.muli %add3A_34, %mul3A_125 : i32
      "tpu.region"() ({
        %run_scoped3A = tpu.sem_alloc : memref<!tpu.dma_semaphore, #tpu.memory_space<semaphore_mem>>
        %dma_start3A = arith.constant 0 : i32
        %dma_start3A_127 = tpu.memref_slice %arg14[%mul3A_126, %dma_start3A] : memref<10000x128xf32, #tpu.memory_space<vmem_shared>> -> memref<80x128xf32, #tpu.memory_space<vmem_shared>>
        %dma_start3A_128 = arith.constant 0 : i32
        %dma_start3A_129 = tpu.memref_slice %arg14[%mul3A_126, %dma_start3A_128] : memref<10000x128xf32, #tpu.memory_space<vmem_shared>> -> memref<80x128xf32, #tpu.memory_space<vmem_shared>>
        tpu.enqueue_dma source(%arg13 : memref<80x128xf32, #tpu.memory_space<vmem>>) target(%dma_start3A_129 : memref<80x128xf32, #tpu.memory_space<vmem_shared>>) target_semaphore(%run_scoped3A : memref<!tpu.dma_semaphore, #tpu.memory_space<semaphore_mem>>)
        %dma_wait3A = arith.constant 0 : i32
        %dma_wait3A_130 = tpu.memref_slice %arg14[%mul3A_126, %dma_wait3A] : memref<10000x128xf32, #tpu.memory_space<vmem_shared>> -> memref<80x128xf32, #tpu.memory_space<vmem_shared>>
        %dma_wait3A_131 = arith.constant 0 : i32
        %dma_wait3A_132 = tpu.memref_slice %arg14[%mul3A_126, %dma_wait3A_131] : memref<10000x128xf32, #tpu.memory_space<vmem_shared>> -> memref<80x128xf32, #tpu.memory_space<vmem_shared>>
        tpu.wait_dma2 semaphore(%run_scoped3A : memref<!tpu.dma_semaphore, #tpu.memory_space<semaphore_mem>>) src(%arg13 : memref<80x128xf32, #tpu.memory_space<vmem>>) dst(%dma_wait3A_132 : memref<80x128xf32, #tpu.memory_space<vmem_shared>>)
        tpu.yield
      }) : () -> ()
    } else {
    }
    %add3A_40 = arith.constant 80 : i32
    %add3A_41 = arith.addi %arg1, %add3A_40 : i32
    %lt3A_42 = arith.constant 125 : i32
    %lt3A_43 = arith.cmpi slt, %add3A_41, %lt3A_42 : i32
    %convert_element_type3A_44 = arith.extui %lt3A_43 : i1 to i32
    %cond3A_45 = arith.constant 0 : i32
    %cond3A_46 = arith.cmpi ne, %convert_element_type3A_44, %cond3A_45 : i32
    scf.if %cond3A_46 {
      %mul3A_125 = arith.constant 80 : i32
      %mul3A_126 = arith.muli %add3A_41, %mul3A_125 : i32
      "tpu.region"() ({
        %run_scoped3A = tpu.sem_alloc : memref<!tpu.dma_semaphore, #tpu.memory_space<semaphore_mem>>
        %dma_start3A = arith.constant 0 : i32
        %dma_start3A_127 = tpu.memref_slice %arg14[%mul3A_126, %dma_start3A] : memref<10000x128xf32, #tpu.memory_space<vmem_shared>> -> memref<80x128xf32, #tpu.memory_space<vmem_shared>>
        %dma_start3A_128 = arith.constant 0 : i32
        %dma_start3A_129 = tpu.memref_slice %arg14[%mul3A_126, %dma_start3A_128] : memref<10000x128xf32, #tpu.memory_space<vmem_shared>> -> memref<80x128xf32, #tpu.memory_space<vmem_shared>>
        tpu.enqueue_dma source(%arg13 : memref<80x128xf32, #tpu.memory_space<vmem>>) target(%dma_start3A_129 : memref<80x128xf32, #tpu.memory_space<vmem_shared>>) target_semaphore(%run_scoped3A : memref<!tpu.dma_semaphore, #tpu.memory_space<semaphore_mem>>)
        %dma_wait3A = arith.constant 0 : i32
        %dma_wait3A_130 = tpu.memref_slice %arg14[%mul3A_126, %dma_wait3A] : memref<10000x128xf32, #tpu.memory_space<vmem_shared>> -> memref<80x128xf32, #tpu.memory_space<vmem_shared>>
        %dma_wait3A_131 = arith.constant 0 : i32
        %dma_wait3A_132 = tpu.memref_slice %arg14[%mul3A_126, %dma_wait3A_131] : memref<10000x128xf32, #tpu.memory_space<vmem_shared>> -> memref<80x128xf32, #tpu.memory_space<vmem_shared>>
        tpu.wait_dma2 semaphore(%run_scoped3A : memref<!tpu.dma_semaphore, #tpu.memory_space<semaphore_mem>>) src(%arg13 : memref<80x128xf32, #tpu.memory_space<vmem>>) dst(%dma_wait3A_132 : memref<80x128xf32, #tpu.memory_space<vmem_shared>>)
        tpu.yield
      }) : () -> ()
    } else {
    }
    %add3A_47 = arith.constant 96 : i32
    %add3A_48 = arith.addi %arg1, %add3A_47 : i32
    %lt3A_49 = arith.constant 125 : i32
    %lt3A_50 = arith.cmpi slt, %add3A_48, %lt3A_49 : i32
    %convert_element_type3A_51 = arith.extui %lt3A_50 : i1 to i32
    %cond3A_52 = arith.constant 0 : i32
    %cond3A_53 = arith.cmpi ne, %convert_element_type3A_51, %cond3A_52 : i32
    scf.if %cond3A_53 {
      %mul3A_125 = arith.constant 80 : i32
      %mul3A_126 = arith.muli %add3A_48, %mul3A_125 : i32
      "tpu.region"() ({
        %run_scoped3A = tpu.sem_alloc : memref<!tpu.dma_semaphore, #tpu.memory_space<semaphore_mem>>
        %dma_start3A = arith.constant 0 : i32
        %dma_start3A_127 = tpu.memref_slice %arg14[%mul3A_126, %dma_start3A] : memref<10000x128xf32, #tpu.memory_space<vmem_shared>> -> memref<80x128xf32, #tpu.memory_space<vmem_shared>>
        %dma_start3A_128 = arith.constant 0 : i32
        %dma_start3A_129 = tpu.memref_slice %arg14[%mul3A_126, %dma_start3A_128] : memref<10000x128xf32, #tpu.memory_space<vmem_shared>> -> memref<80x128xf32, #tpu.memory_space<vmem_shared>>
        tpu.enqueue_dma source(%arg13 : memref<80x128xf32, #tpu.memory_space<vmem>>) target(%dma_start3A_129 : memref<80x128xf32, #tpu.memory_space<vmem_shared>>) target_semaphore(%run_scoped3A : memref<!tpu.dma_semaphore, #tpu.memory_space<semaphore_mem>>)
        %dma_wait3A = arith.constant 0 : i32
        %dma_wait3A_130 = tpu.memref_slice %arg14[%mul3A_126, %dma_wait3A] : memref<10000x128xf32, #tpu.memory_space<vmem_shared>> -> memref<80x128xf32, #tpu.memory_space<vmem_shared>>
        %dma_wait3A_131 = arith.constant 0 : i32
        %dma_wait3A_132 = tpu.memref_slice %arg14[%mul3A_126, %dma_wait3A_131] : memref<10000x128xf32, #tpu.memory_space<vmem_shared>> -> memref<80x128xf32, #tpu.memory_space<vmem_shared>>
        tpu.wait_dma2 semaphore(%run_scoped3A : memref<!tpu.dma_semaphore, #tpu.memory_space<semaphore_mem>>) src(%arg13 : memref<80x128xf32, #tpu.memory_space<vmem>>) dst(%dma_wait3A_132 : memref<80x128xf32, #tpu.memory_space<vmem_shared>>)
        tpu.yield
      }) : () -> ()
    } else {
    }
    %add3A_54 = arith.constant 112 : i32
    %add3A_55 = arith.addi %arg1, %add3A_54 : i32
    %lt3A_56 = arith.constant 125 : i32
    %lt3A_57 = arith.cmpi slt, %add3A_55, %lt3A_56 : i32
    %convert_element_type3A_58 = arith.extui %lt3A_57 : i1 to i32
    %cond3A_59 = arith.constant 0 : i32
    %cond3A_60 = arith.cmpi ne, %convert_element_type3A_58, %cond3A_59 : i32
    scf.if %cond3A_60 {
      %mul3A_125 = arith.constant 80 : i32
      %mul3A_126 = arith.muli %add3A_55, %mul3A_125 : i32
      "tpu.region"() ({
        %run_scoped3A = tpu.sem_alloc : memref<!tpu.dma_semaphore, #tpu.memory_space<semaphore_mem>>
        %dma_start3A = arith.constant 0 : i32
        %dma_start3A_127 = tpu.memref_slice %arg14[%mul3A_126, %dma_start3A] : memref<10000x128xf32, #tpu.memory_space<vmem_shared>> -> memref<80x128xf32, #tpu.memory_space<vmem_shared>>
        %dma_start3A_128 = arith.constant 0 : i32
        %dma_start3A_129 = tpu.memref_slice %arg14[%mul3A_126, %dma_start3A_128] : memref<10000x128xf32, #tpu.memory_space<vmem_shared>> -> memref<80x128xf32, #tpu.memory_space<vmem_shared>>
        tpu.enqueue_dma source(%arg13 : memref<80x128xf32, #tpu.memory_space<vmem>>) target(%dma_start3A_129 : memref<80x128xf32, #tpu.memory_space<vmem_shared>>) target_semaphore(%run_scoped3A : memref<!tpu.dma_semaphore, #tpu.memory_space<semaphore_mem>>)
        %dma_wait3A = arith.constant 0 : i32
        %dma_wait3A_130 = tpu.memref_slice %arg14[%mul3A_126, %dma_wait3A] : memref<10000x128xf32, #tpu.memory_space<vmem_shared>> -> memref<80x128xf32, #tpu.memory_space<vmem_shared>>
        %dma_wait3A_131 = arith.constant 0 : i32
        %dma_wait3A_132 = tpu.memref_slice %arg14[%mul3A_126, %dma_wait3A_131] : memref<10000x128xf32, #tpu.memory_space<vmem_shared>> -> memref<80x128xf32, #tpu.memory_space<vmem_shared>>
        tpu.wait_dma2 semaphore(%run_scoped3A : memref<!tpu.dma_semaphore, #tpu.memory_space<semaphore_mem>>) src(%arg13 : memref<80x128xf32, #tpu.memory_space<vmem>>) dst(%dma_wait3A_132 : memref<80x128xf32, #tpu.memory_space<vmem_shared>>)
        tpu.yield
      }) : () -> ()
    } else {
    }
    %barrier3A = arith.constant 0 : index
    tpu.barrier barrier_id(%barrier3A)
    %scan3A_61 = arith.constant 0 : i32
    %scan3A_62 = arith.constant 0 : i32
    %scan3A_63 = arith.constant 125 : i32
    %scan3A_64 = arith.addi %scan3A_62, %scan3A_63 : i32
    %scan3A_65 = arith.constant 1 : i32
    %scan3A_66 = scf.for %scan3A_125 = %scan3A_62 to %scan3A_64 step %scan3A_65 iter_args(%scan3A_126 = %scan3A_61) -> (i32)  : i32 {
      "tpu.region"() ({
        %run_scoped3A_167 = tpu.sem_alloc : memref<!tpu.dma_semaphore, #tpu.memory_space<semaphore_mem>>
        %dma_start3A_168 = arith.constant 0 : i32
        %dma_start3A_169 = arith.constant 0 : i32
        %dma_start3A_170 = tpu.memref_slice %arg5[%add3A, %scan3A_125, %dma_start3A_168, %dma_start3A_169] : memref<32x125x2x80xi32, #tpu.memory_space<hbm>> -> memref<1x1x2x80xi32, #tpu.memory_space<hbm>>
        %dma_start3A_171 = tpu.memref_squeeze %dma_start3A_170 : memref<1x1x2x80xi32, #tpu.memory_space<hbm>> -> memref<2x80xi32, #tpu.memory_space<hbm>>
        %dma_start3A_172 = arith.constant 0 : i32
        %dma_start3A_173 = arith.constant 0 : i32
        %dma_start3A_174 = tpu.memref_slice %arg5[%add3A, %scan3A_125, %dma_start3A_172, %dma_start3A_173] : memref<32x125x2x80xi32, #tpu.memory_space<hbm>> -> memref<1x1x2x80xi32, #tpu.memory_space<hbm>>
        %dma_start3A_175 = tpu.memref_squeeze %dma_start3A_174 : memref<1x1x2x80xi32, #tpu.memory_space<hbm>> -> memref<2x80xi32, #tpu.memory_space<hbm>>
        tpu.enqueue_dma source(%dma_start3A_175 : memref<2x80xi32, #tpu.memory_space<hbm>>) target(%arg8 : memref<2x80xi32, #tpu.memory_space<vmem>>) target_semaphore(%run_scoped3A_167 : memref<!tpu.dma_semaphore, #tpu.memory_space<semaphore_mem>>)
        %dma_wait3A_176 = arith.constant 0 : i32
        %dma_wait3A_177 = arith.constant 0 : i32
        %dma_wait3A_178 = tpu.memref_slice %arg5[%add3A, %scan3A_125, %dma_wait3A_176, %dma_wait3A_177] : memref<32x125x2x80xi32, #tpu.memory_space<hbm>> -> memref<1x1x2x80xi32, #tpu.memory_space<hbm>>
        %dma_wait3A_179 = tpu.memref_squeeze %dma_wait3A_178 : memref<1x1x2x80xi32, #tpu.memory_space<hbm>> -> memref<2x80xi32, #tpu.memory_space<hbm>>
        %dma_wait3A_180 = arith.constant 0 : i32
        %dma_wait3A_181 = arith.constant 0 : i32
        %dma_wait3A_182 = tpu.memref_slice %arg5[%add3A, %scan3A_125, %dma_wait3A_180, %dma_wait3A_181] : memref<32x125x2x80xi32, #tpu.memory_space<hbm>> -> memref<1x1x2x80xi32, #tpu.memory_space<hbm>>
        %dma_wait3A_183 = tpu.memref_squeeze %dma_wait3A_182 : memref<1x1x2x80xi32, #tpu.memory_space<hbm>> -> memref<2x80xi32, #tpu.memory_space<hbm>>
        tpu.wait_dma2 semaphore(%run_scoped3A_167 : memref<!tpu.dma_semaphore, #tpu.memory_space<semaphore_mem>>) src(%dma_wait3A_183 : memref<2x80xi32, #tpu.memory_space<hbm>>) dst(%arg8 : memref<2x80xi32, #tpu.memory_space<vmem>>)
        tpu.yield
      }) : () -> ()
      %run_scoped3A = arith.constant 0 : i32
      "tpu.region"() ({
        %run_scoped3A_167 = tpu.sem_alloc : memref<!tpu.dma_semaphore, #tpu.memory_space<semaphore_mem>>
        %dma_start3A_168 = arith.constant 0 : i32
        %dma_start3A_169 = tpu.memref_slice %arg6[%add3A, %scan3A_125, %run_scoped3A, %dma_start3A_168] : memref<32x125x1x80xi32, #tpu.memory_space<hbm>> -> memref<1x1x1x80xi32, #tpu.memory_space<hbm>>
        %dma_start3A_170 = tpu.memref_squeeze %dma_start3A_169 : memref<1x1x1x80xi32, #tpu.memory_space<hbm>> -> memref<80xi32, #tpu.memory_space<hbm>>
        %dma_start3A_171 = arith.constant 0 : i32
        %dma_start3A_172 = tpu.memref_slice %arg6[%add3A, %scan3A_125, %run_scoped3A, %dma_start3A_171] : memref<32x125x1x80xi32, #tpu.memory_space<hbm>> -> memref<1x1x1x80xi32, #tpu.memory_space<hbm>>
        %dma_start3A_173 = tpu.memref_squeeze %dma_start3A_172 : memref<1x1x1x80xi32, #tpu.memory_space<hbm>> -> memref<80xi32, #tpu.memory_space<hbm>>
        tpu.enqueue_dma source(%dma_start3A_173 : memref<80xi32, #tpu.memory_space<hbm>>) target(%arg9 : memref<80xi32, #tpu.memory_space<vmem>>) target_semaphore(%run_scoped3A_167 : memref<!tpu.dma_semaphore, #tpu.memory_space<semaphore_mem>>)
        %dma_wait3A_174 = arith.constant 0 : i32
        %dma_wait3A_175 = tpu.memref_slice %arg6[%add3A, %scan3A_125, %run_scoped3A, %dma_wait3A_174] : memref<32x125x1x80xi32, #tpu.memory_space<hbm>> -> memref<1x1x1x80xi32, #tpu.memory_space<hbm>>
        %dma_wait3A_176 = tpu.memref_squeeze %dma_wait3A_175 : memref<1x1x1x80xi32, #tpu.memory_space<hbm>> -> memref<80xi32, #tpu.memory_space<hbm>>
        %dma_wait3A_177 = arith.constant 0 : i32
        %dma_wait3A_178 = tpu.memref_slice %arg6[%add3A, %scan3A_125, %run_scoped3A, %dma_wait3A_177] : memref<32x125x1x80xi32, #tpu.memory_space<hbm>> -> memref<1x1x1x80xi32, #tpu.memory_space<hbm>>
        %dma_wait3A_179 = tpu.memref_squeeze %dma_wait3A_178 : memref<1x1x1x80xi32, #tpu.memory_space<hbm>> -> memref<80xi32, #tpu.memory_space<hbm>>
        tpu.wait_dma2 semaphore(%run_scoped3A_167 : memref<!tpu.dma_semaphore, #tpu.memory_space<semaphore_mem>>) src(%dma_wait3A_179 : memref<80xi32, #tpu.memory_space<hbm>>) dst(%arg9 : memref<80xi32, #tpu.memory_space<vmem>>)
        tpu.yield
      }) : () -> ()
      %dma_start3A = arith.constant 0 : i32
      %dma_start3A_127 = arith.constant 0 : i32
      %dma_start3A_128 = tpu.memref_slice %arg8[%dma_start3A, %dma_start3A_127] : memref<2x80xi32, #tpu.memory_space<vmem>> -> memref<1x80xi32, #tpu.memory_space<vmem>>
      %dma_start3A_129 = tpu.memref_squeeze %dma_start3A_128 : memref<1x80xi32, #tpu.memory_space<vmem>> -> memref<80xi32, #tpu.memory_space<vmem>>
      %dma_start3A_130 = arith.constant 0 : i32
      %dma_start3A_131 = arith.constant 0 : i32
      %dma_start3A_132 = tpu.memref_slice %arg2[%dma_start3A_130, %dma_start3A_131] : memref<40000x128xf32, #tpu.memory_space<hbm>> -> memref<40000x128xf32, #tpu.memory_space<hbm>>
      tpu.enqueue_indirect_dma source(%dma_start3A_132 : memref<40000x128xf32, #tpu.memory_space<hbm>>) target(%arg10 : memref<80x128xf32, #tpu.memory_space<vmem>>) offsets(%dma_start3A_129 : memref<80xi32, #tpu.memory_space<vmem>>) semaphore(%arg15 : memref<!tpu.dma_semaphore, #tpu.memory_space<semaphore_mem>>)
      %dma_start3A_133 = arith.constant 1 : i32
      %dma_start3A_134 = arith.constant 0 : i32
      %dma_start3A_135 = tpu.memref_slice %arg8[%dma_start3A_133, %dma_start3A_134] : memref<2x80xi32, #tpu.memory_space<vmem>> -> memref<1x80xi32, #tpu.memory_space<vmem>>
      %dma_start3A_136 = tpu.memref_squeeze %dma_start3A_135 : memref<1x80xi32, #tpu.memory_space<vmem>> -> memref<80xi32, #tpu.memory_space<vmem>>
      %dma_start3A_137 = arith.constant 0 : i32
      %dma_start3A_138 = arith.constant 0 : i32
      %dma_start3A_139 = tpu.memref_slice %arg3[%dma_start3A_137, %dma_start3A_138] : memref<3072x128xf32, #tpu.memory_space<hbm>> -> memref<3072x128xf32, #tpu.memory_space<hbm>>
      tpu.enqueue_indirect_dma source(%dma_start3A_139 : memref<3072x128xf32, #tpu.memory_space<hbm>>) target(%arg11 : memref<80x128xf32, #tpu.memory_space<vmem>>) offsets(%dma_start3A_136 : memref<80xi32, #tpu.memory_space<vmem>>) semaphore(%arg16 : memref<!tpu.dma_semaphore, #tpu.memory_space<semaphore_mem>>)
      %dma_start3A_140 = arith.constant 0 : i32
      %dma_start3A_141 = arith.constant 0 : i32
      %dma_start3A_142 = tpu.memref_slice %arg4[%dma_start3A_140, %dma_start3A_141] : memref<10000x128xf32, #tpu.memory_space<hbm>> -> memref<10000x128xf32, #tpu.memory_space<hbm>>
      tpu.enqueue_indirect_dma source(%dma_start3A_142 : memref<10000x128xf32, #tpu.memory_space<hbm>>) target(%arg12 : memref<80x128xf32, #tpu.memory_space<vmem>>) offsets(%arg9 : memref<80xi32, #tpu.memory_space<vmem>>) semaphore(%arg17 : memref<!tpu.dma_semaphore, #tpu.memory_space<semaphore_mem>>)
      %dma_wait3A = arith.constant 0 : i32
      %dma_wait3A_143 = arith.constant 0 : i32
      %dma_wait3A_144 = tpu.memref_slice %arg8[%dma_wait3A, %dma_wait3A_143] : memref<2x80xi32, #tpu.memory_space<vmem>> -> memref<1x80xi32, #tpu.memory_space<vmem>>
      %dma_wait3A_145 = tpu.memref_squeeze %dma_wait3A_144 : memref<1x80xi32, #tpu.memory_space<vmem>> -> memref<80xi32, #tpu.memory_space<vmem>>
      %dma_wait3A_146 = arith.constant 0 : i32
      %dma_wait3A_147 = arith.constant 0 : i32
      %dma_wait3A_148 = tpu.memref_slice %arg2[%dma_wait3A_146, %dma_wait3A_147] : memref<40000x128xf32, #tpu.memory_space<hbm>> -> memref<40000x128xf32, #tpu.memory_space<hbm>>
      tpu.wait_indirect_dma semaphore(%arg15 : memref<!tpu.dma_semaphore, #tpu.memory_space<semaphore_mem>>) src(%dma_wait3A_148 : memref<40000x128xf32, #tpu.memory_space<hbm>>) dst(%arg10 : memref<80x128xf32, #tpu.memory_space<vmem>>)
      %dma_wait3A_149 = arith.constant 1 : i32
      %dma_wait3A_150 = arith.constant 0 : i32
      %dma_wait3A_151 = tpu.memref_slice %arg8[%dma_wait3A_149, %dma_wait3A_150] : memref<2x80xi32, #tpu.memory_space<vmem>> -> memref<1x80xi32, #tpu.memory_space<vmem>>
      %dma_wait3A_152 = tpu.memref_squeeze %dma_wait3A_151 : memref<1x80xi32, #tpu.memory_space<vmem>> -> memref<80xi32, #tpu.memory_space<vmem>>
      %dma_wait3A_153 = arith.constant 0 : i32
      %dma_wait3A_154 = arith.constant 0 : i32
      %dma_wait3A_155 = tpu.memref_slice %arg3[%dma_wait3A_153, %dma_wait3A_154] : memref<3072x128xf32, #tpu.memory_space<hbm>> -> memref<3072x128xf32, #tpu.memory_space<hbm>>
      tpu.wait_indirect_dma semaphore(%arg16 : memref<!tpu.dma_semaphore, #tpu.memory_space<semaphore_mem>>) src(%dma_wait3A_155 : memref<3072x128xf32, #tpu.memory_space<hbm>>) dst(%arg11 : memref<80x128xf32, #tpu.memory_space<vmem>>)
      %dma_wait3A_156 = arith.constant 0 : i32
      %dma_wait3A_157 = arith.constant 0 : i32
      %dma_wait3A_158 = tpu.memref_slice %arg4[%dma_wait3A_156, %dma_wait3A_157] : memref<10000x128xf32, #tpu.memory_space<hbm>> -> memref<10000x128xf32, #tpu.memory_space<hbm>>
      tpu.wait_indirect_dma semaphore(%arg17 : memref<!tpu.dma_semaphore, #tpu.memory_space<semaphore_mem>>) src(%dma_wait3A_158 : memref<10000x128xf32, #tpu.memory_space<hbm>>) dst(%arg12 : memref<80x128xf32, #tpu.memory_space<vmem>>)
      %iota3A = tpu.iota {dimensions = array<i32: 0>} : vector<16xi32>
      %scan3A_159 = arith.constant 0 : i32
      %scan3A_160 = arith.constant 0 : i32
      %scan3A_161 = arith.constant 80 : i32
      %scan3A_162 = arith.addi %scan3A_160, %scan3A_161 : i32
      %scan3A_163 = arith.constant 1 : i32
      %scan3A_164 = scf.for %scan3A_167 = %scan3A_160 to %scan3A_162 step %scan3A_163 iter_args(%scan3A_168 = %scan3A_159) -> (i32)  : i32 {
        %broadcast_in_dim3A_169 = arith.constant 0.000000e+00 : f32
        %broadcast_in_dim3A_170 = vector.broadcast %broadcast_in_dim3A_169 : f32 to vector<16xf32>
        %get3A = arith.index_cast %scan3A_167 : i32 to index
        %get3A_171 = arith.constant 0 : index
        %get3A_172 = tpu.vector_load %arg10[%get3A, %get3A_171] {strides = array<i32>} : memref<80x128xf32, #tpu.memory_space<vmem>>, vector<16xf32>,
        %get3A_173 = arith.index_cast %scan3A_167 : i32 to index
        %get3A_174 = arith.constant 0 : index
        %get3A_175 = tpu.vector_load %arg11[%get3A_173, %get3A_174] {strides = array<i32>} : memref<80x128xf32, #tpu.memory_space<vmem>>, vector<16xf32>,
        %add3A_176 = arith.addf %get3A_172, %get3A_175 : vector<16xf32>
        %get3A_177 = arith.index_cast %scan3A_167 : i32 to index
        %get3A_178 = arith.constant 0 : index
        %get3A_179 = tpu.vector_load %arg12[%get3A_177, %get3A_178] {strides = array<i32>} : memref<80x128xf32, #tpu.memory_space<vmem>>, vector<16xf32>,
        %mul3A_180 = arith.mulf %add3A_176, %get3A_179 : vector<16xf32>
        %reduce_sum3A = arith.constant true
        %reduce_sum3A_181 = vector.broadcast %reduce_sum3A : i1 to vector<16xi1>
        %reduce_sum3A_182 = tpu.scan <sum>, %mul3A_180 masked %reduce_sum3A_181 : vector<16xf32>, vector<16xi1> -> vector<16xf32>
        %reduce_sum3A_183 = vector.extract %reduce_sum3A_182[15] : f32 from vector<16xf32>
        %broadcast_in_dim3A_184 = vector.broadcast %reduce_sum3A_183 : f32 to vector<16xf32>
        %exp3A = math.exp %broadcast_in_dim3A_184 : vector<16xf32>
        %get3A_185 = arith.index_cast %scan3A_167 : i32 to index
        %get3A_186 = arith.constant 64 : index
        %get3A_187 = tpu.vector_load %arg10[%get3A_185, %get3A_186] {strides = array<i32>} : memref<80x128xf32, #tpu.memory_space<vmem>>, vector<16xf32>,
        %get3A_188 = arith.index_cast %scan3A_167 : i32 to index
        %get3A_189 = arith.constant 64 : index
        %get3A_190 = tpu.vector_load %arg11[%get3A_188, %get3A_189] {strides = array<i32>} : memref<80x128xf32, #tpu.memory_space<vmem>>, vector<16xf32>,
        %add3A_191 = arith.addf %get3A_187, %get3A_190 : vector<16xf32>
        %mul3A_192 = arith.mulf %add3A_191, %exp3A : vector<16xf32>
        %swap3A = arith.index_cast %scan3A_167 : i32 to index
        %swap3A_193 = arith.constant 0 : index
        %swap3A_194 = tpu.vector_load %arg13[%swap3A, %swap3A_193] {strides = array<i32>} : memref<80x128xf32, #tpu.memory_space<vmem>>, vector<16xf32>,
        tpu.vector_store %arg13[%swap3A, %swap3A_193], %mul3A_192 {strides = array<i32>} : memref<80x128xf32, #tpu.memory_space<vmem>>, vector<16xf32>,
        %eq3A = arith.constant 0 : i32
        %eq3A_195 = vector.broadcast %eq3A : i32 to vector<16xi32>
        %eq3A_196 = arith.cmpi eq, %iota3A, %eq3A_195 : vector<16xi32>
        %jit3A = arith.constant 1.000000e+00 : f32
        %jit3A_197 = arith.constant 0.000000e+00 : f32
        %broadcast_in_dim3A_198 = vector.broadcast %jit3A : f32 to vector<16xf32>
        %broadcast_in_dim3A_199 = vector.broadcast %jit3A_197 : f32 to vector<16xf32>
        %select_n3A = arith.select %eq3A_196, %broadcast_in_dim3A_198, %broadcast_in_dim3A_199 : vector<16xi1>, vector<16xf32>
        %mul3A_200 = arith.mulf %select_n3A, %exp3A : vector<16xf32>
        %add3A_201 = arith.addf %broadcast_in_dim3A_170, %mul3A_200 : vector<16xf32>
        %get3A_202 = arith.index_cast %scan3A_167 : i32 to index
        %get3A_203 = arith.constant 16 : index
        %get3A_204 = tpu.vector_load %arg10[%get3A_202, %get3A_203] {strides = array<i32>} : memref<80x128xf32, #tpu.memory_space<vmem>>, vector<16xf32>,
        %get3A_205 = arith.index_cast %scan3A_167 : i32 to index
        %get3A_206 = arith.constant 16 : index
        %get3A_207 = tpu.vector_load %arg11[%get3A_205, %get3A_206] {strides = array<i32>} : memref<80x128xf32, #tpu.memory_space<vmem>>, vector<16xf32>,
        %add3A_208 = arith.addf %get3A_204, %get3A_207 : vector<16xf32>
        %get3A_209 = arith.index_cast %scan3A_167 : i32 to index
        %get3A_210 = arith.constant 16 : index
        %get3A_211 = tpu.vector_load %arg12[%get3A_209, %get3A_210] {strides = array<i32>} : memref<80x128xf32, #tpu.memory_space<vmem>>, vector<16xf32>,
        %mul3A_212 = arith.mulf %add3A_208, %get3A_211 : vector<16xf32>
        %reduce_sum3A_213 = arith.constant true
        %reduce_sum3A_214 = vector.broadcast %reduce_sum3A_213 : i1 to vector<16xi1>
        %reduce_sum3A_215 = tpu.scan <sum>, %mul3A_212 masked %reduce_sum3A_214 : vector<16xf32>, vector<16xi1> -> vector<16xf32>
        %reduce_sum3A_216 = vector.extract %reduce_sum3A_215[15] : f32 from vector<16xf32>
        %broadcast_in_dim3A_217 = vector.broadcast %reduce_sum3A_216 : f32 to vector<16xf32>
        %exp3A_218 = math.exp %broadcast_in_dim3A_217 : vector<16xf32>
        %get3A_219 = arith.index_cast %scan3A_167 : i32 to index
        %get3A_220 = arith.constant 80 : index
        %get3A_221 = tpu.vector_load %arg10[%get3A_219, %get3A_220] {strides = array<i32>} : memref<80x128xf32, #tpu.memory_space<vmem>>, vector<16xf32>,
        %get3A_222 = arith.index_cast %scan3A_167 : i32 to index
        %get3A_223 = arith.constant 80 : index
        %get3A_224 = tpu.vector_load %arg11[%get3A_222, %get3A_223] {strides = array<i32>} : memref<80x128xf32, #tpu.memory_space<vmem>>, vector<16xf32>,
        %add3A_225 = arith.addf %get3A_221, %get3A_224 : vector<16xf32>
        %mul3A_226 = arith.mulf %add3A_225, %exp3A_218 : vector<16xf32>
        %swap3A_227 = arith.index_cast %scan3A_167 : i32 to index
        %swap3A_228 = arith.constant 16 : index
        %swap3A_229 = tpu.vector_load %arg13[%swap3A_227, %swap3A_228] {strides = array<i32>} : memref<80x128xf32, #tpu.memory_space<vmem>>, vector<16xf32>,
        tpu.vector_store %arg13[%swap3A_227, %swap3A_228], %mul3A_226 {strides = array<i32>} : memref<80x128xf32, #tpu.memory_space<vmem>>, vector<16xf32>,
        %eq3A_230 = arith.constant 1 : i32
        %eq3A_231 = vector.broadcast %eq3A_230 : i32 to vector<16xi32>
        %eq3A_232 = arith.cmpi eq, %iota3A, %eq3A_231 : vector<16xi32>
        %jit3A_233 = arith.constant 1.000000e+00 : f32
        %jit3A_234 = arith.constant 0.000000e+00 : f32
        %broadcast_in_dim3A_235 = vector.broadcast %jit3A_233 : f32 to vector<16xf32>
        %broadcast_in_dim3A_236 = vector.broadcast %jit3A_234 : f32 to vector<16xf32>
        %select_n3A_237 = arith.select %eq3A_232, %broadcast_in_dim3A_235, %broadcast_in_dim3A_236 : vector<16xi1>, vector<16xf32>
        %mul3A_238 = arith.mulf %select_n3A_237, %exp3A_218 : vector<16xf32>
        %add3A_239 = arith.addf %add3A_201, %mul3A_238 : vector<16xf32>
        %get3A_240 = arith.index_cast %scan3A_167 : i32 to index
        %get3A_241 = arith.constant 32 : index
        %get3A_242 = tpu.vector_load %arg10[%get3A_240, %get3A_241] {strides = array<i32>} : memref<80x128xf32, #tpu.memory_space<vmem>>, vector<16xf32>,
        %get3A_243 = arith.index_cast %scan3A_167 : i32 to index
        %get3A_244 = arith.constant 32 : index
        %get3A_245 = tpu.vector_load %arg11[%get3A_243, %get3A_244] {strides = array<i32>} : memref<80x128xf32, #tpu.memory_space<vmem>>, vector<16xf32>,
        %add3A_246 = arith.addf %get3A_242, %get3A_245 : vector<16xf32>
        %get3A_247 = arith.index_cast %scan3A_167 : i32 to index
        %get3A_248 = arith.constant 32 : index
        %get3A_249 = tpu.vector_load %arg12[%get3A_247, %get3A_248] {strides = array<i32>} : memref<80x128xf32, #tpu.memory_space<vmem>>, vector<16xf32>,
        %mul3A_250 = arith.mulf %add3A_246, %get3A_249 : vector<16xf32>
        %reduce_sum3A_251 = arith.constant true
        %reduce_sum3A_252 = vector.broadcast %reduce_sum3A_251 : i1 to vector<16xi1>
        %reduce_sum3A_253 = tpu.scan <sum>, %mul3A_250 masked %reduce_sum3A_252 : vector<16xf32>, vector<16xi1> -> vector<16xf32>
        %reduce_sum3A_254 = vector.extract %reduce_sum3A_253[15] : f32 from vector<16xf32>
        %broadcast_in_dim3A_255 = vector.broadcast %reduce_sum3A_254 : f32 to vector<16xf32>
        %exp3A_256 = math.exp %broadcast_in_dim3A_255 : vector<16xf32>
        %get3A_257 = arith.index_cast %scan3A_167 : i32 to index
        %get3A_258 = arith.constant 96 : index
        %get3A_259 = tpu.vector_load %arg10[%get3A_257, %get3A_258] {strides = array<i32>} : memref<80x128xf32, #tpu.memory_space<vmem>>, vector<16xf32>,
        %get3A_260 = arith.index_cast %scan3A_167 : i32 to index
        %get3A_261 = arith.constant 96 : index
        %get3A_262 = tpu.vector_load %arg11[%get3A_260, %get3A_261] {strides = array<i32>} : memref<80x128xf32, #tpu.memory_space<vmem>>, vector<16xf32>,
        %add3A_263 = arith.addf %get3A_259, %get3A_262 : vector<16xf32>
        %mul3A_264 = arith.mulf %add3A_263, %exp3A_256 : vector<16xf32>
        %swap3A_265 = arith.index_cast %scan3A_167 : i32 to index
        %swap3A_266 = arith.constant 32 : index
        %swap3A_267 = tpu.vector_load %arg13[%swap3A_265, %swap3A_266] {strides = array<i32>} : memref<80x128xf32, #tpu.memory_space<vmem>>, vector<16xf32>,
        tpu.vector_store %arg13[%swap3A_265, %swap3A_266], %mul3A_264 {strides = array<i32>} : memref<80x128xf32, #tpu.memory_space<vmem>>, vector<16xf32>,
        %eq3A_268 = arith.constant 2 : i32
        %eq3A_269 = vector.broadcast %eq3A_268 : i32 to vector<16xi32>
        %eq3A_270 = arith.cmpi eq, %iota3A, %eq3A_269 : vector<16xi32>
        %jit3A_271 = arith.constant 1.000000e+00 : f32
        %jit3A_272 = arith.constant 0.000000e+00 : f32
        %broadcast_in_dim3A_273 = vector.broadcast %jit3A_271 : f32 to vector<16xf32>
        %broadcast_in_dim3A_274 = vector.broadcast %jit3A_272 : f32 to vector<16xf32>
        %select_n3A_275 = arith.select %eq3A_270, %broadcast_in_dim3A_273, %broadcast_in_dim3A_274 : vector<16xi1>, vector<16xf32>
        %mul3A_276 = arith.mulf %select_n3A_275, %exp3A_256 : vector<16xf32>
        %add3A_277 = arith.addf %add3A_239, %mul3A_276 : vector<16xf32>
        %get3A_278 = arith.index_cast %scan3A_167 : i32 to index
        %get3A_279 = arith.constant 48 : index
        %get3A_280 = tpu.vector_load %arg10[%get3A_278, %get3A_279] {strides = array<i32>} : memref<80x128xf32, #tpu.memory_space<vmem>>, vector<16xf32>,
        %get3A_281 = arith.index_cast %scan3A_167 : i32 to index
        %get3A_282 = arith.constant 48 : index
        %get3A_283 = tpu.vector_load %arg11[%get3A_281, %get3A_282] {strides = array<i32>} : memref<80x128xf32, #tpu.memory_space<vmem>>, vector<16xf32>,
        %add3A_284 = arith.addf %get3A_280, %get3A_283 : vector<16xf32>
        %get3A_285 = arith.index_cast %scan3A_167 : i32 to index
        %get3A_286 = arith.constant 48 : index
        %get3A_287 = tpu.vector_load %arg12[%get3A_285, %get3A_286] {strides = array<i32>} : memref<80x128xf32, #tpu.memory_space<vmem>>, vector<16xf32>,
        %mul3A_288 = arith.mulf %add3A_284, %get3A_287 : vector<16xf32>
        %reduce_sum3A_289 = arith.constant true
        %reduce_sum3A_290 = vector.broadcast %reduce_sum3A_289 : i1 to vector<16xi1>
        %reduce_sum3A_291 = tpu.scan <sum>, %mul3A_288 masked %reduce_sum3A_290 : vector<16xf32>, vector<16xi1> -> vector<16xf32>
        %reduce_sum3A_292 = vector.extract %reduce_sum3A_291[15] : f32 from vector<16xf32>
        %broadcast_in_dim3A_293 = vector.broadcast %reduce_sum3A_292 : f32 to vector<16xf32>
        %exp3A_294 = math.exp %broadcast_in_dim3A_293 : vector<16xf32>
        %get3A_295 = arith.index_cast %scan3A_167 : i32 to index
        %get3A_296 = arith.constant 112 : index
        %get3A_297 = tpu.vector_load %arg10[%get3A_295, %get3A_296] {strides = array<i32>} : memref<80x128xf32, #tpu.memory_space<vmem>>, vector<16xf32>,
        %get3A_298 = arith.index_cast %scan3A_167 : i32 to index
        %get3A_299 = arith.constant 112 : index
        %get3A_300 = tpu.vector_load %arg11[%get3A_298, %get3A_299] {strides = array<i32>} : memref<80x128xf32, #tpu.memory_space<vmem>>, vector<16xf32>,
        %add3A_301 = arith.addf %get3A_297, %get3A_300 : vector<16xf32>
        %mul3A_302 = arith.mulf %add3A_301, %exp3A_294 : vector<16xf32>
        %swap3A_303 = arith.index_cast %scan3A_167 : i32 to index
        %swap3A_304 = arith.constant 48 : index
        %swap3A_305 = tpu.vector_load %arg13[%swap3A_303, %swap3A_304] {strides = array<i32>} : memref<80x128xf32, #tpu.memory_space<vmem>>, vector<16xf32>,
        tpu.vector_store %arg13[%swap3A_303, %swap3A_304], %mul3A_302 {strides = array<i32>} : memref<80x128xf32, #tpu.memory_space<vmem>>, vector<16xf32>,
        %eq3A_306 = arith.constant 3 : i32
        %eq3A_307 = vector.broadcast %eq3A_306 : i32 to vector<16xi32>
        %eq3A_308 = arith.cmpi eq, %iota3A, %eq3A_307 : vector<16xi32>
        %jit3A_309 = arith.constant 1.000000e+00 : f32
        %jit3A_310 = arith.constant 0.000000e+00 : f32
        %broadcast_in_dim3A_311 = vector.broadcast %jit3A_309 : f32 to vector<16xf32>
        %broadcast_in_dim3A_312 = vector.broadcast %jit3A_310 : f32 to vector<16xf32>
        %select_n3A_313 = arith.select %eq3A_308, %broadcast_in_dim3A_311, %broadcast_in_dim3A_312 : vector<16xi1>, vector<16xf32>
        %mul3A_314 = arith.mulf %select_n3A_313, %exp3A_294 : vector<16xf32>
        %add3A_315 = arith.addf %add3A_277, %mul3A_314 : vector<16xf32>
        %swap3A_316 = arith.index_cast %scan3A_167 : i32 to index
        %swap3A_317 = arith.constant 64 : index
        %swap3A_318 = tpu.vector_load %arg13[%swap3A_316, %swap3A_317] {strides = array<i32>} : memref<80x128xf32, #tpu.memory_space<vmem>>, vector<16xf32>,
        tpu.vector_store %arg13[%swap3A_316, %swap3A_317], %add3A_315 {strides = array<i32>} : memref<80x128xf32, #tpu.memory_space<vmem>>, vector<16xf32>,
        %scan3A_319 = arith.constant 0 : i32
        scf.yield %scan3A_319 : i32
      }
      %scan3A_165 = arith.constant 80 : i32
      "tpu.region"() ({
        %run_scoped3A_167 = tpu.sem_alloc : memref<!tpu.dma_semaphore, #tpu.memory_space<semaphore_mem>>
        %dma_start3A_168 = arith.constant 0 : i32
        %dma_start3A_169 = arith.constant 0 : i32
        %dma_start3A_170 = tpu.memref_slice %arg14[%dma_start3A_168, %dma_start3A_169] : memref<10000x128xf32, #tpu.memory_space<vmem_shared>> -> memref<10000x128xf32, #tpu.memory_space<vmem_shared>>
        tpu.enqueue_indirect_dma source(%arg13 : memref<80x128xf32, #tpu.memory_space<vmem>>) target(%dma_start3A_170 : memref<10000x128xf32, #tpu.memory_space<vmem_shared>>) offsets(%arg9 : memref<80xi32, #tpu.memory_space<vmem>>) semaphore(%run_scoped3A_167 : memref<!tpu.dma_semaphore, #tpu.memory_space<semaphore_mem>>) {add = true}
        %dma_wait3A_171 = arith.constant 0 : i32
        %dma_wait3A_172 = arith.constant 0 : i32
        %dma_wait3A_173 = tpu.memref_slice %arg14[%dma_wait3A_171, %dma_wait3A_172] : memref<10000x128xf32, #tpu.memory_space<vmem_shared>> -> memref<10000x128xf32, #tpu.memory_space<vmem_shared>>
        tpu.wait_indirect_dma semaphore(%run_scoped3A_167 : memref<!tpu.dma_semaphore, #tpu.memory_space<semaphore_mem>>) src(%arg13 : memref<80x128xf32, #tpu.memory_space<vmem>>) dst(%dma_wait3A_173 : memref<10000x128xf32, #tpu.memory_space<vmem_shared>>)
        tpu.yield
      }) : () -> ()
      %scan3A_166 = arith.constant 0 : i32
      scf.yield %scan3A_166 : i32
    }
    %scan3A_67 = arith.constant 125 : i32
    %barrier3A_68 = arith.constant 0 : index
    tpu.barrier barrier_id(%barrier3A_68)
    %add3A_69 = arith.constant 0 : i32
    %add3A_70 = arith.addi %arg1, %add3A_69 : i32
    %lt3A_71 = arith.constant 125 : i32
    %lt3A_72 = arith.cmpi slt, %add3A_70, %lt3A_71 : i32
    %convert_element_type3A_73 = arith.extui %lt3A_72 : i1 to i32
    %cond3A_74 = arith.constant 0 : i32
    %cond3A_75 = arith.cmpi ne, %convert_element_type3A_73, %cond3A_74 : i32
    scf.if %cond3A_75 {
      %mul3A_125 = arith.constant 80 : i32
      %mul3A_126 = arith.muli %add3A_70, %mul3A_125 : i32
      %mul3A_127 = arith.constant 80 : i32
      %mul3A_128 = arith.muli %add3A_70, %mul3A_127 : i32
      "tpu.region"() ({
        %run_scoped3A = tpu.sem_alloc : memref<!tpu.dma_semaphore, #tpu.memory_space<semaphore_mem>>
        %dma_start3A = arith.constant 0 : i32
        %dma_start3A_129 = tpu.memref_slice %arg7[%arg0, %mul3A_128, %dma_start3A] : memref<2x10000x128xf32, #tpu.memory_space<hbm>> -> memref<1x80x128xf32, #tpu.memory_space<hbm>>
        %dma_start3A_130 = tpu.memref_squeeze %dma_start3A_129 : memref<1x80x128xf32, #tpu.memory_space<hbm>> -> memref<80x128xf32, #tpu.memory_space<hbm>>
        %dma_start3A_131 = arith.constant 0 : i32
        %dma_start3A_132 = tpu.memref_slice %arg14[%mul3A_126, %dma_start3A_131] : memref<10000x128xf32, #tpu.memory_space<vmem_shared>> -> memref<80x128xf32, #tpu.memory_space<vmem_shared>>
        tpu.enqueue_dma source(%dma_start3A_132 : memref<80x128xf32, #tpu.memory_space<vmem_shared>>) target(%dma_start3A_130 : memref<80x128xf32, #tpu.memory_space<hbm>>) target_semaphore(%run_scoped3A : memref<!tpu.dma_semaphore, #tpu.memory_space<semaphore_mem>>)
        %dma_wait3A = arith.constant 0 : i32
        %dma_wait3A_133 = tpu.memref_slice %arg7[%arg0, %mul3A_128, %dma_wait3A] : memref<2x10000x128xf32, #tpu.memory_space<hbm>> -> memref<1x80x128xf32, #tpu.memory_space<hbm>>
        %dma_wait3A_134 = tpu.memref_squeeze %dma_wait3A_133 : memref<1x80x128xf32, #tpu.memory_space<hbm>> -> memref<80x128xf32, #tpu.memory_space<hbm>>
        %dma_wait3A_135 = arith.constant 0 : i32
        %dma_wait3A_136 = tpu.memref_slice %arg14[%mul3A_126, %dma_wait3A_135] : memref<10000x128xf32, #tpu.memory_space<vmem_shared>> -> memref<80x128xf32, #tpu.memory_space<vmem_shared>>
        tpu.wait_dma2 semaphore(%run_scoped3A : memref<!tpu.dma_semaphore, #tpu.memory_space<semaphore_mem>>) src(%dma_wait3A_136 : memref<80x128xf32, #tpu.memory_space<vmem_shared>>) dst(%dma_wait3A_134 : memref<80x128xf32, #tpu.memory_space<hbm>>)
        tpu.yield
      }) : () -> ()
    } else {
    }
    %add3A_76 = arith.constant 16 : i32
    %add3A_77 = arith.addi %arg1, %add3A_76 : i32
    %lt3A_78 = arith.constant 125 : i32
    %lt3A_79 = arith.cmpi slt, %add3A_77, %lt3A_78 : i32
    %convert_element_type3A_80 = arith.extui %lt3A_79 : i1 to i32
    %cond3A_81 = arith.constant 0 : i32
    %cond3A_82 = arith.cmpi ne, %convert_element_type3A_80, %cond3A_81 : i32
    scf.if %cond3A_82 {
      %mul3A_125 = arith.constant 80 : i32
      %mul3A_126 = arith.muli %add3A_77, %mul3A_125 : i32
      %mul3A_127 = arith.constant 80 : i32
      %mul3A_128 = arith.muli %add3A_77, %mul3A_127 : i32
      "tpu.region"() ({
        %run_scoped3A = tpu.sem_alloc : memref<!tpu.dma_semaphore, #tpu.memory_space<semaphore_mem>>
        %dma_start3A = arith.constant 0 : i32
        %dma_start3A_129 = tpu.memref_slice %arg7[%arg0, %mul3A_128, %dma_start3A] : memref<2x10000x128xf32, #tpu.memory_space<hbm>> -> memref<1x80x128xf32, #tpu.memory_space<hbm>>
        %dma_start3A_130 = tpu.memref_squeeze %dma_start3A_129 : memref<1x80x128xf32, #tpu.memory_space<hbm>> -> memref<80x128xf32, #tpu.memory_space<hbm>>
        %dma_start3A_131 = arith.constant 0 : i32
        %dma_start3A_132 = tpu.memref_slice %arg14[%mul3A_126, %dma_start3A_131] : memref<10000x128xf32, #tpu.memory_space<vmem_shared>> -> memref<80x128xf32, #tpu.memory_space<vmem_shared>>
        tpu.enqueue_dma source(%dma_start3A_132 : memref<80x128xf32, #tpu.memory_space<vmem_shared>>) target(%dma_start3A_130 : memref<80x128xf32, #tpu.memory_space<hbm>>) target_semaphore(%run_scoped3A : memref<!tpu.dma_semaphore, #tpu.memory_space<semaphore_mem>>)
        %dma_wait3A = arith.constant 0 : i32
        %dma_wait3A_133 = tpu.memref_slice %arg7[%arg0, %mul3A_128, %dma_wait3A] : memref<2x10000x128xf32, #tpu.memory_space<hbm>> -> memref<1x80x128xf32, #tpu.memory_space<hbm>>
        %dma_wait3A_134 = tpu.memref_squeeze %dma_wait3A_133 : memref<1x80x128xf32, #tpu.memory_space<hbm>> -> memref<80x128xf32, #tpu.memory_space<hbm>>
        %dma_wait3A_135 = arith.constant 0 : i32
        %dma_wait3A_136 = tpu.memref_slice %arg14[%mul3A_126, %dma_wait3A_135] : memref<10000x128xf32, #tpu.memory_space<vmem_shared>> -> memref<80x128xf32, #tpu.memory_space<vmem_shared>>
        tpu.wait_dma2 semaphore(%run_scoped3A : memref<!tpu.dma_semaphore, #tpu.memory_space<semaphore_mem>>) src(%dma_wait3A_136 : memref<80x128xf32, #tpu.memory_space<vmem_shared>>) dst(%dma_wait3A_134 : memref<80x128xf32, #tpu.memory_space<hbm>>)
        tpu.yield
      }) : () -> ()
    } else {
    }
    %add3A_83 = arith.constant 32 : i32
    %add3A_84 = arith.addi %arg1, %add3A_83 : i32
    %lt3A_85 = arith.constant 125 : i32
    %lt3A_86 = arith.cmpi slt, %add3A_84, %lt3A_85 : i32
    %convert_element_type3A_87 = arith.extui %lt3A_86 : i1 to i32
    %cond3A_88 = arith.constant 0 : i32
    %cond3A_89 = arith.cmpi ne, %convert_element_type3A_87, %cond3A_88 : i32
    scf.if %cond3A_89 {
      %mul3A_125 = arith.constant 80 : i32
      %mul3A_126 = arith.muli %add3A_84, %mul3A_125 : i32
      %mul3A_127 = arith.constant 80 : i32
      %mul3A_128 = arith.muli %add3A_84, %mul3A_127 : i32
      "tpu.region"() ({
        %run_scoped3A = tpu.sem_alloc : memref<!tpu.dma_semaphore, #tpu.memory_space<semaphore_mem>>
        %dma_start3A = arith.constant 0 : i32
        %dma_start3A_129 = tpu.memref_slice %arg7[%arg0, %mul3A_128, %dma_start3A] : memref<2x10000x128xf32, #tpu.memory_space<hbm>> -> memref<1x80x128xf32, #tpu.memory_space<hbm>>
        %dma_start3A_130 = tpu.memref_squeeze %dma_start3A_129 : memref<1x80x128xf32, #tpu.memory_space<hbm>> -> memref<80x128xf32, #tpu.memory_space<hbm>>
        %dma_start3A_131 = arith.constant 0 : i32
        %dma_start3A_132 = tpu.memref_slice %arg14[%mul3A_126, %dma_start3A_131] : memref<10000x128xf32, #tpu.memory_space<vmem_shared>> -> memref<80x128xf32, #tpu.memory_space<vmem_shared>>
        tpu.enqueue_dma source(%dma_start3A_132 : memref<80x128xf32, #tpu.memory_space<vmem_shared>>) target(%dma_start3A_130 : memref<80x128xf32, #tpu.memory_space<hbm>>) target_semaphore(%run_scoped3A : memref<!tpu.dma_semaphore, #tpu.memory_space<semaphore_mem>>)
        %dma_wait3A = arith.constant 0 : i32
        %dma_wait3A_133 = tpu.memref_slice %arg7[%arg0, %mul3A_128, %dma_wait3A] : memref<2x10000x128xf32, #tpu.memory_space<hbm>> -> memref<1x80x128xf32, #tpu.memory_space<hbm>>
        %dma_wait3A_134 = tpu.memref_squeeze %dma_wait3A_133 : memref<1x80x128xf32, #tpu.memory_space<hbm>> -> memref<80x128xf32, #tpu.memory_space<hbm>>
        %dma_wait3A_135 = arith.constant 0 : i32
        %dma_wait3A_136 = tpu.memref_slice %arg14[%mul3A_126, %dma_wait3A_135] : memref<10000x128xf32, #tpu.memory_space<vmem_shared>> -> memref<80x128xf32, #tpu.memory_space<vmem_shared>>
        tpu.wait_dma2 semaphore(%run_scoped3A : memref<!tpu.dma_semaphore, #tpu.memory_space<semaphore_mem>>) src(%dma_wait3A_136 : memref<80x128xf32, #tpu.memory_space<vmem_shared>>) dst(%dma_wait3A_134 : memref<80x128xf32, #tpu.memory_space<hbm>>)
        tpu.yield
      }) : () -> ()
    } else {
    }
    %add3A_90 = arith.constant 48 : i32
    %add3A_91 = arith.addi %arg1, %add3A_90 : i32
    %lt3A_92 = arith.constant 125 : i32
    %lt3A_93 = arith.cmpi slt, %add3A_91, %lt3A_92 : i32
    %convert_element_type3A_94 = arith.extui %lt3A_93 : i1 to i32
    %cond3A_95 = arith.constant 0 : i32
    %cond3A_96 = arith.cmpi ne, %convert_element_type3A_94, %cond3A_95 : i32
    scf.if %cond3A_96 {
      %mul3A_125 = arith.constant 80 : i32
      %mul3A_126 = arith.muli %add3A_91, %mul3A_125 : i32
      %mul3A_127 = arith.constant 80 : i32
      %mul3A_128 = arith.muli %add3A_91, %mul3A_127 : i32
      "tpu.region"() ({
        %run_scoped3A = tpu.sem_alloc : memref<!tpu.dma_semaphore, #tpu.memory_space<semaphore_mem>>
        %dma_start3A = arith.constant 0 : i32
        %dma_start3A_129 = tpu.memref_slice %arg7[%arg0, %mul3A_128, %dma_start3A] : memref<2x10000x128xf32, #tpu.memory_space<hbm>> -> memref<1x80x128xf32, #tpu.memory_space<hbm>>
        %dma_start3A_130 = tpu.memref_squeeze %dma_start3A_129 : memref<1x80x128xf32, #tpu.memory_space<hbm>> -> memref<80x128xf32, #tpu.memory_space<hbm>>
        %dma_start3A_131 = arith.constant 0 : i32
        %dma_start3A_132 = tpu.memref_slice %arg14[%mul3A_126, %dma_start3A_131] : memref<10000x128xf32, #tpu.memory_space<vmem_shared>> -> memref<80x128xf32, #tpu.memory_space<vmem_shared>>
        tpu.enqueue_dma source(%dma_start3A_132 : memref<80x128xf32, #tpu.memory_space<vmem_shared>>) target(%dma_start3A_130 : memref<80x128xf32, #tpu.memory_space<hbm>>) target_semaphore(%run_scoped3A : memref<!tpu.dma_semaphore, #tpu.memory_space<semaphore_mem>>)
        %dma_wait3A = arith.constant 0 : i32
        %dma_wait3A_133 = tpu.memref_slice %arg7[%arg0, %mul3A_128, %dma_wait3A] : memref<2x10000x128xf32, #tpu.memory_space<hbm>> -> memref<1x80x128xf32, #tpu.memory_space<hbm>>
        %dma_wait3A_134 = tpu.memref_squeeze %dma_wait3A_133 : memref<1x80x128xf32, #tpu.memory_space<hbm>> -> memref<80x128xf32, #tpu.memory_space<hbm>>
        %dma_wait3A_135 = arith.constant 0 : i32
        %dma_wait3A_136 = tpu.memref_slice %arg14[%mul3A_126, %dma_wait3A_135] : memref<10000x128xf32, #tpu.memory_space<vmem_shared>> -> memref<80x128xf32, #tpu.memory_space<vmem_shared>>
        tpu.wait_dma2 semaphore(%run_scoped3A : memref<!tpu.dma_semaphore, #tpu.memory_space<semaphore_mem>>) src(%dma_wait3A_136 : memref<80x128xf32, #tpu.memory_space<vmem_shared>>) dst(%dma_wait3A_134 : memref<80x128xf32, #tpu.memory_space<hbm>>)
        tpu.yield
      }) : () -> ()
    } else {
    }
    %add3A_97 = arith.constant 64 : i32
    %add3A_98 = arith.addi %arg1, %add3A_97 : i32
    %lt3A_99 = arith.constant 125 : i32
    %lt3A_100 = arith.cmpi slt, %add3A_98, %lt3A_99 : i32
    %convert_element_type3A_101 = arith.extui %lt3A_100 : i1 to i32
    %cond3A_102 = arith.constant 0 : i32
    %cond3A_103 = arith.cmpi ne, %convert_element_type3A_101, %cond3A_102 : i32
    scf.if %cond3A_103 {
      %mul3A_125 = arith.constant 80 : i32
      %mul3A_126 = arith.muli %add3A_98, %mul3A_125 : i32
      %mul3A_127 = arith.constant 80 : i32
      %mul3A_128 = arith.muli %add3A_98, %mul3A_127 : i32
      "tpu.region"() ({
        %run_scoped3A = tpu.sem_alloc : memref<!tpu.dma_semaphore, #tpu.memory_space<semaphore_mem>>
        %dma_start3A = arith.constant 0 : i32
        %dma_start3A_129 = tpu.memref_slice %arg7[%arg0, %mul3A_128, %dma_start3A] : memref<2x10000x128xf32, #tpu.memory_space<hbm>> -> memref<1x80x128xf32, #tpu.memory_space<hbm>>
        %dma_start3A_130 = tpu.memref_squeeze %dma_start3A_129 : memref<1x80x128xf32, #tpu.memory_space<hbm>> -> memref<80x128xf32, #tpu.memory_space<hbm>>
        %dma_start3A_131 = arith.constant 0 : i32
        %dma_start3A_132 = tpu.memref_slice %arg14[%mul3A_126, %dma_start3A_131] : memref<10000x128xf32, #tpu.memory_space<vmem_shared>> -> memref<80x128xf32, #tpu.memory_space<vmem_shared>>
        tpu.enqueue_dma source(%dma_start3A_132 : memref<80x128xf32, #tpu.memory_space<vmem_shared>>) target(%dma_start3A_130 : memref<80x128xf32, #tpu.memory_space<hbm>>) target_semaphore(%run_scoped3A : memref<!tpu.dma_semaphore, #tpu.memory_space<semaphore_mem>>)
        %dma_wait3A = arith.constant 0 : i32
        %dma_wait3A_133 = tpu.memref_slice %arg7[%arg0, %mul3A_128, %dma_wait3A] : memref<2x10000x128xf32, #tpu.memory_space<hbm>> -> memref<1x80x128xf32, #tpu.memory_space<hbm>>
        %dma_wait3A_134 = tpu.memref_squeeze %dma_wait3A_133 : memref<1x80x128xf32, #tpu.memory_space<hbm>> -> memref<80x128xf32, #tpu.memory_space<hbm>>
        %dma_wait3A_135 = arith.constant 0 : i32
        %dma_wait3A_136 = tpu.memref_slice %arg14[%mul3A_126, %dma_wait3A_135] : memref<10000x128xf32, #tpu.memory_space<vmem_shared>> -> memref<80x128xf32, #tpu.memory_space<vmem_shared>>
        tpu.wait_dma2 semaphore(%run_scoped3A : memref<!tpu.dma_semaphore, #tpu.memory_space<semaphore_mem>>) src(%dma_wait3A_136 : memref<80x128xf32, #tpu.memory_space<vmem_shared>>) dst(%dma_wait3A_134 : memref<80x128xf32, #tpu.memory_space<hbm>>)
        tpu.yield
      }) : () -> ()
    } else {
    }
    %add3A_104 = arith.constant 80 : i32
    %add3A_105 = arith.addi %arg1, %add3A_104 : i32
    %lt3A_106 = arith.constant 125 : i32
    %lt3A_107 = arith.cmpi slt, %add3A_105, %lt3A_106 : i32
    %convert_element_type3A_108 = arith.extui %lt3A_107 : i1 to i32
    %cond3A_109 = arith.constant 0 : i32
    %cond3A_110 = arith.cmpi ne, %convert_element_type3A_108, %cond3A_109 : i32
    scf.if %cond3A_110 {
      %mul3A_125 = arith.constant 80 : i32
      %mul3A_126 = arith.muli %add3A_105, %mul3A_125 : i32
      %mul3A_127 = arith.constant 80 : i32
      %mul3A_128 = arith.muli %add3A_105, %mul3A_127 : i32
      "tpu.region"() ({
        %run_scoped3A = tpu.sem_alloc : memref<!tpu.dma_semaphore, #tpu.memory_space<semaphore_mem>>
        %dma_start3A = arith.constant 0 : i32
        %dma_start3A_129 = tpu.memref_slice %arg7[%arg0, %mul3A_128, %dma_start3A] : memref<2x10000x128xf32, #tpu.memory_space<hbm>> -> memref<1x80x128xf32, #tpu.memory_space<hbm>>
        %dma_start3A_130 = tpu.memref_squeeze %dma_start3A_129 : memref<1x80x128xf32, #tpu.memory_space<hbm>> -> memref<80x128xf32, #tpu.memory_space<hbm>>
        %dma_start3A_131 = arith.constant 0 : i32
        %dma_start3A_132 = tpu.memref_slice %arg14[%mul3A_126, %dma_start3A_131] : memref<10000x128xf32, #tpu.memory_space<vmem_shared>> -> memref<80x128xf32, #tpu.memory_space<vmem_shared>>
        tpu.enqueue_dma source(%dma_start3A_132 : memref<80x128xf32, #tpu.memory_space<vmem_shared>>) target(%dma_start3A_130 : memref<80x128xf32, #tpu.memory_space<hbm>>) target_semaphore(%run_scoped3A : memref<!tpu.dma_semaphore, #tpu.memory_space<semaphore_mem>>)
        %dma_wait3A = arith.constant 0 : i32
        %dma_wait3A_133 = tpu.memref_slice %arg7[%arg0, %mul3A_128, %dma_wait3A] : memref<2x10000x128xf32, #tpu.memory_space<hbm>> -> memref<1x80x128xf32, #tpu.memory_space<hbm>>
        %dma_wait3A_134 = tpu.memref_squeeze %dma_wait3A_133 : memref<1x80x128xf32, #tpu.memory_space<hbm>> -> memref<80x128xf32, #tpu.memory_space<hbm>>
        %dma_wait3A_135 = arith.constant 0 : i32
        %dma_wait3A_136 = tpu.memref_slice %arg14[%mul3A_126, %dma_wait3A_135] : memref<10000x128xf32, #tpu.memory_space<vmem_shared>> -> memref<80x128xf32, #tpu.memory_space<vmem_shared>>
        tpu.wait_dma2 semaphore(%run_scoped3A : memref<!tpu.dma_semaphore, #tpu.memory_space<semaphore_mem>>) src(%dma_wait3A_136 : memref<80x128xf32, #tpu.memory_space<vmem_shared>>) dst(%dma_wait3A_134 : memref<80x128xf32, #tpu.memory_space<hbm>>)
        tpu.yield
      }) : () -> ()
    } else {
    }
    %add3A_111 = arith.constant 96 : i32
    %add3A_112 = arith.addi %arg1, %add3A_111 : i32
    %lt3A_113 = arith.constant 125 : i32
    %lt3A_114 = arith.cmpi slt, %add3A_112, %lt3A_113 : i32
    %convert_element_type3A_115 = arith.extui %lt3A_114 : i1 to i32
    %cond3A_116 = arith.constant 0 : i32
    %cond3A_117 = arith.cmpi ne, %convert_element_type3A_115, %cond3A_116 : i32
    scf.if %cond3A_117 {
      %mul3A_125 = arith.constant 80 : i32
      %mul3A_126 = arith.muli %add3A_112, %mul3A_125 : i32
      %mul3A_127 = arith.constant 80 : i32
      %mul3A_128 = arith.muli %add3A_112, %mul3A_127 : i32
      "tpu.region"() ({
        %run_scoped3A = tpu.sem_alloc : memref<!tpu.dma_semaphore, #tpu.memory_space<semaphore_mem>>
        %dma_start3A = arith.constant 0 : i32
        %dma_start3A_129 = tpu.memref_slice %arg7[%arg0, %mul3A_128, %dma_start3A] : memref<2x10000x128xf32, #tpu.memory_space<hbm>> -> memref<1x80x128xf32, #tpu.memory_space<hbm>>
        %dma_start3A_130 = tpu.memref_squeeze %dma_start3A_129 : memref<1x80x128xf32, #tpu.memory_space<hbm>> -> memref<80x128xf32, #tpu.memory_space<hbm>>
        %dma_start3A_131 = arith.constant 0 : i32
        %dma_start3A_132 = tpu.memref_slice %arg14[%mul3A_126, %dma_start3A_131] : memref<10000x128xf32, #tpu.memory_space<vmem_shared>> -> memref<80x128xf32, #tpu.memory_space<vmem_shared>>
        tpu.enqueue_dma source(%dma_start3A_132 : memref<80x128xf32, #tpu.memory_space<vmem_shared>>) target(%dma_start3A_130 : memref<80x128xf32, #tpu.memory_space<hbm>>) target_semaphore(%run_scoped3A : memref<!tpu.dma_semaphore, #tpu.memory_space<semaphore_mem>>)
        %dma_wait3A = arith.constant 0 : i32
        %dma_wait3A_133 = tpu.memref_slice %arg7[%arg0, %mul3A_128, %dma_wait3A] : memref<2x10000x128xf32, #tpu.memory_space<hbm>> -> memref<1x80x128xf32, #tpu.memory_space<hbm>>
        %dma_wait3A_134 = tpu.memref_squeeze %dma_wait3A_133 : memref<1x80x128xf32, #tpu.memory_space<hbm>> -> memref<80x128xf32, #tpu.memory_space<hbm>>
        %dma_wait3A_135 = arith.constant 0 : i32
        %dma_wait3A_136 = tpu.memref_slice %arg14[%mul3A_126, %dma_wait3A_135] : memref<10000x128xf32, #tpu.memory_space<vmem_shared>> -> memref<80x128xf32, #tpu.memory_space<vmem_shared>>
        tpu.wait_dma2 semaphore(%run_scoped3A : memref<!tpu.dma_semaphore, #tpu.memory_space<semaphore_mem>>) src(%dma_wait3A_136 : memref<80x128xf32, #tpu.memory_space<vmem_shared>>) dst(%dma_wait3A_134 : memref<80x128xf32, #tpu.memory_space<hbm>>)
        tpu.yield
      }) : () -> ()
    } else {
    }
    %add3A_118 = arith.constant 112 : i32
    %add3A_119 = arith.addi %arg1, %add3A_118 : i32
    %lt3A_120 = arith.constant 125 : i32
    %lt3A_121 = arith.cmpi slt, %add3A_119, %lt3A_120 : i32
    %convert_element_type3A_122 = arith.extui %lt3A_121 : i1 to i32
    %cond3A_123 = arith.constant 0 : i32
    %cond3A_124 = arith.cmpi ne, %convert_element_type3A_122, %cond3A_123 : i32
    scf.if %cond3A_124 {
      %mul3A_125 = arith.constant 80 : i32
      %mul3A_126 = arith.muli %add3A_119, %mul3A_125 : i32
      %mul3A_127 = arith.constant 80 : i32
      %mul3A_128 = arith.muli %add3A_119, %mul3A_127 : i32
      "tpu.region"() ({
        %run_scoped3A = tpu.sem_alloc : memref<!tpu.dma_semaphore, #tpu.memory_space<semaphore_mem>>
        %dma_start3A = arith.constant 0 : i32
        %dma_start3A_129 = tpu.memref_slice %arg7[%arg0, %mul3A_128, %dma_start3A] : memref<2x10000x128xf32, #tpu.memory_space<hbm>> -> memref<1x80x128xf32, #tpu.memory_space<hbm>>
        %dma_start3A_130 = tpu.memref_squeeze %dma_start3A_129 : memref<1x80x128xf32, #tpu.memory_space<hbm>> -> memref<80x128xf32, #tpu.memory_space<hbm>>
        %dma_start3A_131 = arith.constant 0 : i32
        %dma_start3A_132 = tpu.memref_slice %arg14[%mul3A_126, %dma_start3A_131] : memref<10000x128xf32, #tpu.memory_space<vmem_shared>> -> memref<80x128xf32, #tpu.memory_space<vmem_shared>>
        tpu.enqueue_dma source(%dma_start3A_132 : memref<80x128xf32, #tpu.memory_space<vmem_shared>>) target(%dma_start3A_130 : memref<80x128xf32, #tpu.memory_space<hbm>>) target_semaphore(%run_scoped3A : memref<!tpu.dma_semaphore, #tpu.memory_space<semaphore_mem>>)
        %dma_wait3A = arith.constant 0 : i32
        %dma_wait3A_133 = tpu.memref_slice %arg7[%arg0, %mul3A_128, %dma_wait3A] : memref<2x10000x128xf32, #tpu.memory_space<hbm>> -> memref<1x80x128xf32, #tpu.memory_space<hbm>>
        %dma_wait3A_134 = tpu.memref_squeeze %dma_wait3A_133 : memref<1x80x128xf32, #tpu.memory_space<hbm>> -> memref<80x128xf32, #tpu.memory_space<hbm>>
        %dma_wait3A_135 = arith.constant 0 : i32
        %dma_wait3A_136 = tpu.memref_slice %arg14[%mul3A_126, %dma_wait3A_135] : memref<10000x128xf32, #tpu.memory_space<vmem_shared>> -> memref<80x128xf32, #tpu.memory_space<vmem_shared>>
        tpu.wait_dma2 semaphore(%run_scoped3A : memref<!tpu.dma_semaphore, #tpu.memory_space<semaphore_mem>>) src(%dma_wait3A_136 : memref<80x128xf32, #tpu.memory_space<vmem_shared>>) dst(%dma_wait3A_134 : memref<80x128xf32, #tpu.memory_space<hbm>>)
        tpu.yield
      }) : () -> ()
    } else {
    }
    return
  }
}

#map = affine_map<(d0, d1) -> (0, 0)>
#map1 = affine_map<(d0, d1) -> (0, 0, 0, 0)>
#map2 = affine_map<(d0, d1) -> (0, 0, 0)>
module attributes {stable_mosaic.version = 14 : i64} {
  func.func @_edge(%arg0: i32, %arg1: i32, %arg2: memref<40000x128xf32, #tpu.memory_space<hbm>>, %arg3: memref<3072x128xf32, #tpu.memory_space<hbm>>, %arg4: memref<10000x128xf32, #tpu.memory_space<hbm>>, %arg5: memref<32x125x2x80xi32, #tpu.memory_space<hbm>>, %arg6: memref<32x125x1x80xi32, #tpu.memory_space<hbm>>, %arg7: memref<2x10000x128xf32, #tpu.memory_space<hbm>>, %arg8: memref<2x80xi32, #tpu.memory_space<vmem>>, %arg9: memref<80xi32, #tpu.memory_space<vmem>>, %arg10: memref<80x128xf32, #tpu.memory_space<vmem>>, %arg11: memref<80x128xf32, #tpu.memory_space<vmem>>, %arg12: memref<80x128xf32, #tpu.memory_space<vmem>>, %arg13: memref<80x128xf32, #tpu.memory_space<vmem>>, %arg14: memref<10000x128xf32, #tpu.memory_space<vmem_shared>>, %arg15: memref<!tpu.dma_semaphore, #tpu.memory_space<semaphore_mem>>, %arg16: memref<!tpu.dma_semaphore, #tpu.memory_space<semaphore_mem>>, %arg17: memref<!tpu.dma_semaphore, #tpu.memory_space<semaphore_mem>>) attributes {dimension_semantics = [#tpu.dimension_semantics<core_parallel>, #tpu.dimension_semantics<subcore_parallel>], iteration_bounds = array<i64: 2, 16>, scalar_prefetch = 0 : i64, scratch_operands = 10 : i64, tpu.core_type = #tpu.core_type<sc_vector_subcore>, window_params = [{transform_indices = #map}, {transform_indices = #map}, {transform_indices = #map}, {transform_indices = #map1}, {transform_indices = #map1}, {transform_indices = #map2}]} {
    %mul3A = arith.constant 2 : i32
    %mul3A_0 = arith.muli %arg1, %mul3A : i32
    %add3A = arith.addi %mul3A_0, %arg0 : i32
    %broadcast_in_dim3A = arith.constant 0.000000e+00 : f32
    %broadcast_in_dim3A_1 = vector.broadcast %broadcast_in_dim3A : f32 to vector<16xf32>
    %scan3A = arith.constant 0 : i32
    %scan3A_2 = arith.constant 0 : i32
    %scan3A_3 = arith.constant 80 : i32
    %scan3A_4 = arith.addi %scan3A_2, %scan3A_3 : i32
    %scan3A_5 = arith.constant 1 : i32
    %scan3A_6 = scf.for %scan3A_125 = %scan3A_2 to %scan3A_4 step %scan3A_5 iter_args(%scan3A_126 = %scan3A) -> (i32)  : i32 {
      %swap3A = arith.index_cast %scan3A_125 : i32 to index
      %swap3A_127 = arith.constant 0 : index
      %swap3A_128 = tpu.vector_load %arg13[%swap3A, %swap3A_127] {strides = array<i32>} : memref<80x128xf32, #tpu.memory_space<vmem>>, vector<16xf32>,
      tpu.vector_store %arg13[%swap3A, %swap3A_127], %broadcast_in_dim3A_1 {strides = array<i32>} : memref<80x128xf32, #tpu.memory_space<vmem>>, vector<16xf32>,
      %swap3A_129 = arith.index_cast %scan3A_125 : i32 to index
      %swap3A_130 = arith.constant 16 : index
      %swap3A_131 = tpu.vector_load %arg13[%swap3A_129, %swap3A_130] {strides = array<i32>} : memref<80x128xf32, #tpu.memory_space<vmem>>, vector<16xf32>,
      tpu.vector_store %arg13[%swap3A_129, %swap3A_130], %broadcast_in_dim3A_1 {strides = array<i32>} : memref<80x128xf32, #tpu.memory_space<vmem>>, vector<16xf32>,
      %swap3A_132 = arith.index_cast %scan3A_125 : i32 to index
      %swap3A_133 = arith.constant 32 : index
      %swap3A_134 = tpu.vector_load %arg13[%swap3A_132, %swap3A_133] {strides = array<i32>} : memref<80x128xf32, #tpu.memory_space<vmem>>, vector<16xf32>,
      tpu.vector_store %arg13[%swap3A_132, %swap3A_133], %broadcast_in_dim3A_1 {strides = array<i32>} : memref<80x128xf32, #tpu.memory_space<vmem>>, vector<16xf32>,
      %swap3A_135 = arith.index_cast %scan3A_125 : i32 to index
      %swap3A_136 = arith.constant 48 : index
      %swap3A_137 = tpu.vector_load %arg13[%swap3A_135, %swap3A_136] {strides = array<i32>} : memref<80x128xf32, #tpu.memory_space<vmem>>, vector<16xf32>,
      tpu.vector_store %arg13[%swap3A_135, %swap3A_136], %broadcast_in_dim3A_1 {strides = array<i32>} : memref<80x128xf32, #tpu.memory_space<vmem>>, vector<16xf32>,
      %swap3A_138 = arith.index_cast %scan3A_125 : i32 to index
      %swap3A_139 = arith.constant 64 : index
      %swap3A_140 = tpu.vector_load %arg13[%swap3A_138, %swap3A_139] {strides = array<i32>} : memref<80x128xf32, #tpu.memory_space<vmem>>, vector<16xf32>,
      tpu.vector_store %arg13[%swap3A_138, %swap3A_139], %broadcast_in_dim3A_1 {strides = array<i32>} : memref<80x128xf32, #tpu.memory_space<vmem>>, vector<16xf32>,
      %swap3A_141 = arith.index_cast %scan3A_125 : i32 to index
      %swap3A_142 = arith.constant 80 : index
      %swap3A_143 = tpu.vector_load %arg13[%swap3A_141, %swap3A_142] {strides = array<i32>} : memref<80x128xf32, #tpu.memory_space<vmem>>, vector<16xf32>,
      tpu.vector_store %arg13[%swap3A_141, %swap3A_142], %broadcast_in_dim3A_1 {strides = array<i32>} : memref<80x128xf32, #tpu.memory_space<vmem>>, vector<16xf32>,
      %swap3A_144 = arith.index_cast %scan3A_125 : i32 to index
      %swap3A_145 = arith.constant 96 : index
      %swap3A_146 = tpu.vector_load %arg13[%swap3A_144, %swap3A_145] {strides = array<i32>} : memref<80x128xf32, #tpu.memory_space<vmem>>, vector<16xf32>,
      tpu.vector_store %arg13[%swap3A_144, %swap3A_145], %broadcast_in_dim3A_1 {strides = array<i32>} : memref<80x128xf32, #tpu.memory_space<vmem>>, vector<16xf32>,
      %swap3A_147 = arith.index_cast %scan3A_125 : i32 to index
      %swap3A_148 = arith.constant 112 : index
      %swap3A_149 = tpu.vector_load %arg13[%swap3A_147, %swap3A_148] {strides = array<i32>} : memref<80x128xf32, #tpu.memory_space<vmem>>, vector<16xf32>,
      tpu.vector_store %arg13[%swap3A_147, %swap3A_148], %broadcast_in_dim3A_1 {strides = array<i32>} : memref<80x128xf32, #tpu.memory_space<vmem>>, vector<16xf32>,
      %scan3A_150 = arith.constant 0 : i32
      scf.yield %scan3A_150 : i32
    }
    %scan3A_7 = arith.constant 80 : i32
    %add3A_8 = arith.constant 0 : i32
    %add3A_9 = arith.addi %arg1, %add3A_8 : i32
    %lt3A = arith.constant 125 : i32
    %lt3A_10 = arith.cmpi slt, %add3A_9, %lt3A : i32
    %convert_element_type3A = arith.extui %lt3A_10 : i1 to i32
    %cond3A = arith.constant 0 : i32
    %cond3A_11 = arith.cmpi ne, %convert_element_type3A, %cond3A : i32
    scf.if %cond3A_11 {
      %mul3A_125 = arith.constant 80 : i32
      %mul3A_126 = arith.muli %add3A_9, %mul3A_125 : i32
      "tpu.region"() ({
        %run_scoped3A = tpu.sem_alloc : memref<!tpu.dma_semaphore, #tpu.memory_space<semaphore_mem>>
        %dma_start3A = arith.constant 0 : i32
        %dma_start3A_127 = tpu.memref_slice %arg14[%mul3A_126, %dma_start3A] : memref<10000x128xf32, #tpu.memory_space<vmem_shared>> -> memref<80x128xf32, #tpu.memory_space<vmem_shared>>
        %dma_start3A_128 = arith.constant 0 : i32
        %dma_start3A_129 = tpu.memref_slice %arg14[%mul3A_126, %dma_start3A_128] : memref<10000x128xf32, #tpu.memory_space<vmem_shared>> -> memref<80x128xf32, #tpu.memory_space<vmem_shared>>
        tpu.enqueue_dma source(%arg13 : memref<80x128xf32, #tpu.memory_space<vmem>>) target(%dma_start3A_129 : memref<80x128xf32, #tpu.memory_space<vmem_shared>>) target_semaphore(%run_scoped3A : memref<!tpu.dma_semaphore, #tpu.memory_space<semaphore_mem>>)
        %dma_wait3A = arith.constant 0 : i32
        %dma_wait3A_130 = tpu.memref_slice %arg14[%mul3A_126, %dma_wait3A] : memref<10000x128xf32, #tpu.memory_space<vmem_shared>> -> memref<80x128xf32, #tpu.memory_space<vmem_shared>>
        %dma_wait3A_131 = arith.constant 0 : i32
        %dma_wait3A_132 = tpu.memref_slice %arg14[%mul3A_126, %dma_wait3A_131] : memref<10000x128xf32, #tpu.memory_space<vmem_shared>> -> memref<80x128xf32, #tpu.memory_space<vmem_shared>>
        tpu.wait_dma2 semaphore(%run_scoped3A : memref<!tpu.dma_semaphore, #tpu.memory_space<semaphore_mem>>) src(%arg13 : memref<80x128xf32, #tpu.memory_space<vmem>>) dst(%dma_wait3A_132 : memref<80x128xf32, #tpu.memory_space<vmem_shared>>)
        tpu.yield
      }) : () -> ()
    } else {
    }
    %add3A_12 = arith.constant 16 : i32
    %add3A_13 = arith.addi %arg1, %add3A_12 : i32
    %lt3A_14 = arith.constant 125 : i32
    %lt3A_15 = arith.cmpi slt, %add3A_13, %lt3A_14 : i32
    %convert_element_type3A_16 = arith.extui %lt3A_15 : i1 to i32
    %cond3A_17 = arith.constant 0 : i32
    %cond3A_18 = arith.cmpi ne, %convert_element_type3A_16, %cond3A_17 : i32
    scf.if %cond3A_18 {
      %mul3A_125 = arith.constant 80 : i32
      %mul3A_126 = arith.muli %add3A_13, %mul3A_125 : i32
      "tpu.region"() ({
        %run_scoped3A = tpu.sem_alloc : memref<!tpu.dma_semaphore, #tpu.memory_space<semaphore_mem>>
        %dma_start3A = arith.constant 0 : i32
        %dma_start3A_127 = tpu.memref_slice %arg14[%mul3A_126, %dma_start3A] : memref<10000x128xf32, #tpu.memory_space<vmem_shared>> -> memref<80x128xf32, #tpu.memory_space<vmem_shared>>
        %dma_start3A_128 = arith.constant 0 : i32
        %dma_start3A_129 = tpu.memref_slice %arg14[%mul3A_126, %dma_start3A_128] : memref<10000x128xf32, #tpu.memory_space<vmem_shared>> -> memref<80x128xf32, #tpu.memory_space<vmem_shared>>
        tpu.enqueue_dma source(%arg13 : memref<80x128xf32, #tpu.memory_space<vmem>>) target(%dma_start3A_129 : memref<80x128xf32, #tpu.memory_space<vmem_shared>>) target_semaphore(%run_scoped3A : memref<!tpu.dma_semaphore, #tpu.memory_space<semaphore_mem>>)
        %dma_wait3A = arith.constant 0 : i32
        %dma_wait3A_130 = tpu.memref_slice %arg14[%mul3A_126, %dma_wait3A] : memref<10000x128xf32, #tpu.memory_space<vmem_shared>> -> memref<80x128xf32, #tpu.memory_space<vmem_shared>>
        %dma_wait3A_131 = arith.constant 0 : i32
        %dma_wait3A_132 = tpu.memref_slice %arg14[%mul3A_126, %dma_wait3A_131] : memref<10000x128xf32, #tpu.memory_space<vmem_shared>> -> memref<80x128xf32, #tpu.memory_space<vmem_shared>>
        tpu.wait_dma2 semaphore(%run_scoped3A : memref<!tpu.dma_semaphore, #tpu.memory_space<semaphore_mem>>) src(%arg13 : memref<80x128xf32, #tpu.memory_space<vmem>>) dst(%dma_wait3A_132 : memref<80x128xf32, #tpu.memory_space<vmem_shared>>)
        tpu.yield
      }) : () -> ()
    } else {
    }
    %add3A_19 = arith.constant 32 : i32
    %add3A_20 = arith.addi %arg1, %add3A_19 : i32
    %lt3A_21 = arith.constant 125 : i32
    %lt3A_22 = arith.cmpi slt, %add3A_20, %lt3A_21 : i32
    %convert_element_type3A_23 = arith.extui %lt3A_22 : i1 to i32
    %cond3A_24 = arith.constant 0 : i32
    %cond3A_25 = arith.cmpi ne, %convert_element_type3A_23, %cond3A_24 : i32
    scf.if %cond3A_25 {
      %mul3A_125 = arith.constant 80 : i32
      %mul3A_126 = arith.muli %add3A_20, %mul3A_125 : i32
      "tpu.region"() ({
        %run_scoped3A = tpu.sem_alloc : memref<!tpu.dma_semaphore, #tpu.memory_space<semaphore_mem>>
        %dma_start3A = arith.constant 0 : i32
        %dma_start3A_127 = tpu.memref_slice %arg14[%mul3A_126, %dma_start3A] : memref<10000x128xf32, #tpu.memory_space<vmem_shared>> -> memref<80x128xf32, #tpu.memory_space<vmem_shared>>
        %dma_start3A_128 = arith.constant 0 : i32
        %dma_start3A_129 = tpu.memref_slice %arg14[%mul3A_126, %dma_start3A_128] : memref<10000x128xf32, #tpu.memory_space<vmem_shared>> -> memref<80x128xf32, #tpu.memory_space<vmem_shared>>
        tpu.enqueue_dma source(%arg13 : memref<80x128xf32, #tpu.memory_space<vmem>>) target(%dma_start3A_129 : memref<80x128xf32, #tpu.memory_space<vmem_shared>>) target_semaphore(%run_scoped3A : memref<!tpu.dma_semaphore, #tpu.memory_space<semaphore_mem>>)
        %dma_wait3A = arith.constant 0 : i32
        %dma_wait3A_130 = tpu.memref_slice %arg14[%mul3A_126, %dma_wait3A] : memref<10000x128xf32, #tpu.memory_space<vmem_shared>> -> memref<80x128xf32, #tpu.memory_space<vmem_shared>>
        %dma_wait3A_131 = arith.constant 0 : i32
        %dma_wait3A_132 = tpu.memref_slice %arg14[%mul3A_126, %dma_wait3A_131] : memref<10000x128xf32, #tpu.memory_space<vmem_shared>> -> memref<80x128xf32, #tpu.memory_space<vmem_shared>>
        tpu.wait_dma2 semaphore(%run_scoped3A : memref<!tpu.dma_semaphore, #tpu.memory_space<semaphore_mem>>) src(%arg13 : memref<80x128xf32, #tpu.memory_space<vmem>>) dst(%dma_wait3A_132 : memref<80x128xf32, #tpu.memory_space<vmem_shared>>)
        tpu.yield
      }) : () -> ()
    } else {
    }
    %add3A_26 = arith.constant 48 : i32
    %add3A_27 = arith.addi %arg1, %add3A_26 : i32
    %lt3A_28 = arith.constant 125 : i32
    %lt3A_29 = arith.cmpi slt, %add3A_27, %lt3A_28 : i32
    %convert_element_type3A_30 = arith.extui %lt3A_29 : i1 to i32
    %cond3A_31 = arith.constant 0 : i32
    %cond3A_32 = arith.cmpi ne, %convert_element_type3A_30, %cond3A_31 : i32
    scf.if %cond3A_32 {
      %mul3A_125 = arith.constant 80 : i32
      %mul3A_126 = arith.muli %add3A_27, %mul3A_125 : i32
      "tpu.region"() ({
        %run_scoped3A = tpu.sem_alloc : memref<!tpu.dma_semaphore, #tpu.memory_space<semaphore_mem>>
        %dma_start3A = arith.constant 0 : i32
        %dma_start3A_127 = tpu.memref_slice %arg14[%mul3A_126, %dma_start3A] : memref<10000x128xf32, #tpu.memory_space<vmem_shared>> -> memref<80x128xf32, #tpu.memory_space<vmem_shared>>
        %dma_start3A_128 = arith.constant 0 : i32
        %dma_start3A_129 = tpu.memref_slice %arg14[%mul3A_126, %dma_start3A_128] : memref<10000x128xf32, #tpu.memory_space<vmem_shared>> -> memref<80x128xf32, #tpu.memory_space<vmem_shared>>
        tpu.enqueue_dma source(%arg13 : memref<80x128xf32, #tpu.memory_space<vmem>>) target(%dma_start3A_129 : memref<80x128xf32, #tpu.memory_space<vmem_shared>>) target_semaphore(%run_scoped3A : memref<!tpu.dma_semaphore, #tpu.memory_space<semaphore_mem>>)
        %dma_wait3A = arith.constant 0 : i32
        %dma_wait3A_130 = tpu.memref_slice %arg14[%mul3A_126, %dma_wait3A] : memref<10000x128xf32, #tpu.memory_space<vmem_shared>> -> memref<80x128xf32, #tpu.memory_space<vmem_shared>>
        %dma_wait3A_131 = arith.constant 0 : i32
        %dma_wait3A_132 = tpu.memref_slice %arg14[%mul3A_126, %dma_wait3A_131] : memref<10000x128xf32, #tpu.memory_space<vmem_shared>> -> memref<80x128xf32, #tpu.memory_space<vmem_shared>>
        tpu.wait_dma2 semaphore(%run_scoped3A : memref<!tpu.dma_semaphore, #tpu.memory_space<semaphore_mem>>) src(%arg13 : memref<80x128xf32, #tpu.memory_space<vmem>>) dst(%dma_wait3A_132 : memref<80x128xf32, #tpu.memory_space<vmem_shared>>)
        tpu.yield
      }) : () -> ()
    } else {
    }
    %add3A_33 = arith.constant 64 : i32
    %add3A_34 = arith.addi %arg1, %add3A_33 : i32
    %lt3A_35 = arith.constant 125 : i32
    %lt3A_36 = arith.cmpi slt, %add3A_34, %lt3A_35 : i32
    %convert_element_type3A_37 = arith.extui %lt3A_36 : i1 to i32
    %cond3A_38 = arith.constant 0 : i32
    %cond3A_39 = arith.cmpi ne, %convert_element_type3A_37, %cond3A_38 : i32
    scf.if %cond3A_39 {
      %mul3A_125 = arith.constant 80 : i32
      %mul3A_126 = arith.muli %add3A_34, %mul3A_125 : i32
      "tpu.region"() ({
        %run_scoped3A = tpu.sem_alloc : memref<!tpu.dma_semaphore, #tpu.memory_space<semaphore_mem>>
        %dma_start3A = arith.constant 0 : i32
        %dma_start3A_127 = tpu.memref_slice %arg14[%mul3A_126, %dma_start3A] : memref<10000x128xf32, #tpu.memory_space<vmem_shared>> -> memref<80x128xf32, #tpu.memory_space<vmem_shared>>
        %dma_start3A_128 = arith.constant 0 : i32
        %dma_start3A_129 = tpu.memref_slice %arg14[%mul3A_126, %dma_start3A_128] : memref<10000x128xf32, #tpu.memory_space<vmem_shared>> -> memref<80x128xf32, #tpu.memory_space<vmem_shared>>
        tpu.enqueue_dma source(%arg13 : memref<80x128xf32, #tpu.memory_space<vmem>>) target(%dma_start3A_129 : memref<80x128xf32, #tpu.memory_space<vmem_shared>>) target_semaphore(%run_scoped3A : memref<!tpu.dma_semaphore, #tpu.memory_space<semaphore_mem>>)
        %dma_wait3A = arith.constant 0 : i32
        %dma_wait3A_130 = tpu.memref_slice %arg14[%mul3A_126, %dma_wait3A] : memref<10000x128xf32, #tpu.memory_space<vmem_shared>> -> memref<80x128xf32, #tpu.memory_space<vmem_shared>>
        %dma_wait3A_131 = arith.constant 0 : i32
        %dma_wait3A_132 = tpu.memref_slice %arg14[%mul3A_126, %dma_wait3A_131] : memref<10000x128xf32, #tpu.memory_space<vmem_shared>> -> memref<80x128xf32, #tpu.memory_space<vmem_shared>>
        tpu.wait_dma2 semaphore(%run_scoped3A : memref<!tpu.dma_semaphore, #tpu.memory_space<semaphore_mem>>) src(%arg13 : memref<80x128xf32, #tpu.memory_space<vmem>>) dst(%dma_wait3A_132 : memref<80x128xf32, #tpu.memory_space<vmem_shared>>)
        tpu.yield
      }) : () -> ()
    } else {
    }
    %add3A_40 = arith.constant 80 : i32
    %add3A_41 = arith.addi %arg1, %add3A_40 : i32
    %lt3A_42 = arith.constant 125 : i32
    %lt3A_43 = arith.cmpi slt, %add3A_41, %lt3A_42 : i32
    %convert_element_type3A_44 = arith.extui %lt3A_43 : i1 to i32
    %cond3A_45 = arith.constant 0 : i32
    %cond3A_46 = arith.cmpi ne, %convert_element_type3A_44, %cond3A_45 : i32
    scf.if %cond3A_46 {
      %mul3A_125 = arith.constant 80 : i32
      %mul3A_126 = arith.muli %add3A_41, %mul3A_125 : i32
      "tpu.region"() ({
        %run_scoped3A = tpu.sem_alloc : memref<!tpu.dma_semaphore, #tpu.memory_space<semaphore_mem>>
        %dma_start3A = arith.constant 0 : i32
        %dma_start3A_127 = tpu.memref_slice %arg14[%mul3A_126, %dma_start3A] : memref<10000x128xf32, #tpu.memory_space<vmem_shared>> -> memref<80x128xf32, #tpu.memory_space<vmem_shared>>
        %dma_start3A_128 = arith.constant 0 : i32
        %dma_start3A_129 = tpu.memref_slice %arg14[%mul3A_126, %dma_start3A_128] : memref<10000x128xf32, #tpu.memory_space<vmem_shared>> -> memref<80x128xf32, #tpu.memory_space<vmem_shared>>
        tpu.enqueue_dma source(%arg13 : memref<80x128xf32, #tpu.memory_space<vmem>>) target(%dma_start3A_129 : memref<80x128xf32, #tpu.memory_space<vmem_shared>>) target_semaphore(%run_scoped3A : memref<!tpu.dma_semaphore, #tpu.memory_space<semaphore_mem>>)
        %dma_wait3A = arith.constant 0 : i32
        %dma_wait3A_130 = tpu.memref_slice %arg14[%mul3A_126, %dma_wait3A] : memref<10000x128xf32, #tpu.memory_space<vmem_shared>> -> memref<80x128xf32, #tpu.memory_space<vmem_shared>>
        %dma_wait3A_131 = arith.constant 0 : i32
        %dma_wait3A_132 = tpu.memref_slice %arg14[%mul3A_126, %dma_wait3A_131] : memref<10000x128xf32, #tpu.memory_space<vmem_shared>> -> memref<80x128xf32, #tpu.memory_space<vmem_shared>>
        tpu.wait_dma2 semaphore(%run_scoped3A : memref<!tpu.dma_semaphore, #tpu.memory_space<semaphore_mem>>) src(%arg13 : memref<80x128xf32, #tpu.memory_space<vmem>>) dst(%dma_wait3A_132 : memref<80x128xf32, #tpu.memory_space<vmem_shared>>)
        tpu.yield
      }) : () -> ()
    } else {
    }
    %add3A_47 = arith.constant 96 : i32
    %add3A_48 = arith.addi %arg1, %add3A_47 : i32
    %lt3A_49 = arith.constant 125 : i32
    %lt3A_50 = arith.cmpi slt, %add3A_48, %lt3A_49 : i32
    %convert_element_type3A_51 = arith.extui %lt3A_50 : i1 to i32
    %cond3A_52 = arith.constant 0 : i32
    %cond3A_53 = arith.cmpi ne, %convert_element_type3A_51, %cond3A_52 : i32
    scf.if %cond3A_53 {
      %mul3A_125 = arith.constant 80 : i32
      %mul3A_126 = arith.muli %add3A_48, %mul3A_125 : i32
      "tpu.region"() ({
        %run_scoped3A = tpu.sem_alloc : memref<!tpu.dma_semaphore, #tpu.memory_space<semaphore_mem>>
        %dma_start3A = arith.constant 0 : i32
        %dma_start3A_127 = tpu.memref_slice %arg14[%mul3A_126, %dma_start3A] : memref<10000x128xf32, #tpu.memory_space<vmem_shared>> -> memref<80x128xf32, #tpu.memory_space<vmem_shared>>
        %dma_start3A_128 = arith.constant 0 : i32
        %dma_start3A_129 = tpu.memref_slice %arg14[%mul3A_126, %dma_start3A_128] : memref<10000x128xf32, #tpu.memory_space<vmem_shared>> -> memref<80x128xf32, #tpu.memory_space<vmem_shared>>
        tpu.enqueue_dma source(%arg13 : memref<80x128xf32, #tpu.memory_space<vmem>>) target(%dma_start3A_129 : memref<80x128xf32, #tpu.memory_space<vmem_shared>>) target_semaphore(%run_scoped3A : memref<!tpu.dma_semaphore, #tpu.memory_space<semaphore_mem>>)
        %dma_wait3A = arith.constant 0 : i32
        %dma_wait3A_130 = tpu.memref_slice %arg14[%mul3A_126, %dma_wait3A] : memref<10000x128xf32, #tpu.memory_space<vmem_shared>> -> memref<80x128xf32, #tpu.memory_space<vmem_shared>>
        %dma_wait3A_131 = arith.constant 0 : i32
        %dma_wait3A_132 = tpu.memref_slice %arg14[%mul3A_126, %dma_wait3A_131] : memref<10000x128xf32, #tpu.memory_space<vmem_shared>> -> memref<80x128xf32, #tpu.memory_space<vmem_shared>>
        tpu.wait_dma2 semaphore(%run_scoped3A : memref<!tpu.dma_semaphore, #tpu.memory_space<semaphore_mem>>) src(%arg13 : memref<80x128xf32, #tpu.memory_space<vmem>>) dst(%dma_wait3A_132 : memref<80x128xf32, #tpu.memory_space<vmem_shared>>)
        tpu.yield
      }) : () -> ()
    } else {
    }
    %add3A_54 = arith.constant 112 : i32
    %add3A_55 = arith.addi %arg1, %add3A_54 : i32
    %lt3A_56 = arith.constant 125 : i32
    %lt3A_57 = arith.cmpi slt, %add3A_55, %lt3A_56 : i32
    %convert_element_type3A_58 = arith.extui %lt3A_57 : i1 to i32
    %cond3A_59 = arith.constant 0 : i32
    %cond3A_60 = arith.cmpi ne, %convert_element_type3A_58, %cond3A_59 : i32
    scf.if %cond3A_60 {
      %mul3A_125 = arith.constant 80 : i32
      %mul3A_126 = arith.muli %add3A_55, %mul3A_125 : i32
      "tpu.region"() ({
        %run_scoped3A = tpu.sem_alloc : memref<!tpu.dma_semaphore, #tpu.memory_space<semaphore_mem>>
        %dma_start3A = arith.constant 0 : i32
        %dma_start3A_127 = tpu.memref_slice %arg14[%mul3A_126, %dma_start3A] : memref<10000x128xf32, #tpu.memory_space<vmem_shared>> -> memref<80x128xf32, #tpu.memory_space<vmem_shared>>
        %dma_start3A_128 = arith.constant 0 : i32
        %dma_start3A_129 = tpu.memref_slice %arg14[%mul3A_126, %dma_start3A_128] : memref<10000x128xf32, #tpu.memory_space<vmem_shared>> -> memref<80x128xf32, #tpu.memory_space<vmem_shared>>
        tpu.enqueue_dma source(%arg13 : memref<80x128xf32, #tpu.memory_space<vmem>>) target(%dma_start3A_129 : memref<80x128xf32, #tpu.memory_space<vmem_shared>>) target_semaphore(%run_scoped3A : memref<!tpu.dma_semaphore, #tpu.memory_space<semaphore_mem>>)
        %dma_wait3A = arith.constant 0 : i32
        %dma_wait3A_130 = tpu.memref_slice %arg14[%mul3A_126, %dma_wait3A] : memref<10000x128xf32, #tpu.memory_space<vmem_shared>> -> memref<80x128xf32, #tpu.memory_space<vmem_shared>>
        %dma_wait3A_131 = arith.constant 0 : i32
        %dma_wait3A_132 = tpu.memref_slice %arg14[%mul3A_126, %dma_wait3A_131] : memref<10000x128xf32, #tpu.memory_space<vmem_shared>> -> memref<80x128xf32, #tpu.memory_space<vmem_shared>>
        tpu.wait_dma2 semaphore(%run_scoped3A : memref<!tpu.dma_semaphore, #tpu.memory_space<semaphore_mem>>) src(%arg13 : memref<80x128xf32, #tpu.memory_space<vmem>>) dst(%dma_wait3A_132 : memref<80x128xf32, #tpu.memory_space<vmem_shared>>)
        tpu.yield
      }) : () -> ()
    } else {
    }
    %barrier3A = arith.constant 0 : index
    tpu.barrier barrier_id(%barrier3A)
    %scan3A_61 = arith.constant 0 : i32
    %scan3A_62 = arith.constant 0 : i32
    %scan3A_63 = arith.constant 125 : i32
    %scan3A_64 = arith.addi %scan3A_62, %scan3A_63 : i32
    %scan3A_65 = arith.constant 1 : i32
    %scan3A_66 = scf.for %scan3A_125 = %scan3A_62 to %scan3A_64 step %scan3A_65 iter_args(%scan3A_126 = %scan3A_61) -> (i32)  : i32 {
      "tpu.region"() ({
        %run_scoped3A_167 = tpu.sem_alloc : memref<!tpu.dma_semaphore, #tpu.memory_space<semaphore_mem>>
        %dma_start3A_168 = arith.constant 0 : i32
        %dma_start3A_169 = arith.constant 0 : i32
        %dma_start3A_170 = tpu.memref_slice %arg5[%add3A, %scan3A_125, %dma_start3A_168, %dma_start3A_169] : memref<32x125x2x80xi32, #tpu.memory_space<hbm>> -> memref<1x1x2x80xi32, #tpu.memory_space<hbm>>
        %dma_start3A_171 = tpu.memref_squeeze %dma_start3A_170 : memref<1x1x2x80xi32, #tpu.memory_space<hbm>> -> memref<2x80xi32, #tpu.memory_space<hbm>>
        %dma_start3A_172 = arith.constant 0 : i32
        %dma_start3A_173 = arith.constant 0 : i32
        %dma_start3A_174 = tpu.memref_slice %arg5[%add3A, %scan3A_125, %dma_start3A_172, %dma_start3A_173] : memref<32x125x2x80xi32, #tpu.memory_space<hbm>> -> memref<1x1x2x80xi32, #tpu.memory_space<hbm>>
        %dma_start3A_175 = tpu.memref_squeeze %dma_start3A_174 : memref<1x1x2x80xi32, #tpu.memory_space<hbm>> -> memref<2x80xi32, #tpu.memory_space<hbm>>
        tpu.enqueue_dma source(%dma_start3A_175 : memref<2x80xi32, #tpu.memory_space<hbm>>) target(%arg8 : memref<2x80xi32, #tpu.memory_space<vmem>>) target_semaphore(%run_scoped3A_167 : memref<!tpu.dma_semaphore, #tpu.memory_space<semaphore_mem>>)
        %dma_wait3A_176 = arith.constant 0 : i32
        %dma_wait3A_177 = arith.constant 0 : i32
        %dma_wait3A_178 = tpu.memref_slice %arg5[%add3A, %scan3A_125, %dma_wait3A_176, %dma_wait3A_177] : memref<32x125x2x80xi32, #tpu.memory_space<hbm>> -> memref<1x1x2x80xi32, #tpu.memory_space<hbm>>
        %dma_wait3A_179 = tpu.memref_squeeze %dma_wait3A_178 : memref<1x1x2x80xi32, #tpu.memory_space<hbm>> -> memref<2x80xi32, #tpu.memory_space<hbm>>
        %dma_wait3A_180 = arith.constant 0 : i32
        %dma_wait3A_181 = arith.constant 0 : i32
        %dma_wait3A_182 = tpu.memref_slice %arg5[%add3A, %scan3A_125, %dma_wait3A_180, %dma_wait3A_181] : memref<32x125x2x80xi32, #tpu.memory_space<hbm>> -> memref<1x1x2x80xi32, #tpu.memory_space<hbm>>
        %dma_wait3A_183 = tpu.memref_squeeze %dma_wait3A_182 : memref<1x1x2x80xi32, #tpu.memory_space<hbm>> -> memref<2x80xi32, #tpu.memory_space<hbm>>
        tpu.wait_dma2 semaphore(%run_scoped3A_167 : memref<!tpu.dma_semaphore, #tpu.memory_space<semaphore_mem>>) src(%dma_wait3A_183 : memref<2x80xi32, #tpu.memory_space<hbm>>) dst(%arg8 : memref<2x80xi32, #tpu.memory_space<vmem>>)
        tpu.yield
      }) : () -> ()
      %run_scoped3A = arith.constant 0 : i32
      "tpu.region"() ({
        %run_scoped3A_167 = tpu.sem_alloc : memref<!tpu.dma_semaphore, #tpu.memory_space<semaphore_mem>>
        %dma_start3A_168 = arith.constant 0 : i32
        %dma_start3A_169 = tpu.memref_slice %arg6[%add3A, %scan3A_125, %run_scoped3A, %dma_start3A_168] : memref<32x125x1x80xi32, #tpu.memory_space<hbm>> -> memref<1x1x1x80xi32, #tpu.memory_space<hbm>>
        %dma_start3A_170 = tpu.memref_squeeze %dma_start3A_169 : memref<1x1x1x80xi32, #tpu.memory_space<hbm>> -> memref<80xi32, #tpu.memory_space<hbm>>
        %dma_start3A_171 = arith.constant 0 : i32
        %dma_start3A_172 = tpu.memref_slice %arg6[%add3A, %scan3A_125, %run_scoped3A, %dma_start3A_171] : memref<32x125x1x80xi32, #tpu.memory_space<hbm>> -> memref<1x1x1x80xi32, #tpu.memory_space<hbm>>
        %dma_start3A_173 = tpu.memref_squeeze %dma_start3A_172 : memref<1x1x1x80xi32, #tpu.memory_space<hbm>> -> memref<80xi32, #tpu.memory_space<hbm>>
        tpu.enqueue_dma source(%dma_start3A_173 : memref<80xi32, #tpu.memory_space<hbm>>) target(%arg9 : memref<80xi32, #tpu.memory_space<vmem>>) target_semaphore(%run_scoped3A_167 : memref<!tpu.dma_semaphore, #tpu.memory_space<semaphore_mem>>)
        %dma_wait3A_174 = arith.constant 0 : i32
        %dma_wait3A_175 = tpu.memref_slice %arg6[%add3A, %scan3A_125, %run_scoped3A, %dma_wait3A_174] : memref<32x125x1x80xi32, #tpu.memory_space<hbm>> -> memref<1x1x1x80xi32, #tpu.memory_space<hbm>>
        %dma_wait3A_176 = tpu.memref_squeeze %dma_wait3A_175 : memref<1x1x1x80xi32, #tpu.memory_space<hbm>> -> memref<80xi32, #tpu.memory_space<hbm>>
        %dma_wait3A_177 = arith.constant 0 : i32
        %dma_wait3A_178 = tpu.memref_slice %arg6[%add3A, %scan3A_125, %run_scoped3A, %dma_wait3A_177] : memref<32x125x1x80xi32, #tpu.memory_space<hbm>> -> memref<1x1x1x80xi32, #tpu.memory_space<hbm>>
        %dma_wait3A_179 = tpu.memref_squeeze %dma_wait3A_178 : memref<1x1x1x80xi32, #tpu.memory_space<hbm>> -> memref<80xi32, #tpu.memory_space<hbm>>
        tpu.wait_dma2 semaphore(%run_scoped3A_167 : memref<!tpu.dma_semaphore, #tpu.memory_space<semaphore_mem>>) src(%dma_wait3A_179 : memref<80xi32, #tpu.memory_space<hbm>>) dst(%arg9 : memref<80xi32, #tpu.memory_space<vmem>>)
        tpu.yield
      }) : () -> ()
      %dma_start3A = arith.constant 0 : i32
      %dma_start3A_127 = arith.constant 0 : i32
      %dma_start3A_128 = tpu.memref_slice %arg8[%dma_start3A, %dma_start3A_127] : memref<2x80xi32, #tpu.memory_space<vmem>> -> memref<1x80xi32, #tpu.memory_space<vmem>>
      %dma_start3A_129 = tpu.memref_squeeze %dma_start3A_128 : memref<1x80xi32, #tpu.memory_space<vmem>> -> memref<80xi32, #tpu.memory_space<vmem>>
      %dma_start3A_130 = arith.constant 0 : i32
      %dma_start3A_131 = arith.constant 0 : i32
      %dma_start3A_132 = tpu.memref_slice %arg2[%dma_start3A_130, %dma_start3A_131] : memref<40000x128xf32, #tpu.memory_space<hbm>> -> memref<40000x128xf32, #tpu.memory_space<hbm>>
      tpu.enqueue_indirect_dma source(%dma_start3A_132 : memref<40000x128xf32, #tpu.memory_space<hbm>>) target(%arg10 : memref<80x128xf32, #tpu.memory_space<vmem>>) offsets(%dma_start3A_129 : memref<80xi32, #tpu.memory_space<vmem>>) semaphore(%arg15 : memref<!tpu.dma_semaphore, #tpu.memory_space<semaphore_mem>>)
      %dma_start3A_133 = arith.constant 1 : i32
      %dma_start3A_134 = arith.constant 0 : i32
      %dma_start3A_135 = tpu.memref_slice %arg8[%dma_start3A_133, %dma_start3A_134] : memref<2x80xi32, #tpu.memory_space<vmem>> -> memref<1x80xi32, #tpu.memory_space<vmem>>
      %dma_start3A_136 = tpu.memref_squeeze %dma_start3A_135 : memref<1x80xi32, #tpu.memory_space<vmem>> -> memref<80xi32, #tpu.memory_space<vmem>>
      %dma_start3A_137 = arith.constant 0 : i32
      %dma_start3A_138 = arith.constant 0 : i32
      %dma_start3A_139 = tpu.memref_slice %arg3[%dma_start3A_137, %dma_start3A_138] : memref<3072x128xf32, #tpu.memory_space<hbm>> -> memref<3072x128xf32, #tpu.memory_space<hbm>>
      tpu.enqueue_indirect_dma source(%dma_start3A_139 : memref<3072x128xf32, #tpu.memory_space<hbm>>) target(%arg11 : memref<80x128xf32, #tpu.memory_space<vmem>>) offsets(%dma_start3A_136 : memref<80xi32, #tpu.memory_space<vmem>>) semaphore(%arg16 : memref<!tpu.dma_semaphore, #tpu.memory_space<semaphore_mem>>)
      %dma_start3A_140 = arith.constant 0 : i32
      %dma_start3A_141 = arith.constant 0 : i32
      %dma_start3A_142 = tpu.memref_slice %arg4[%dma_start3A_140, %dma_start3A_141] : memref<10000x128xf32, #tpu.memory_space<hbm>> -> memref<10000x128xf32, #tpu.memory_space<hbm>>
      tpu.enqueue_indirect_dma source(%dma_start3A_142 : memref<10000x128xf32, #tpu.memory_space<hbm>>) target(%arg12 : memref<80x128xf32, #tpu.memory_space<vmem>>) offsets(%arg9 : memref<80xi32, #tpu.memory_space<vmem>>) semaphore(%arg17 : memref<!tpu.dma_semaphore, #tpu.memory_space<semaphore_mem>>)
      %dma_wait3A = arith.constant 0 : i32
      %dma_wait3A_143 = arith.constant 0 : i32
      %dma_wait3A_144 = tpu.memref_slice %arg8[%dma_wait3A, %dma_wait3A_143] : memref<2x80xi32, #tpu.memory_space<vmem>> -> memref<1x80xi32, #tpu.memory_space<vmem>>
      %dma_wait3A_145 = tpu.memref_squeeze %dma_wait3A_144 : memref<1x80xi32, #tpu.memory_space<vmem>> -> memref<80xi32, #tpu.memory_space<vmem>>
      %dma_wait3A_146 = arith.constant 0 : i32
      %dma_wait3A_147 = arith.constant 0 : i32
      %dma_wait3A_148 = tpu.memref_slice %arg2[%dma_wait3A_146, %dma_wait3A_147] : memref<40000x128xf32, #tpu.memory_space<hbm>> -> memref<40000x128xf32, #tpu.memory_space<hbm>>
      tpu.wait_indirect_dma semaphore(%arg15 : memref<!tpu.dma_semaphore, #tpu.memory_space<semaphore_mem>>) src(%dma_wait3A_148 : memref<40000x128xf32, #tpu.memory_space<hbm>>) dst(%arg10 : memref<80x128xf32, #tpu.memory_space<vmem>>)
      %dma_wait3A_149 = arith.constant 1 : i32
      %dma_wait3A_150 = arith.constant 0 : i32
      %dma_wait3A_151 = tpu.memref_slice %arg8[%dma_wait3A_149, %dma_wait3A_150] : memref<2x80xi32, #tpu.memory_space<vmem>> -> memref<1x80xi32, #tpu.memory_space<vmem>>
      %dma_wait3A_152 = tpu.memref_squeeze %dma_wait3A_151 : memref<1x80xi32, #tpu.memory_space<vmem>> -> memref<80xi32, #tpu.memory_space<vmem>>
      %dma_wait3A_153 = arith.constant 0 : i32
      %dma_wait3A_154 = arith.constant 0 : i32
      %dma_wait3A_155 = tpu.memref_slice %arg3[%dma_wait3A_153, %dma_wait3A_154] : memref<3072x128xf32, #tpu.memory_space<hbm>> -> memref<3072x128xf32, #tpu.memory_space<hbm>>
      tpu.wait_indirect_dma semaphore(%arg16 : memref<!tpu.dma_semaphore, #tpu.memory_space<semaphore_mem>>) src(%dma_wait3A_155 : memref<3072x128xf32, #tpu.memory_space<hbm>>) dst(%arg11 : memref<80x128xf32, #tpu.memory_space<vmem>>)
      %dma_wait3A_156 = arith.constant 0 : i32
      %dma_wait3A_157 = arith.constant 0 : i32
      %dma_wait3A_158 = tpu.memref_slice %arg4[%dma_wait3A_156, %dma_wait3A_157] : memref<10000x128xf32, #tpu.memory_space<hbm>> -> memref<10000x128xf32, #tpu.memory_space<hbm>>
      tpu.wait_indirect_dma semaphore(%arg17 : memref<!tpu.dma_semaphore, #tpu.memory_space<semaphore_mem>>) src(%dma_wait3A_158 : memref<10000x128xf32, #tpu.memory_space<hbm>>) dst(%arg12 : memref<80x128xf32, #tpu.memory_space<vmem>>)
      %iota3A = tpu.iota {dimensions = array<i32: 0>} : vector<16xi32>
      %scan3A_159 = arith.constant 0 : i32
      %scan3A_160 = arith.constant 0 : i32
      %scan3A_161 = arith.constant 80 : i32
      %scan3A_162 = arith.addi %scan3A_160, %scan3A_161 : i32
      %scan3A_163 = arith.constant 1 : i32
      %scan3A_164 = scf.for %scan3A_167 = %scan3A_160 to %scan3A_162 step %scan3A_163 iter_args(%scan3A_168 = %scan3A_159) -> (i32)  : i32 {
        %broadcast_in_dim3A_169 = arith.constant 0.000000e+00 : f32
        %broadcast_in_dim3A_170 = vector.broadcast %broadcast_in_dim3A_169 : f32 to vector<16xf32>
        %get3A = arith.index_cast %scan3A_167 : i32 to index
        %get3A_171 = arith.constant 0 : index
        %get3A_172 = tpu.vector_load %arg10[%get3A, %get3A_171] {strides = array<i32>} : memref<80x128xf32, #tpu.memory_space<vmem>>, vector<16xf32>,
        %get3A_173 = arith.index_cast %scan3A_167 : i32 to index
        %get3A_174 = arith.constant 0 : index
        %get3A_175 = tpu.vector_load %arg11[%get3A_173, %get3A_174] {strides = array<i32>} : memref<80x128xf32, #tpu.memory_space<vmem>>, vector<16xf32>,
        %add3A_176 = arith.addf %get3A_172, %get3A_175 : vector<16xf32>
        %get3A_177 = arith.index_cast %scan3A_167 : i32 to index
        %get3A_178 = arith.constant 0 : index
        %get3A_179 = tpu.vector_load %arg12[%get3A_177, %get3A_178] {strides = array<i32>} : memref<80x128xf32, #tpu.memory_space<vmem>>, vector<16xf32>,
        %mul3A_180 = arith.mulf %add3A_176, %get3A_179 : vector<16xf32>
        %reduce_sum3A = arith.constant true
        %reduce_sum3A_181 = vector.broadcast %reduce_sum3A : i1 to vector<16xi1>
        %reduce_sum3A_182 = tpu.scan <sum>, %mul3A_180 masked %reduce_sum3A_181 : vector<16xf32>, vector<16xi1> -> vector<16xf32>
        %reduce_sum3A_183 = vector.extract %reduce_sum3A_182[15] : f32 from vector<16xf32>
        %broadcast_in_dim3A_184 = vector.broadcast %reduce_sum3A_183 : f32 to vector<16xf32>
        %exp3A = math.exp %broadcast_in_dim3A_184 : vector<16xf32>
        %get3A_185 = arith.index_cast %scan3A_167 : i32 to index
        %get3A_186 = arith.constant 64 : index
        %get3A_187 = tpu.vector_load %arg10[%get3A_185, %get3A_186] {strides = array<i32>} : memref<80x128xf32, #tpu.memory_space<vmem>>, vector<16xf32>,
        %get3A_188 = arith.index_cast %scan3A_167 : i32 to index
        %get3A_189 = arith.constant 64 : index
        %get3A_190 = tpu.vector_load %arg11[%get3A_188, %get3A_189] {strides = array<i32>} : memref<80x128xf32, #tpu.memory_space<vmem>>, vector<16xf32>,
        %add3A_191 = arith.addf %get3A_187, %get3A_190 : vector<16xf32>
        %mul3A_192 = arith.mulf %add3A_191, %exp3A : vector<16xf32>
        %swap3A = arith.index_cast %scan3A_167 : i32 to index
        %swap3A_193 = arith.constant 0 : index
        %swap3A_194 = tpu.vector_load %arg13[%swap3A, %swap3A_193] {strides = array<i32>} : memref<80x128xf32, #tpu.memory_space<vmem>>, vector<16xf32>,
        tpu.vector_store %arg13[%swap3A, %swap3A_193], %mul3A_192 {strides = array<i32>} : memref<80x128xf32, #tpu.memory_space<vmem>>, vector<16xf32>,
        %eq3A = arith.constant 0 : i32
        %eq3A_195 = vector.broadcast %eq3A : i32 to vector<16xi32>
        %eq3A_196 = arith.cmpi eq, %iota3A, %eq3A_195 : vector<16xi32>
        %jit3A = arith.constant 1.000000e+00 : f32
        %jit3A_197 = arith.constant 0.000000e+00 : f32
        %broadcast_in_dim3A_198 = vector.broadcast %jit3A : f32 to vector<16xf32>
        %broadcast_in_dim3A_199 = vector.broadcast %jit3A_197 : f32 to vector<16xf32>
        %select_n3A = arith.select %eq3A_196, %broadcast_in_dim3A_198, %broadcast_in_dim3A_199 : vector<16xi1>, vector<16xf32>
        %mul3A_200 = arith.mulf %select_n3A, %exp3A : vector<16xf32>
        %add3A_201 = arith.addf %broadcast_in_dim3A_170, %mul3A_200 : vector<16xf32>
        %get3A_202 = arith.index_cast %scan3A_167 : i32 to index
        %get3A_203 = arith.constant 16 : index
        %get3A_204 = tpu.vector_load %arg10[%get3A_202, %get3A_203] {strides = array<i32>} : memref<80x128xf32, #tpu.memory_space<vmem>>, vector<16xf32>,
        %get3A_205 = arith.index_cast %scan3A_167 : i32 to index
        %get3A_206 = arith.constant 16 : index
        %get3A_207 = tpu.vector_load %arg11[%get3A_205, %get3A_206] {strides = array<i32>} : memref<80x128xf32, #tpu.memory_space<vmem>>, vector<16xf32>,
        %add3A_208 = arith.addf %get3A_204, %get3A_207 : vector<16xf32>
        %get3A_209 = arith.index_cast %scan3A_167 : i32 to index
        %get3A_210 = arith.constant 16 : index
        %get3A_211 = tpu.vector_load %arg12[%get3A_209, %get3A_210] {strides = array<i32>} : memref<80x128xf32, #tpu.memory_space<vmem>>, vector<16xf32>,
        %mul3A_212 = arith.mulf %add3A_208, %get3A_211 : vector<16xf32>
        %reduce_sum3A_213 = arith.constant true
        %reduce_sum3A_214 = vector.broadcast %reduce_sum3A_213 : i1 to vector<16xi1>
        %reduce_sum3A_215 = tpu.scan <sum>, %mul3A_212 masked %reduce_sum3A_214 : vector<16xf32>, vector<16xi1> -> vector<16xf32>
        %reduce_sum3A_216 = vector.extract %reduce_sum3A_215[15] : f32 from vector<16xf32>
        %broadcast_in_dim3A_217 = vector.broadcast %reduce_sum3A_216 : f32 to vector<16xf32>
        %exp3A_218 = math.exp %broadcast_in_dim3A_217 : vector<16xf32>
        %get3A_219 = arith.index_cast %scan3A_167 : i32 to index
        %get3A_220 = arith.constant 80 : index
        %get3A_221 = tpu.vector_load %arg10[%get3A_219, %get3A_220] {strides = array<i32>} : memref<80x128xf32, #tpu.memory_space<vmem>>, vector<16xf32>,
        %get3A_222 = arith.index_cast %scan3A_167 : i32 to index
        %get3A_223 = arith.constant 80 : index
        %get3A_224 = tpu.vector_load %arg11[%get3A_222, %get3A_223] {strides = array<i32>} : memref<80x128xf32, #tpu.memory_space<vmem>>, vector<16xf32>,
        %add3A_225 = arith.addf %get3A_221, %get3A_224 : vector<16xf32>
        %mul3A_226 = arith.mulf %add3A_225, %exp3A_218 : vector<16xf32>
        %swap3A_227 = arith.index_cast %scan3A_167 : i32 to index
        %swap3A_228 = arith.constant 16 : index
        %swap3A_229 = tpu.vector_load %arg13[%swap3A_227, %swap3A_228] {strides = array<i32>} : memref<80x128xf32, #tpu.memory_space<vmem>>, vector<16xf32>,
        tpu.vector_store %arg13[%swap3A_227, %swap3A_228], %mul3A_226 {strides = array<i32>} : memref<80x128xf32, #tpu.memory_space<vmem>>, vector<16xf32>,
        %eq3A_230 = arith.constant 1 : i32
        %eq3A_231 = vector.broadcast %eq3A_230 : i32 to vector<16xi32>
        %eq3A_232 = arith.cmpi eq, %iota3A, %eq3A_231 : vector<16xi32>
        %jit3A_233 = arith.constant 1.000000e+00 : f32
        %jit3A_234 = arith.constant 0.000000e+00 : f32
        %broadcast_in_dim3A_235 = vector.broadcast %jit3A_233 : f32 to vector<16xf32>
        %broadcast_in_dim3A_236 = vector.broadcast %jit3A_234 : f32 to vector<16xf32>
        %select_n3A_237 = arith.select %eq3A_232, %broadcast_in_dim3A_235, %broadcast_in_dim3A_236 : vector<16xi1>, vector<16xf32>
        %mul3A_238 = arith.mulf %select_n3A_237, %exp3A_218 : vector<16xf32>
        %add3A_239 = arith.addf %add3A_201, %mul3A_238 : vector<16xf32>
        %get3A_240 = arith.index_cast %scan3A_167 : i32 to index
        %get3A_241 = arith.constant 32 : index
        %get3A_242 = tpu.vector_load %arg10[%get3A_240, %get3A_241] {strides = array<i32>} : memref<80x128xf32, #tpu.memory_space<vmem>>, vector<16xf32>,
        %get3A_243 = arith.index_cast %scan3A_167 : i32 to index
        %get3A_244 = arith.constant 32 : index
        %get3A_245 = tpu.vector_load %arg11[%get3A_243, %get3A_244] {strides = array<i32>} : memref<80x128xf32, #tpu.memory_space<vmem>>, vector<16xf32>,
        %add3A_246 = arith.addf %get3A_242, %get3A_245 : vector<16xf32>
        %get3A_247 = arith.index_cast %scan3A_167 : i32 to index
        %get3A_248 = arith.constant 32 : index
        %get3A_249 = tpu.vector_load %arg12[%get3A_247, %get3A_248] {strides = array<i32>} : memref<80x128xf32, #tpu.memory_space<vmem>>, vector<16xf32>,
        %mul3A_250 = arith.mulf %add3A_246, %get3A_249 : vector<16xf32>
        %reduce_sum3A_251 = arith.constant true
        %reduce_sum3A_252 = vector.broadcast %reduce_sum3A_251 : i1 to vector<16xi1>
        %reduce_sum3A_253 = tpu.scan <sum>, %mul3A_250 masked %reduce_sum3A_252 : vector<16xf32>, vector<16xi1> -> vector<16xf32>
        %reduce_sum3A_254 = vector.extract %reduce_sum3A_253[15] : f32 from vector<16xf32>
        %broadcast_in_dim3A_255 = vector.broadcast %reduce_sum3A_254 : f32 to vector<16xf32>
        %exp3A_256 = math.exp %broadcast_in_dim3A_255 : vector<16xf32>
        %get3A_257 = arith.index_cast %scan3A_167 : i32 to index
        %get3A_258 = arith.constant 96 : index
        %get3A_259 = tpu.vector_load %arg10[%get3A_257, %get3A_258] {strides = array<i32>} : memref<80x128xf32, #tpu.memory_space<vmem>>, vector<16xf32>,
        %get3A_260 = arith.index_cast %scan3A_167 : i32 to index
        %get3A_261 = arith.constant 96 : index
        %get3A_262 = tpu.vector_load %arg11[%get3A_260, %get3A_261] {strides = array<i32>} : memref<80x128xf32, #tpu.memory_space<vmem>>, vector<16xf32>,
        %add3A_263 = arith.addf %get3A_259, %get3A_262 : vector<16xf32>
        %mul3A_264 = arith.mulf %add3A_263, %exp3A_256 : vector<16xf32>
        %swap3A_265 = arith.index_cast %scan3A_167 : i32 to index
        %swap3A_266 = arith.constant 32 : index
        %swap3A_267 = tpu.vector_load %arg13[%swap3A_265, %swap3A_266] {strides = array<i32>} : memref<80x128xf32, #tpu.memory_space<vmem>>, vector<16xf32>,
        tpu.vector_store %arg13[%swap3A_265, %swap3A_266], %mul3A_264 {strides = array<i32>} : memref<80x128xf32, #tpu.memory_space<vmem>>, vector<16xf32>,
        %eq3A_268 = arith.constant 2 : i32
        %eq3A_269 = vector.broadcast %eq3A_268 : i32 to vector<16xi32>
        %eq3A_270 = arith.cmpi eq, %iota3A, %eq3A_269 : vector<16xi32>
        %jit3A_271 = arith.constant 1.000000e+00 : f32
        %jit3A_272 = arith.constant 0.000000e+00 : f32
        %broadcast_in_dim3A_273 = vector.broadcast %jit3A_271 : f32 to vector<16xf32>
        %broadcast_in_dim3A_274 = vector.broadcast %jit3A_272 : f32 to vector<16xf32>
        %select_n3A_275 = arith.select %eq3A_270, %broadcast_in_dim3A_273, %broadcast_in_dim3A_274 : vector<16xi1>, vector<16xf32>
        %mul3A_276 = arith.mulf %select_n3A_275, %exp3A_256 : vector<16xf32>
        %add3A_277 = arith.addf %add3A_239, %mul3A_276 : vector<16xf32>
        %get3A_278 = arith.index_cast %scan3A_167 : i32 to index
        %get3A_279 = arith.constant 48 : index
        %get3A_280 = tpu.vector_load %arg10[%get3A_278, %get3A_279] {strides = array<i32>} : memref<80x128xf32, #tpu.memory_space<vmem>>, vector<16xf32>,
        %get3A_281 = arith.index_cast %scan3A_167 : i32 to index
        %get3A_282 = arith.constant 48 : index
        %get3A_283 = tpu.vector_load %arg11[%get3A_281, %get3A_282] {strides = array<i32>} : memref<80x128xf32, #tpu.memory_space<vmem>>, vector<16xf32>,
        %add3A_284 = arith.addf %get3A_280, %get3A_283 : vector<16xf32>
        %get3A_285 = arith.index_cast %scan3A_167 : i32 to index
        %get3A_286 = arith.constant 48 : index
        %get3A_287 = tpu.vector_load %arg12[%get3A_285, %get3A_286] {strides = array<i32>} : memref<80x128xf32, #tpu.memory_space<vmem>>, vector<16xf32>,
        %mul3A_288 = arith.mulf %add3A_284, %get3A_287 : vector<16xf32>
        %reduce_sum3A_289 = arith.constant true
        %reduce_sum3A_290 = vector.broadcast %reduce_sum3A_289 : i1 to vector<16xi1>
        %reduce_sum3A_291 = tpu.scan <sum>, %mul3A_288 masked %reduce_sum3A_290 : vector<16xf32>, vector<16xi1> -> vector<16xf32>
        %reduce_sum3A_292 = vector.extract %reduce_sum3A_291[15] : f32 from vector<16xf32>
        %broadcast_in_dim3A_293 = vector.broadcast %reduce_sum3A_292 : f32 to vector<16xf32>
        %exp3A_294 = math.exp %broadcast_in_dim3A_293 : vector<16xf32>
        %get3A_295 = arith.index_cast %scan3A_167 : i32 to index
        %get3A_296 = arith.constant 112 : index
        %get3A_297 = tpu.vector_load %arg10[%get3A_295, %get3A_296] {strides = array<i32>} : memref<80x128xf32, #tpu.memory_space<vmem>>, vector<16xf32>,
        %get3A_298 = arith.index_cast %scan3A_167 : i32 to index
        %get3A_299 = arith.constant 112 : index
        %get3A_300 = tpu.vector_load %arg11[%get3A_298, %get3A_299] {strides = array<i32>} : memref<80x128xf32, #tpu.memory_space<vmem>>, vector<16xf32>,
        %add3A_301 = arith.addf %get3A_297, %get3A_300 : vector<16xf32>
        %mul3A_302 = arith.mulf %add3A_301, %exp3A_294 : vector<16xf32>
        %swap3A_303 = arith.index_cast %scan3A_167 : i32 to index
        %swap3A_304 = arith.constant 48 : index
        %swap3A_305 = tpu.vector_load %arg13[%swap3A_303, %swap3A_304] {strides = array<i32>} : memref<80x128xf32, #tpu.memory_space<vmem>>, vector<16xf32>,
        tpu.vector_store %arg13[%swap3A_303, %swap3A_304], %mul3A_302 {strides = array<i32>} : memref<80x128xf32, #tpu.memory_space<vmem>>, vector<16xf32>,
        %eq3A_306 = arith.constant 3 : i32
        %eq3A_307 = vector.broadcast %eq3A_306 : i32 to vector<16xi32>
        %eq3A_308 = arith.cmpi eq, %iota3A, %eq3A_307 : vector<16xi32>
        %jit3A_309 = arith.constant 1.000000e+00 : f32
        %jit3A_310 = arith.constant 0.000000e+00 : f32
        %broadcast_in_dim3A_311 = vector.broadcast %jit3A_309 : f32 to vector<16xf32>
        %broadcast_in_dim3A_312 = vector.broadcast %jit3A_310 : f32 to vector<16xf32>
        %select_n3A_313 = arith.select %eq3A_308, %broadcast_in_dim3A_311, %broadcast_in_dim3A_312 : vector<16xi1>, vector<16xf32>
        %mul3A_314 = arith.mulf %select_n3A_313, %exp3A_294 : vector<16xf32>
        %add3A_315 = arith.addf %add3A_277, %mul3A_314 : vector<16xf32>
        %swap3A_316 = arith.index_cast %scan3A_167 : i32 to index
        %swap3A_317 = arith.constant 64 : index
        %swap3A_318 = tpu.vector_load %arg13[%swap3A_316, %swap3A_317] {strides = array<i32>} : memref<80x128xf32, #tpu.memory_space<vmem>>, vector<16xf32>,
        tpu.vector_store %arg13[%swap3A_316, %swap3A_317], %add3A_315 {strides = array<i32>} : memref<80x128xf32, #tpu.memory_space<vmem>>, vector<16xf32>,
        %scan3A_319 = arith.constant 0 : i32
        scf.yield %scan3A_319 : i32
      }
      %scan3A_165 = arith.constant 80 : i32
      "tpu.region"() ({
        %run_scoped3A_167 = tpu.sem_alloc : memref<!tpu.dma_semaphore, #tpu.memory_space<semaphore_mem>>
        %dma_start3A_168 = arith.constant 0 : i32
        %dma_start3A_169 = arith.constant 0 : i32
        %dma_start3A_170 = tpu.memref_slice %arg14[%dma_start3A_168, %dma_start3A_169] : memref<10000x128xf32, #tpu.memory_space<vmem_shared>> -> memref<10000x128xf32, #tpu.memory_space<vmem_shared>>
        tpu.enqueue_indirect_dma source(%arg13 : memref<80x128xf32, #tpu.memory_space<vmem>>) target(%dma_start3A_170 : memref<10000x128xf32, #tpu.memory_space<vmem_shared>>) offsets(%arg9 : memref<80xi32, #tpu.memory_space<vmem>>) semaphore(%run_scoped3A_167 : memref<!tpu.dma_semaphore, #tpu.memory_space<semaphore_mem>>) {add = true}
        %dma_wait3A_171 = arith.constant 0 : i32
        %dma_wait3A_172 = arith.constant 0 : i32
        %dma_wait3A_173 = tpu.memref_slice %arg14[%dma_wait3A_171, %dma_wait3A_172] : memref<10000x128xf32, #tpu.memory_space<vmem_shared>> -> memref<10000x128xf32, #tpu.memory_space<vmem_shared>>
        tpu.wait_indirect_dma semaphore(%run_scoped3A_167 : memref<!tpu.dma_semaphore, #tpu.memory_space<semaphore_mem>>) src(%arg13 : memref<80x128xf32, #tpu.memory_space<vmem>>) dst(%dma_wait3A_173 : memref<10000x128xf32, #tpu.memory_space<vmem_shared>>)
        tpu.yield
      }) : () -> ()
      %scan3A_166 = arith.constant 0 : i32
      scf.yield %scan3A_166 : i32
    }
    %scan3A_67 = arith.constant 125 : i32
    %barrier3A_68 = arith.constant 0 : index
    tpu.barrier barrier_id(%barrier3A_68)
    %add3A_69 = arith.constant 0 : i32
    %add3A_70 = arith.addi %arg1, %add3A_69 : i32
    %lt3A_71 = arith.constant 125 : i32
    %lt3A_72 = arith.cmpi slt, %add3A_70, %lt3A_71 : i32
    %convert_element_type3A_73 = arith.extui %lt3A_72 : i1 to i32
    %cond3A_74 = arith.constant 0 : i32
    %cond3A_75 = arith.cmpi ne, %convert_element_type3A_73, %cond3A_74 : i32
    scf.if %cond3A_75 {
      %mul3A_125 = arith.constant 80 : i32
      %mul3A_126 = arith.muli %add3A_70, %mul3A_125 : i32
      %mul3A_127 = arith.constant 80 : i32
      %mul3A_128 = arith.muli %add3A_70, %mul3A_127 : i32
      "tpu.region"() ({
        %run_scoped3A = tpu.sem_alloc : memref<!tpu.dma_semaphore, #tpu.memory_space<semaphore_mem>>
        %dma_start3A = arith.constant 0 : i32
        %dma_start3A_129 = tpu.memref_slice %arg7[%arg0, %mul3A_128, %dma_start3A] : memref<2x10000x128xf32, #tpu.memory_space<hbm>> -> memref<1x80x128xf32, #tpu.memory_space<hbm>>
        %dma_start3A_130 = tpu.memref_squeeze %dma_start3A_129 : memref<1x80x128xf32, #tpu.memory_space<hbm>> -> memref<80x128xf32, #tpu.memory_space<hbm>>
        %dma_start3A_131 = arith.constant 0 : i32
        %dma_start3A_132 = tpu.memref_slice %arg14[%mul3A_126, %dma_start3A_131] : memref<10000x128xf32, #tpu.memory_space<vmem_shared>> -> memref<80x128xf32, #tpu.memory_space<vmem_shared>>
        tpu.enqueue_dma source(%dma_start3A_132 : memref<80x128xf32, #tpu.memory_space<vmem_shared>>) target(%dma_start3A_130 : memref<80x128xf32, #tpu.memory_space<hbm>>) target_semaphore(%run_scoped3A : memref<!tpu.dma_semaphore, #tpu.memory_space<semaphore_mem>>)
        %dma_wait3A = arith.constant 0 : i32
        %dma_wait3A_133 = tpu.memref_slice %arg7[%arg0, %mul3A_128, %dma_wait3A] : memref<2x10000x128xf32, #tpu.memory_space<hbm>> -> memref<1x80x128xf32, #tpu.memory_space<hbm>>
        %dma_wait3A_134 = tpu.memref_squeeze %dma_wait3A_133 : memref<1x80x128xf32, #tpu.memory_space<hbm>> -> memref<80x128xf32, #tpu.memory_space<hbm>>
        %dma_wait3A_135 = arith.constant 0 : i32
        %dma_wait3A_136 = tpu.memref_slice %arg14[%mul3A_126, %dma_wait3A_135] : memref<10000x128xf32, #tpu.memory_space<vmem_shared>> -> memref<80x128xf32, #tpu.memory_space<vmem_shared>>
        tpu.wait_dma2 semaphore(%run_scoped3A : memref<!tpu.dma_semaphore, #tpu.memory_space<semaphore_mem>>) src(%dma_wait3A_136 : memref<80x128xf32, #tpu.memory_space<vmem_shared>>) dst(%dma_wait3A_134 : memref<80x128xf32, #tpu.memory_space<hbm>>)
        tpu.yield
      }) : () -> ()
    } else {
    }
    %add3A_76 = arith.constant 16 : i32
    %add3A_77 = arith.addi %arg1, %add3A_76 : i32
    %lt3A_78 = arith.constant 125 : i32
    %lt3A_79 = arith.cmpi slt, %add3A_77, %lt3A_78 : i32
    %convert_element_type3A_80 = arith.extui %lt3A_79 : i1 to i32
    %cond3A_81 = arith.constant 0 : i32
    %cond3A_82 = arith.cmpi ne, %convert_element_type3A_80, %cond3A_81 : i32
    scf.if %cond3A_82 {
      %mul3A_125 = arith.constant 80 : i32
      %mul3A_126 = arith.muli %add3A_77, %mul3A_125 : i32
      %mul3A_127 = arith.constant 80 : i32
      %mul3A_128 = arith.muli %add3A_77, %mul3A_127 : i32
      "tpu.region"() ({
        %run_scoped3A = tpu.sem_alloc : memref<!tpu.dma_semaphore, #tpu.memory_space<semaphore_mem>>
        %dma_start3A = arith.constant 0 : i32
        %dma_start3A_129 = tpu.memref_slice %arg7[%arg0, %mul3A_128, %dma_start3A] : memref<2x10000x128xf32, #tpu.memory_space<hbm>> -> memref<1x80x128xf32, #tpu.memory_space<hbm>>
        %dma_start3A_130 = tpu.memref_squeeze %dma_start3A_129 : memref<1x80x128xf32, #tpu.memory_space<hbm>> -> memref<80x128xf32, #tpu.memory_space<hbm>>
        %dma_start3A_131 = arith.constant 0 : i32
        %dma_start3A_132 = tpu.memref_slice %arg14[%mul3A_126, %dma_start3A_131] : memref<10000x128xf32, #tpu.memory_space<vmem_shared>> -> memref<80x128xf32, #tpu.memory_space<vmem_shared>>
        tpu.enqueue_dma source(%dma_start3A_132 : memref<80x128xf32, #tpu.memory_space<vmem_shared>>) target(%dma_start3A_130 : memref<80x128xf32, #tpu.memory_space<hbm>>) target_semaphore(%run_scoped3A : memref<!tpu.dma_semaphore, #tpu.memory_space<semaphore_mem>>)
        %dma_wait3A = arith.constant 0 : i32
        %dma_wait3A_133 = tpu.memref_slice %arg7[%arg0, %mul3A_128, %dma_wait3A] : memref<2x10000x128xf32, #tpu.memory_space<hbm>> -> memref<1x80x128xf32, #tpu.memory_space<hbm>>
        %dma_wait3A_134 = tpu.memref_squeeze %dma_wait3A_133 : memref<1x80x128xf32, #tpu.memory_space<hbm>> -> memref<80x128xf32, #tpu.memory_space<hbm>>
        %dma_wait3A_135 = arith.constant 0 : i32
        %dma_wait3A_136 = tpu.memref_slice %arg14[%mul3A_126, %dma_wait3A_135] : memref<10000x128xf32, #tpu.memory_space<vmem_shared>> -> memref<80x128xf32, #tpu.memory_space<vmem_shared>>
        tpu.wait_dma2 semaphore(%run_scoped3A : memref<!tpu.dma_semaphore, #tpu.memory_space<semaphore_mem>>) src(%dma_wait3A_136 : memref<80x128xf32, #tpu.memory_space<vmem_shared>>) dst(%dma_wait3A_134 : memref<80x128xf32, #tpu.memory_space<hbm>>)
        tpu.yield
      }) : () -> ()
    } else {
    }
    %add3A_83 = arith.constant 32 : i32
    %add3A_84 = arith.addi %arg1, %add3A_83 : i32
    %lt3A_85 = arith.constant 125 : i32
    %lt3A_86 = arith.cmpi slt, %add3A_84, %lt3A_85 : i32
    %convert_element_type3A_87 = arith.extui %lt3A_86 : i1 to i32
    %cond3A_88 = arith.constant 0 : i32
    %cond3A_89 = arith.cmpi ne, %convert_element_type3A_87, %cond3A_88 : i32
    scf.if %cond3A_89 {
      %mul3A_125 = arith.constant 80 : i32
      %mul3A_126 = arith.muli %add3A_84, %mul3A_125 : i32
      %mul3A_127 = arith.constant 80 : i32
      %mul3A_128 = arith.muli %add3A_84, %mul3A_127 : i32
      "tpu.region"() ({
        %run_scoped3A = tpu.sem_alloc : memref<!tpu.dma_semaphore, #tpu.memory_space<semaphore_mem>>
        %dma_start3A = arith.constant 0 : i32
        %dma_start3A_129 = tpu.memref_slice %arg7[%arg0, %mul3A_128, %dma_start3A] : memref<2x10000x128xf32, #tpu.memory_space<hbm>> -> memref<1x80x128xf32, #tpu.memory_space<hbm>>
        %dma_start3A_130 = tpu.memref_squeeze %dma_start3A_129 : memref<1x80x128xf32, #tpu.memory_space<hbm>> -> memref<80x128xf32, #tpu.memory_space<hbm>>
        %dma_start3A_131 = arith.constant 0 : i32
        %dma_start3A_132 = tpu.memref_slice %arg14[%mul3A_126, %dma_start3A_131] : memref<10000x128xf32, #tpu.memory_space<vmem_shared>> -> memref<80x128xf32, #tpu.memory_space<vmem_shared>>
        tpu.enqueue_dma source(%dma_start3A_132 : memref<80x128xf32, #tpu.memory_space<vmem_shared>>) target(%dma_start3A_130 : memref<80x128xf32, #tpu.memory_space<hbm>>) target_semaphore(%run_scoped3A : memref<!tpu.dma_semaphore, #tpu.memory_space<semaphore_mem>>)
        %dma_wait3A = arith.constant 0 : i32
        %dma_wait3A_133 = tpu.memref_slice %arg7[%arg0, %mul3A_128, %dma_wait3A] : memref<2x10000x128xf32, #tpu.memory_space<hbm>> -> memref<1x80x128xf32, #tpu.memory_space<hbm>>
        %dma_wait3A_134 = tpu.memref_squeeze %dma_wait3A_133 : memref<1x80x128xf32, #tpu.memory_space<hbm>> -> memref<80x128xf32, #tpu.memory_space<hbm>>
        %dma_wait3A_135 = arith.constant 0 : i32
        %dma_wait3A_136 = tpu.memref_slice %arg14[%mul3A_126, %dma_wait3A_135] : memref<10000x128xf32, #tpu.memory_space<vmem_shared>> -> memref<80x128xf32, #tpu.memory_space<vmem_shared>>
        tpu.wait_dma2 semaphore(%run_scoped3A : memref<!tpu.dma_semaphore, #tpu.memory_space<semaphore_mem>>) src(%dma_wait3A_136 : memref<80x128xf32, #tpu.memory_space<vmem_shared>>) dst(%dma_wait3A_134 : memref<80x128xf32, #tpu.memory_space<hbm>>)
        tpu.yield
      }) : () -> ()
    } else {
    }
    %add3A_90 = arith.constant 48 : i32
    %add3A_91 = arith.addi %arg1, %add3A_90 : i32
    %lt3A_92 = arith.constant 125 : i32
    %lt3A_93 = arith.cmpi slt, %add3A_91, %lt3A_92 : i32
    %convert_element_type3A_94 = arith.extui %lt3A_93 : i1 to i32
    %cond3A_95 = arith.constant 0 : i32
    %cond3A_96 = arith.cmpi ne, %convert_element_type3A_94, %cond3A_95 : i32
    scf.if %cond3A_96 {
      %mul3A_125 = arith.constant 80 : i32
      %mul3A_126 = arith.muli %add3A_91, %mul3A_125 : i32
      %mul3A_127 = arith.constant 80 : i32
      %mul3A_128 = arith.muli %add3A_91, %mul3A_127 : i32
      "tpu.region"() ({
        %run_scoped3A = tpu.sem_alloc : memref<!tpu.dma_semaphore, #tpu.memory_space<semaphore_mem>>
        %dma_start3A = arith.constant 0 : i32
        %dma_start3A_129 = tpu.memref_slice %arg7[%arg0, %mul3A_128, %dma_start3A] : memref<2x10000x128xf32, #tpu.memory_space<hbm>> -> memref<1x80x128xf32, #tpu.memory_space<hbm>>
        %dma_start3A_130 = tpu.memref_squeeze %dma_start3A_129 : memref<1x80x128xf32, #tpu.memory_space<hbm>> -> memref<80x128xf32, #tpu.memory_space<hbm>>
        %dma_start3A_131 = arith.constant 0 : i32
        %dma_start3A_132 = tpu.memref_slice %arg14[%mul3A_126, %dma_start3A_131] : memref<10000x128xf32, #tpu.memory_space<vmem_shared>> -> memref<80x128xf32, #tpu.memory_space<vmem_shared>>
        tpu.enqueue_dma source(%dma_start3A_132 : memref<80x128xf32, #tpu.memory_space<vmem_shared>>) target(%dma_start3A_130 : memref<80x128xf32, #tpu.memory_space<hbm>>) target_semaphore(%run_scoped3A : memref<!tpu.dma_semaphore, #tpu.memory_space<semaphore_mem>>)
        %dma_wait3A = arith.constant 0 : i32
        %dma_wait3A_133 = tpu.memref_slice %arg7[%arg0, %mul3A_128, %dma_wait3A] : memref<2x10000x128xf32, #tpu.memory_space<hbm>> -> memref<1x80x128xf32, #tpu.memory_space<hbm>>
        %dma_wait3A_134 = tpu.memref_squeeze %dma_wait3A_133 : memref<1x80x128xf32, #tpu.memory_space<hbm>> -> memref<80x128xf32, #tpu.memory_space<hbm>>
        %dma_wait3A_135 = arith.constant 0 : i32
        %dma_wait3A_136 = tpu.memref_slice %arg14[%mul3A_126, %dma_wait3A_135] : memref<10000x128xf32, #tpu.memory_space<vmem_shared>> -> memref<80x128xf32, #tpu.memory_space<vmem_shared>>
        tpu.wait_dma2 semaphore(%run_scoped3A : memref<!tpu.dma_semaphore, #tpu.memory_space<semaphore_mem>>) src(%dma_wait3A_136 : memref<80x128xf32, #tpu.memory_space<vmem_shared>>) dst(%dma_wait3A_134 : memref<80x128xf32, #tpu.memory_space<hbm>>)
        tpu.yield
      }) : () -> ()
    } else {
    }
    %add3A_97 = arith.constant 64 : i32
    %add3A_98 = arith.addi %arg1, %add3A_97 : i32
    %lt3A_99 = arith.constant 125 : i32
    %lt3A_100 = arith.cmpi slt, %add3A_98, %lt3A_99 : i32
    %convert_element_type3A_101 = arith.extui %lt3A_100 : i1 to i32
    %cond3A_102 = arith.constant 0 : i32
    %cond3A_103 = arith.cmpi ne, %convert_element_type3A_101, %cond3A_102 : i32
    scf.if %cond3A_103 {
      %mul3A_125 = arith.constant 80 : i32
      %mul3A_126 = arith.muli %add3A_98, %mul3A_125 : i32
      %mul3A_127 = arith.constant 80 : i32
      %mul3A_128 = arith.muli %add3A_98, %mul3A_127 : i32
      "tpu.region"() ({
        %run_scoped3A = tpu.sem_alloc : memref<!tpu.dma_semaphore, #tpu.memory_space<semaphore_mem>>
        %dma_start3A = arith.constant 0 : i32
        %dma_start3A_129 = tpu.memref_slice %arg7[%arg0, %mul3A_128, %dma_start3A] : memref<2x10000x128xf32, #tpu.memory_space<hbm>> -> memref<1x80x128xf32, #tpu.memory_space<hbm>>
        %dma_start3A_130 = tpu.memref_squeeze %dma_start3A_129 : memref<1x80x128xf32, #tpu.memory_space<hbm>> -> memref<80x128xf32, #tpu.memory_space<hbm>>
        %dma_start3A_131 = arith.constant 0 : i32
        %dma_start3A_132 = tpu.memref_slice %arg14[%mul3A_126, %dma_start3A_131] : memref<10000x128xf32, #tpu.memory_space<vmem_shared>> -> memref<80x128xf32, #tpu.memory_space<vmem_shared>>
        tpu.enqueue_dma source(%dma_start3A_132 : memref<80x128xf32, #tpu.memory_space<vmem_shared>>) target(%dma_start3A_130 : memref<80x128xf32, #tpu.memory_space<hbm>>) target_semaphore(%run_scoped3A : memref<!tpu.dma_semaphore, #tpu.memory_space<semaphore_mem>>)
        %dma_wait3A = arith.constant 0 : i32
        %dma_wait3A_133 = tpu.memref_slice %arg7[%arg0, %mul3A_128, %dma_wait3A] : memref<2x10000x128xf32, #tpu.memory_space<hbm>> -> memref<1x80x128xf32, #tpu.memory_space<hbm>>
        %dma_wait3A_134 = tpu.memref_squeeze %dma_wait3A_133 : memref<1x80x128xf32, #tpu.memory_space<hbm>> -> memref<80x128xf32, #tpu.memory_space<hbm>>
        %dma_wait3A_135 = arith.constant 0 : i32
        %dma_wait3A_136 = tpu.memref_slice %arg14[%mul3A_126, %dma_wait3A_135] : memref<10000x128xf32, #tpu.memory_space<vmem_shared>> -> memref<80x128xf32, #tpu.memory_space<vmem_shared>>
        tpu.wait_dma2 semaphore(%run_scoped3A : memref<!tpu.dma_semaphore, #tpu.memory_space<semaphore_mem>>) src(%dma_wait3A_136 : memref<80x128xf32, #tpu.memory_space<vmem_shared>>) dst(%dma_wait3A_134 : memref<80x128xf32, #tpu.memory_space<hbm>>)
        tpu.yield
      }) : () -> ()
    } else {
    }
    %add3A_104 = arith.constant 80 : i32
    %add3A_105 = arith.addi %arg1, %add3A_104 : i32
    %lt3A_106 = arith.constant 125 : i32
    %lt3A_107 = arith.cmpi slt, %add3A_105, %lt3A_106 : i32
    %convert_element_type3A_108 = arith.extui %lt3A_107 : i1 to i32
    %cond3A_109 = arith.constant 0 : i32
    %cond3A_110 = arith.cmpi ne, %convert_element_type3A_108, %cond3A_109 : i32
    scf.if %cond3A_110 {
      %mul3A_125 = arith.constant 80 : i32
      %mul3A_126 = arith.muli %add3A_105, %mul3A_125 : i32
      %mul3A_127 = arith.constant 80 : i32
      %mul3A_128 = arith.muli %add3A_105, %mul3A_127 : i32
      "tpu.region"() ({
        %run_scoped3A = tpu.sem_alloc : memref<!tpu.dma_semaphore, #tpu.memory_space<semaphore_mem>>
        %dma_start3A = arith.constant 0 : i32
        %dma_start3A_129 = tpu.memref_slice %arg7[%arg0, %mul3A_128, %dma_start3A] : memref<2x10000x128xf32, #tpu.memory_space<hbm>> -> memref<1x80x128xf32, #tpu.memory_space<hbm>>
        %dma_start3A_130 = tpu.memref_squeeze %dma_start3A_129 : memref<1x80x128xf32, #tpu.memory_space<hbm>> -> memref<80x128xf32, #tpu.memory_space<hbm>>
        %dma_start3A_131 = arith.constant 0 : i32
        %dma_start3A_132 = tpu.memref_slice %arg14[%mul3A_126, %dma_start3A_131] : memref<10000x128xf32, #tpu.memory_space<vmem_shared>> -> memref<80x128xf32, #tpu.memory_space<vmem_shared>>
        tpu.enqueue_dma source(%dma_start3A_132 : memref<80x128xf32, #tpu.memory_space<vmem_shared>>) target(%dma_start3A_130 : memref<80x128xf32, #tpu.memory_space<hbm>>) target_semaphore(%run_scoped3A : memref<!tpu.dma_semaphore, #tpu.memory_space<semaphore_mem>>)
        %dma_wait3A = arith.constant 0 : i32
        %dma_wait3A_133 = tpu.memref_slice %arg7[%arg0, %mul3A_128, %dma_wait3A] : memref<2x10000x128xf32, #tpu.memory_space<hbm>> -> memref<1x80x128xf32, #tpu.memory_space<hbm>>
        %dma_wait3A_134 = tpu.memref_squeeze %dma_wait3A_133 : memref<1x80x128xf32, #tpu.memory_space<hbm>> -> memref<80x128xf32, #tpu.memory_space<hbm>>
        %dma_wait3A_135 = arith.constant 0 : i32
        %dma_wait3A_136 = tpu.memref_slice %arg14[%mul3A_126, %dma_wait3A_135] : memref<10000x128xf32, #tpu.memory_space<vmem_shared>> -> memref<80x128xf32, #tpu.memory_space<vmem_shared>>
        tpu.wait_dma2 semaphore(%run_scoped3A : memref<!tpu.dma_semaphore, #tpu.memory_space<semaphore_mem>>) src(%dma_wait3A_136 : memref<80x128xf32, #tpu.memory_space<vmem_shared>>) dst(%dma_wait3A_134 : memref<80x128xf32, #tpu.memory_space<hbm>>)
        tpu.yield
      }) : () -> ()
    } else {
    }
    %add3A_111 = arith.constant 96 : i32
    %add3A_112 = arith.addi %arg1, %add3A_111 : i32
    %lt3A_113 = arith.constant 125 : i32
    %lt3A_114 = arith.cmpi slt, %add3A_112, %lt3A_113 : i32
    %convert_element_type3A_115 = arith.extui %lt3A_114 : i1 to i32
    %cond3A_116 = arith.constant 0 : i32
    %cond3A_117 = arith.cmpi ne, %convert_element_type3A_115, %cond3A_116 : i32
    scf.if %cond3A_117 {
      %mul3A_125 = arith.constant 80 : i32
      %mul3A_126 = arith.muli %add3A_112, %mul3A_125 : i32
      %mul3A_127 = arith.constant 80 : i32
      %mul3A_128 = arith.muli %add3A_112, %mul3A_127 : i32
      "tpu.region"() ({
        %run_scoped3A = tpu.sem_alloc : memref<!tpu.dma_semaphore, #tpu.memory_space<semaphore_mem>>
        %dma_start3A = arith.constant 0 : i32
        %dma_start3A_129 = tpu.memref_slice %arg7[%arg0, %mul3A_128, %dma_start3A] : memref<2x10000x128xf32, #tpu.memory_space<hbm>> -> memref<1x80x128xf32, #tpu.memory_space<hbm>>
        %dma_start3A_130 = tpu.memref_squeeze %dma_start3A_129 : memref<1x80x128xf32, #tpu.memory_space<hbm>> -> memref<80x128xf32, #tpu.memory_space<hbm>>
        %dma_start3A_131 = arith.constant 0 : i32
        %dma_start3A_132 = tpu.memref_slice %arg14[%mul3A_126, %dma_start3A_131] : memref<10000x128xf32, #tpu.memory_space<vmem_shared>> -> memref<80x128xf32, #tpu.memory_space<vmem_shared>>
        tpu.enqueue_dma source(%dma_start3A_132 : memref<80x128xf32, #tpu.memory_space<vmem_shared>>) target(%dma_start3A_130 : memref<80x128xf32, #tpu.memory_space<hbm>>) target_semaphore(%run_scoped3A : memref<!tpu.dma_semaphore, #tpu.memory_space<semaphore_mem>>)
        %dma_wait3A = arith.constant 0 : i32
        %dma_wait3A_133 = tpu.memref_slice %arg7[%arg0, %mul3A_128, %dma_wait3A] : memref<2x10000x128xf32, #tpu.memory_space<hbm>> -> memref<1x80x128xf32, #tpu.memory_space<hbm>>
        %dma_wait3A_134 = tpu.memref_squeeze %dma_wait3A_133 : memref<1x80x128xf32, #tpu.memory_space<hbm>> -> memref<80x128xf32, #tpu.memory_space<hbm>>
        %dma_wait3A_135 = arith.constant 0 : i32
        %dma_wait3A_136 = tpu.memref_slice %arg14[%mul3A_126, %dma_wait3A_135] : memref<10000x128xf32, #tpu.memory_space<vmem_shared>> -> memref<80x128xf32, #tpu.memory_space<vmem_shared>>
        tpu.wait_dma2 semaphore(%run_scoped3A : memref<!tpu.dma_semaphore, #tpu.memory_space<semaphore_mem>>) src(%dma_wait3A_136 : memref<80x128xf32, #tpu.memory_space<vmem_shared>>) dst(%dma_wait3A_134 : memref<80x128xf32, #tpu.memory_space<hbm>>)
        tpu.yield
      }) : () -> ()
    } else {
    }
    %add3A_118 = arith.constant 112 : i32
    %add3A_119 = arith.addi %arg1, %add3A_118 : i32
    %lt3A_120 = arith.constant 125 : i32
    %lt3A_121 = arith.cmpi slt, %add3A_119, %lt3A_120 : i32
    %convert_element_type3A_122 = arith.extui %lt3A_121 : i1 to i32
    %cond3A_123 = arith.constant 0 : i32
    %cond3A_124 = arith.cmpi ne, %convert_element_type3A_122, %cond3A_123 : i32
    scf.if %cond3A_124 {
      %mul3A_125 = arith.constant 80 : i32
      %mul3A_126 = arith.muli %add3A_119, %mul3A_125 : i32
      %mul3A_127 = arith.constant 80 : i32
      %mul3A_128 = arith.muli %add3A_119, %mul3A_127 : i32
      "tpu.region"() ({
        %run_scoped3A = tpu.sem_alloc : memref<!tpu.dma_semaphore, #tpu.memory_space<semaphore_mem>>
        %dma_start3A = arith.constant 0 : i32
        %dma_start3A_129 = tpu.memref_slice %arg7[%arg0, %mul3A_128, %dma_start3A] : memref<2x10000x128xf32, #tpu.memory_space<hbm>> -> memref<1x80x128xf32, #tpu.memory_space<hbm>>
        %dma_start3A_130 = tpu.memref_squeeze %dma_start3A_129 : memref<1x80x128xf32, #tpu.memory_space<hbm>> -> memref<80x128xf32, #tpu.memory_space<hbm>>
        %dma_start3A_131 = arith.constant 0 : i32
        %dma_start3A_132 = tpu.memref_slice %arg14[%mul3A_126, %dma_start3A_131] : memref<10000x128xf32, #tpu.memory_space<vmem_shared>> -> memref<80x128xf32, #tpu.memory_space<vmem_shared>>
        tpu.enqueue_dma source(%dma_start3A_132 : memref<80x128xf32, #tpu.memory_space<vmem_shared>>) target(%dma_start3A_130 : memref<80x128xf32, #tpu.memory_space<hbm>>) target_semaphore(%run_scoped3A : memref<!tpu.dma_semaphore, #tpu.memory_space<semaphore_mem>>)
        %dma_wait3A = arith.constant 0 : i32
        %dma_wait3A_133 = tpu.memref_slice %arg7[%arg0, %mul3A_128, %dma_wait3A] : memref<2x10000x128xf32, #tpu.memory_space<hbm>> -> memref<1x80x128xf32, #tpu.memory_space<hbm>>
        %dma_wait3A_134 = tpu.memref_squeeze %dma_wait3A_133 : memref<1x80x128xf32, #tpu.memory_space<hbm>> -> memref<80x128xf32, #tpu.memory_space<hbm>>
        %dma_wait3A_135 = arith.constant 0 : i32
        %dma_wait3A_136 = tpu.memref_slice %arg14[%mul3A_126, %dma_wait3A_135] : memref<10000x128xf32, #tpu.memory_space<vmem_shared>> -> memref<80x128xf32, #tpu.memory_space<vmem_shared>>
        tpu.wait_dma2 semaphore(%run_scoped3A : memref<!tpu.dma_semaphore, #tpu.memory_space<semaphore_mem>>) src(%dma_wait3A_136 : memref<80x128xf32, #tpu.memory_space<vmem_shared>>) dst(%dma_wait3A_134 : memref<80x128xf32, #tpu.memory_space<hbm>>)
        tpu.yield
      }) : () -> ()
    } else {
    }
    return
  }
}

module attributes {stable_mosaic.version = 14 : i64} {
  func.func @_adapt_body(%arg0: i32, %arg1: memref<1000x128xf32, #tpu.memory_space<vmem>>, %arg2: memref<1000x1xi32, #tpu.memory_space<vmem>>, %arg3: memref<3x64x128xf32, #tpu.memory_space<vmem>>, %arg4: memref<3x64xf32, #tpu.memory_space<vmem>>, %arg5: memref<1000x64xf32, #tpu.memory_space<vmem>>) attributes {dimension_semantics = [#tpu.dimension_semantics<arbitrary>], iteration_bounds = array<i64: 10>, scalar_prefetch = 0 : i64, scratch_operands = 0 : i64, tpu.core_type = #tpu.core_type<tc>, window_params = [{transform_indices = @transform_0, window_bounds = array<i64: 1000, 128>}, {transform_indices = @transform_1, window_bounds = array<i64: 1000, 1>}, {pipeline_mode = #tpu.pipeline_mode<synchronous>, transform_indices = @transform_2, window_bounds = array<i64: 3, 64, 128>}, {pipeline_mode = #tpu.pipeline_mode<synchronous>, transform_indices = @transform_3, window_bounds = array<i64: 3, 64>}, {transform_indices = @transform_4, window_bounds = array<i64: 1000, 64>}]} {
    %get3A = arith.constant 0 : index
    %get3A_0 = arith.constant 0 : index
    %get3A_1 = vector.load %arg1[%get3A, %get3A_0] : memref<1000x128xf32, #tpu.memory_space<vmem>>, vector<1000x128xf32>
    %get3A_2 = arith.constant 0 : index
    %get3A_3 = arith.constant 0 : index
    %get3A_4 = vector.load %arg2[%get3A_2, %get3A_3] : memref<1000x1xi32, #tpu.memory_space<vmem>>, vector<1000x1xi32>
    %broadcast_in_dim3A = arith.constant 0.000000e+00 : f32
    %broadcast_in_dim3A_5 = vector.broadcast %broadcast_in_dim3A : f32 to vector<1000x64xf32>
    %get3A_6 = arith.constant 0 : index
    %get3A_7 = arith.constant 0 : index
    %get3A_8 = arith.constant 0 : index
    %get3A_9 = vector.load %arg3[%get3A_6, %get3A_7, %get3A_8] : memref<3x64x128xf32, #tpu.memory_space<vmem>>, vector<1x64x128xf32>
    %get3A_10 = vector.shape_cast %get3A_9 : vector<1x64x128xf32> to vector<64x128xf32>
    %dot_general3A = arith.constant dense<0.000000e+00> : vector<1000x64xf32>
    %dot_general3A_11 = tpu.matmul %get3A_1, %get3A_10, %dot_general3A {dimension_numbers = #tpu.dot_dimension_numbers<[1], [1], [0], [0], [0, 0, 1, 0], [], []>, transpose_lhs_hint = false} : vector<1000x128xf32>, vector<64x128xf32>, vector<1000x64xf32> -> vector<1000x64xf32>
    %get3A_12 = arith.constant 0 : index
    %get3A_13 = arith.constant 0 : index
    %get3A_14 = vector.load %arg4[%get3A_12, %get3A_13] : memref<3x64xf32, #tpu.memory_space<vmem>>, vector<1x64xf32>
    %get3A_15 = vector.shape_cast %get3A_14 : vector<1x64xf32> to vector<64xf32>
    %broadcast_in_dim3A_16 = vector.shape_cast %get3A_15 : vector<64xf32> to vector<1x64xf32>
    %add3A = vector.broadcast %broadcast_in_dim3A_16 : vector<1x64xf32> to vector<1000x64xf32>
    %add3A_17 = arith.addf %dot_general3A_11, %add3A : vector<1000x64xf32>
    %tanh3A = math.tanh %add3A_17 : vector<1000x64xf32>
    %eq3A = arith.constant 0 : i32
    %eq3A_18 = vector.broadcast %eq3A : i32 to vector<1000x1xi32>
    %eq3A_19 = arith.cmpi eq, %get3A_4, %eq3A_18 : vector<1000x1xi32>
    %jit3A = arith.constant 1.000000e+00 : f32
    %jit3A_20 = arith.constant 0.000000e+00 : f32
    %broadcast_in_dim3A_21 = vector.broadcast %jit3A : f32 to vector<1000x1xf32>
    %broadcast_in_dim3A_22 = vector.broadcast %jit3A_20 : f32 to vector<1000x1xf32>
    %select_n3A = arith.select %eq3A_19, %broadcast_in_dim3A_21, %broadcast_in_dim3A_22 : vector<1000x1xi1>, vector<1000x1xf32>
    %mul3A = vector.broadcast %select_n3A : vector<1000x1xf32> to vector<1000x64xf32>
    %mul3A_23 = arith.mulf %mul3A, %tanh3A : vector<1000x64xf32>
    %add3A_24 = arith.addf %broadcast_in_dim3A_5, %mul3A_23 : vector<1000x64xf32>
    %get3A_25 = arith.constant 1 : index
    %get3A_26 = arith.constant 0 : index
    %get3A_27 = arith.constant 0 : index
    %get3A_28 = vector.load %arg3[%get3A_25, %get3A_26, %get3A_27] : memref<3x64x128xf32, #tpu.memory_space<vmem>>, vector<1x64x128xf32>
    %get3A_29 = vector.shape_cast %get3A_28 : vector<1x64x128xf32> to vector<64x128xf32>
    %dot_general3A_30 = arith.constant dense<0.000000e+00> : vector<1000x64xf32>
    %dot_general3A_31 = tpu.matmul %get3A_1, %get3A_29, %dot_general3A_30 {dimension_numbers = #tpu.dot_dimension_numbers<[1], [1], [0], [0], [0, 0, 1, 0], [], []>, transpose_lhs_hint = false} : vector<1000x128xf32>, vector<64x128xf32>, vector<1000x64xf32> -> vector<1000x64xf32>
    %get3A_32 = arith.constant 1 : index
    %get3A_33 = arith.constant 0 : index
    %get3A_34 = vector.load %arg4[%get3A_32, %get3A_33] : memref<3x64xf32, #tpu.memory_space<vmem>>, vector<1x64xf32>
    %get3A_35 = vector.shape_cast %get3A_34 : vector<1x64xf32> to vector<64xf32>
    %broadcast_in_dim3A_36 = vector.shape_cast %get3A_35 : vector<64xf32> to vector<1x64xf32>
    %add3A_37 = vector.broadcast %broadcast_in_dim3A_36 : vector<1x64xf32> to vector<1000x64xf32>
    %add3A_38 = arith.addf %dot_general3A_31, %add3A_37 : vector<1000x64xf32>
    %tanh3A_39 = math.tanh %add3A_38 : vector<1000x64xf32>
    %eq3A_40 = arith.constant 1 : i32
    %eq3A_41 = vector.broadcast %eq3A_40 : i32 to vector<1000x1xi32>
    %eq3A_42 = arith.cmpi eq, %get3A_4, %eq3A_41 : vector<1000x1xi32>
    %jit3A_43 = arith.constant 1.000000e+00 : f32
    %jit3A_44 = arith.constant 0.000000e+00 : f32
    %broadcast_in_dim3A_45 = vector.broadcast %jit3A_43 : f32 to vector<1000x1xf32>
    %broadcast_in_dim3A_46 = vector.broadcast %jit3A_44 : f32 to vector<1000x1xf32>
    %select_n3A_47 = arith.select %eq3A_42, %broadcast_in_dim3A_45, %broadcast_in_dim3A_46 : vector<1000x1xi1>, vector<1000x1xf32>
    %mul3A_48 = vector.broadcast %select_n3A_47 : vector<1000x1xf32> to vector<1000x64xf32>
    %mul3A_49 = arith.mulf %mul3A_48, %tanh3A_39 : vector<1000x64xf32>
    %add3A_50 = arith.addf %add3A_24, %mul3A_49 : vector<1000x64xf32>
    %get3A_51 = arith.constant 2 : index
    %get3A_52 = arith.constant 0 : index
    %get3A_53 = arith.constant 0 : index
    %get3A_54 = vector.load %arg3[%get3A_51, %get3A_52, %get3A_53] : memref<3x64x128xf32, #tpu.memory_space<vmem>>, vector<1x64x128xf32>
    %get3A_55 = vector.shape_cast %get3A_54 : vector<1x64x128xf32> to vector<64x128xf32>
    %dot_general3A_56 = arith.constant dense<0.000000e+00> : vector<1000x64xf32>
    %dot_general3A_57 = tpu.matmul %get3A_1, %get3A_55, %dot_general3A_56 {dimension_numbers = #tpu.dot_dimension_numbers<[1], [1], [0], [0], [0, 0, 1, 0], [], []>, transpose_lhs_hint = false} : vector<1000x128xf32>, vector<64x128xf32>, vector<1000x64xf32> -> vector<1000x64xf32>
    %get3A_58 = arith.constant 2 : index
    %get3A_59 = arith.constant 0 : index
    %get3A_60 = vector.load %arg4[%get3A_58, %get3A_59] : memref<3x64xf32, #tpu.memory_space<vmem>>, vector<1x64xf32>
    %get3A_61 = vector.shape_cast %get3A_60 : vector<1x64xf32> to vector<64xf32>
    %broadcast_in_dim3A_62 = vector.shape_cast %get3A_61 : vector<64xf32> to vector<1x64xf32>
    %add3A_63 = vector.broadcast %broadcast_in_dim3A_62 : vector<1x64xf32> to vector<1000x64xf32>
    %add3A_64 = arith.addf %dot_general3A_57, %add3A_63 : vector<1000x64xf32>
    %tanh3A_65 = math.tanh %add3A_64 : vector<1000x64xf32>
    %eq3A_66 = arith.constant 2 : i32
    %eq3A_67 = vector.broadcast %eq3A_66 : i32 to vector<1000x1xi32>
    %eq3A_68 = arith.cmpi eq, %get3A_4, %eq3A_67 : vector<1000x1xi32>
    %jit3A_69 = arith.constant 1.000000e+00 : f32
    %jit3A_70 = arith.constant 0.000000e+00 : f32
    %broadcast_in_dim3A_71 = vector.broadcast %jit3A_69 : f32 to vector<1000x1xf32>
    %broadcast_in_dim3A_72 = vector.broadcast %jit3A_70 : f32 to vector<1000x1xf32>
    %select_n3A_73 = arith.select %eq3A_68, %broadcast_in_dim3A_71, %broadcast_in_dim3A_72 : vector<1000x1xi1>, vector<1000x1xf32>
    %mul3A_74 = vector.broadcast %select_n3A_73 : vector<1000x1xf32> to vector<1000x64xf32>
    %mul3A_75 = arith.mulf %mul3A_74, %tanh3A_65 : vector<1000x64xf32>
    %add3A_76 = arith.addf %add3A_50, %mul3A_75 : vector<1000x64xf32>
    %swap3A = arith.constant 0 : index
    %swap3A_77 = arith.constant 0 : index
    %swap3A_78 = vector.load %arg5[%swap3A, %swap3A_77] : memref<1000x64xf32, #tpu.memory_space<vmem>>, vector<1000x64xf32>
    tpu.vector_store %arg5[%swap3A, %swap3A_77], %add3A_76 {strides = array<i32>} : memref<1000x64xf32, #tpu.memory_space<vmem>>, vector<1000x64xf32>,
    return
  }
  func.func @transform_0(%arg0: i32) -> (i32, i32) {
    %c0_i32 = arith.constant 0 : i32
    %c0_i32_0 = arith.constant 0 : i32
    return %arg0, %c0_i32 : i32, i32
  }
  func.func @transform_1(%arg0: i32) -> (i32, i32) {
    %c0_i32 = arith.constant 0 : i32
    %c0_i32_0 = arith.constant 0 : i32
    return %arg0, %c0_i32 : i32, i32
  }
  func.func @transform_2(%arg0: i32) -> (i32, i32, i32) {
    %c0_i32 = arith.constant 0 : i32
    %c0_i32_0 = arith.constant 0 : i32
    %c0_i32_1 = arith.constant 0 : i32
    %c0_i32_2 = arith.constant 0 : i32
    return %c0_i32, %c0_i32_0, %c0_i32_1 : i32, i32, i32
  }
  func.func @transform_3(%arg0: i32) -> (i32, i32) {
    %c0_i32 = arith.constant 0 : i32
    %c0_i32_0 = arith.constant 0 : i32
    %c0_i32_1 = arith.constant 0 : i32
    return %c0_i32, %c0_i32_0 : i32, i32
  }
  func.func @transform_4(%arg0: i32) -> (i32, i32) {
    %c0_i32 = arith.constant 0 : i32
    %c0_i32_0 = arith.constant 0 : i32
    return %arg0, %c0_i32 : i32, i32
  }
}

module attributes {stable_mosaic.version = 14 : i64} {
  func.func @_node_body(%arg0: i32, %arg1: memref<1000x64xf32, #tpu.memory_space<vmem>>, %arg2: memref<1000x1xi32, #tpu.memory_space<vmem>>, %arg3: memref<3x4x64x128xf32, #tpu.memory_space<vmem>>, %arg4: memref<3x64x64xf32, #tpu.memory_space<vmem>>, %arg5: memref<3x64xf32, #tpu.memory_space<vmem>>, %arg6: memref<1000x512xf32, #tpu.memory_space<vmem>>, %arg7: memref<1000x128xf32, #tpu.memory_space<vmem>>) attributes {dimension_semantics = [#tpu.dimension_semantics<arbitrary>], iteration_bounds = array<i64: 10>, scalar_prefetch = 0 : i64, scratch_operands = 0 : i64, tpu.core_type = #tpu.core_type<tc>, window_params = [{transform_indices = @transform_0, window_bounds = array<i64: 1000, 64>}, {transform_indices = @transform_1, window_bounds = array<i64: 1000, 1>}, {pipeline_mode = #tpu.pipeline_mode<synchronous>, transform_indices = @transform_2, window_bounds = array<i64: 3, 4, 64, 128>}, {pipeline_mode = #tpu.pipeline_mode<synchronous>, transform_indices = @transform_3, window_bounds = array<i64: 3, 64, 64>}, {pipeline_mode = #tpu.pipeline_mode<synchronous>, transform_indices = @transform_4, window_bounds = array<i64: 3, 64>}, {transform_indices = @transform_5, window_bounds = array<i64: 1000, 512>}, {transform_indices = @transform_6, window_bounds = array<i64: 1000, 128>}]} {
    %get3A = arith.constant 0 : index
    %get3A_0 = arith.constant 0 : index
    %get3A_1 = vector.load %arg1[%get3A, %get3A_0] : memref<1000x64xf32, #tpu.memory_space<vmem>>, vector<1000x64xf32>
    %get3A_2 = arith.constant 0 : index
    %get3A_3 = arith.constant 0 : index
    %get3A_4 = vector.load %arg2[%get3A_2, %get3A_3] : memref<1000x1xi32, #tpu.memory_space<vmem>>, vector<1000x1xi32>
    %broadcast_in_dim3A = arith.constant 0.000000e+00 : f32
    %broadcast_in_dim3A_5 = vector.broadcast %broadcast_in_dim3A : f32 to vector<1000x64xf32>
    %eq3A = arith.constant 0 : i32
    %eq3A_6 = vector.broadcast %eq3A : i32 to vector<1000x1xi32>
    %eq3A_7 = arith.cmpi eq, %get3A_4, %eq3A_6 : vector<1000x1xi32>
    %jit3A = arith.constant 1.000000e+00 : f32
    %jit3A_8 = arith.constant 0.000000e+00 : f32
    %broadcast_in_dim3A_9 = vector.broadcast %jit3A : f32 to vector<1000x1xf32>
    %broadcast_in_dim3A_10 = vector.broadcast %jit3A_8 : f32 to vector<1000x1xf32>
    %select_n3A = arith.select %eq3A_7, %broadcast_in_dim3A_9, %broadcast_in_dim3A_10 : vector<1000x1xi1>, vector<1000x1xf32>
    %mul3A = vector.broadcast %select_n3A : vector<1000x1xf32> to vector<1000x64xf32>
    %mul3A_11 = arith.mulf %mul3A, %get3A_1 : vector<1000x64xf32>
    %get3A_12 = arith.constant 0 : index
    %get3A_13 = arith.constant 0 : index
    %get3A_14 = arith.constant 0 : index
    %get3A_15 = vector.load %arg4[%get3A_12, %get3A_13, %get3A_14] : memref<3x64x64xf32, #tpu.memory_space<vmem>>, vector<1x64x64xf32>
    %get3A_16 = vector.shape_cast %get3A_15 : vector<1x64x64xf32> to vector<64x64xf32>
    %dot_general3A = arith.constant dense<0.000000e+00> : vector<1000x64xf32>
    %dot_general3A_17 = tpu.matmul %mul3A_11, %get3A_16, %dot_general3A {dimension_numbers = #tpu.dot_dimension_numbers<[1], [1], [0], [0], [0, 0, 1, 0], [], []>, transpose_lhs_hint = false} : vector<1000x64xf32>, vector<64x64xf32>, vector<1000x64xf32> -> vector<1000x64xf32>
    %add3A = arith.addf %broadcast_in_dim3A_5, %dot_general3A_17 : vector<1000x64xf32>
    %get3A_18 = arith.constant 0 : index
    %get3A_19 = arith.constant 0 : index
    %get3A_20 = vector.load %arg5[%get3A_18, %get3A_19] : memref<3x64xf32, #tpu.memory_space<vmem>>, vector<1x64xf32>
    %get3A_21 = vector.shape_cast %get3A_20 : vector<1x64xf32> to vector<64xf32>
    %broadcast_in_dim3A_22 = vector.shape_cast %get3A_21 : vector<64xf32> to vector<1x64xf32>
    %mul3A_23 = vector.broadcast %select_n3A : vector<1000x1xf32> to vector<1000x64xf32>
    %mul3A_24 = vector.broadcast %broadcast_in_dim3A_22 : vector<1x64xf32> to vector<1000x64xf32>
    %mul3A_25 = arith.mulf %mul3A_23, %mul3A_24 : vector<1000x64xf32>
    %add3A_26 = arith.addf %add3A, %mul3A_25 : vector<1000x64xf32>
    %eq3A_27 = arith.constant 1 : i32
    %eq3A_28 = vector.broadcast %eq3A_27 : i32 to vector<1000x1xi32>
    %eq3A_29 = arith.cmpi eq, %get3A_4, %eq3A_28 : vector<1000x1xi32>
    %jit3A_30 = arith.constant 1.000000e+00 : f32
    %jit3A_31 = arith.constant 0.000000e+00 : f32
    %broadcast_in_dim3A_32 = vector.broadcast %jit3A_30 : f32 to vector<1000x1xf32>
    %broadcast_in_dim3A_33 = vector.broadcast %jit3A_31 : f32 to vector<1000x1xf32>
    %select_n3A_34 = arith.select %eq3A_29, %broadcast_in_dim3A_32, %broadcast_in_dim3A_33 : vector<1000x1xi1>, vector<1000x1xf32>
    %mul3A_35 = vector.broadcast %select_n3A_34 : vector<1000x1xf32> to vector<1000x64xf32>
    %mul3A_36 = arith.mulf %mul3A_35, %get3A_1 : vector<1000x64xf32>
    %get3A_37 = arith.constant 1 : index
    %get3A_38 = arith.constant 0 : index
    %get3A_39 = arith.constant 0 : index
    %get3A_40 = vector.load %arg4[%get3A_37, %get3A_38, %get3A_39] : memref<3x64x64xf32, #tpu.memory_space<vmem>>, vector<1x64x64xf32>
    %get3A_41 = vector.shape_cast %get3A_40 : vector<1x64x64xf32> to vector<64x64xf32>
    %dot_general3A_42 = arith.constant dense<0.000000e+00> : vector<1000x64xf32>
    %dot_general3A_43 = tpu.matmul %mul3A_36, %get3A_41, %dot_general3A_42 {dimension_numbers = #tpu.dot_dimension_numbers<[1], [1], [0], [0], [0, 0, 1, 0], [], []>, transpose_lhs_hint = false} : vector<1000x64xf32>, vector<64x64xf32>, vector<1000x64xf32> -> vector<1000x64xf32>
    %add3A_44 = arith.addf %add3A_26, %dot_general3A_43 : vector<1000x64xf32>
    %get3A_45 = arith.constant 1 : index
    %get3A_46 = arith.constant 0 : index
    %get3A_47 = vector.load %arg5[%get3A_45, %get3A_46] : memref<3x64xf32, #tpu.memory_space<vmem>>, vector<1x64xf32>
    %get3A_48 = vector.shape_cast %get3A_47 : vector<1x64xf32> to vector<64xf32>
    %broadcast_in_dim3A_49 = vector.shape_cast %get3A_48 : vector<64xf32> to vector<1x64xf32>
    %mul3A_50 = vector.broadcast %select_n3A_34 : vector<1000x1xf32> to vector<1000x64xf32>
    %mul3A_51 = vector.broadcast %broadcast_in_dim3A_49 : vector<1x64xf32> to vector<1000x64xf32>
    %mul3A_52 = arith.mulf %mul3A_50, %mul3A_51 : vector<1000x64xf32>
    %add3A_53 = arith.addf %add3A_44, %mul3A_52 : vector<1000x64xf32>
    %eq3A_54 = arith.constant 2 : i32
    %eq3A_55 = vector.broadcast %eq3A_54 : i32 to vector<1000x1xi32>
    %eq3A_56 = arith.cmpi eq, %get3A_4, %eq3A_55 : vector<1000x1xi32>
    %jit3A_57 = arith.constant 1.000000e+00 : f32
    %jit3A_58 = arith.constant 0.000000e+00 : f32
    %broadcast_in_dim3A_59 = vector.broadcast %jit3A_57 : f32 to vector<1000x1xf32>
    %broadcast_in_dim3A_60 = vector.broadcast %jit3A_58 : f32 to vector<1000x1xf32>
    %select_n3A_61 = arith.select %eq3A_56, %broadcast_in_dim3A_59, %broadcast_in_dim3A_60 : vector<1000x1xi1>, vector<1000x1xf32>
    %mul3A_62 = vector.broadcast %select_n3A_61 : vector<1000x1xf32> to vector<1000x64xf32>
    %mul3A_63 = arith.mulf %mul3A_62, %get3A_1 : vector<1000x64xf32>
    %get3A_64 = arith.constant 2 : index
    %get3A_65 = arith.constant 0 : index
    %get3A_66 = arith.constant 0 : index
    %get3A_67 = vector.load %arg4[%get3A_64, %get3A_65, %get3A_66] : memref<3x64x64xf32, #tpu.memory_space<vmem>>, vector<1x64x64xf32>
    %get3A_68 = vector.shape_cast %get3A_67 : vector<1x64x64xf32> to vector<64x64xf32>
    %dot_general3A_69 = arith.constant dense<0.000000e+00> : vector<1000x64xf32>
    %dot_general3A_70 = tpu.matmul %mul3A_63, %get3A_68, %dot_general3A_69 {dimension_numbers = #tpu.dot_dimension_numbers<[1], [1], [0], [0], [0, 0, 1, 0], [], []>, transpose_lhs_hint = false} : vector<1000x64xf32>, vector<64x64xf32>, vector<1000x64xf32> -> vector<1000x64xf32>
    %add3A_71 = arith.addf %add3A_53, %dot_general3A_70 : vector<1000x64xf32>
    %get3A_72 = arith.constant 2 : index
    %get3A_73 = arith.constant 0 : index
    %get3A_74 = vector.load %arg5[%get3A_72, %get3A_73] : memref<3x64xf32, #tpu.memory_space<vmem>>, vector<1x64xf32>
    %get3A_75 = vector.shape_cast %get3A_74 : vector<1x64xf32> to vector<64xf32>
    %broadcast_in_dim3A_76 = vector.shape_cast %get3A_75 : vector<64xf32> to vector<1x64xf32>
    %mul3A_77 = vector.broadcast %select_n3A_61 : vector<1000x1xf32> to vector<1000x64xf32>
    %mul3A_78 = vector.broadcast %broadcast_in_dim3A_76 : vector<1x64xf32> to vector<1000x64xf32>
    %mul3A_79 = arith.mulf %mul3A_77, %mul3A_78 : vector<1000x64xf32>
    %add3A_80 = arith.addf %add3A_71, %mul3A_79 : vector<1000x64xf32>
    %broadcast_in_dim3A_81 = arith.constant 0.000000e+00 : f32
    %broadcast_in_dim3A_82 = vector.broadcast %broadcast_in_dim3A_81 : f32 to vector<1000x64xf32>
    %concatenate3A = tpu.concatenate %add3A_80, %broadcast_in_dim3A_82 in 1 : vector<1000x64xf32>, vector<1000x64xf32> -> vector<1000x128xf32>
    %swap3A = arith.constant 0 : index
    %swap3A_83 = arith.constant 0 : index
    %swap3A_84 = vector.load %arg7[%swap3A, %swap3A_83] : memref<1000x128xf32, #tpu.memory_space<vmem>>, vector<1000x128xf32>
    tpu.vector_store %arg7[%swap3A, %swap3A_83], %concatenate3A {strides = array<i32>} : memref<1000x128xf32, #tpu.memory_space<vmem>>, vector<1000x128xf32>,
    %broadcast_in_dim3A_85 = arith.constant 0.000000e+00 : f32
    %broadcast_in_dim3A_86 = vector.broadcast %broadcast_in_dim3A_85 : f32 to vector<1000x128xf32>
    %get3A_87 = arith.constant 0 : index
    %get3A_88 = arith.constant 0 : index
    %get3A_89 = arith.constant 0 : index
    %get3A_90 = arith.constant 0 : index
    %get3A_91 = vector.load %arg3[%get3A_87, %get3A_88, %get3A_89, %get3A_90] : memref<3x4x64x128xf32, #tpu.memory_space<vmem>>, vector<1x1x64x128xf32>
    %get3A_92 = vector.shape_cast %get3A_91 : vector<1x1x64x128xf32> to vector<64x128xf32>
    %dot_general3A_93 = arith.constant dense<0.000000e+00> : vector<1000x128xf32>
    %dot_general3A_94 = tpu.matmul %mul3A_11, %get3A_92, %dot_general3A_93 {dimension_numbers = #tpu.dot_dimension_numbers<[1], [0], [0], [1], [0, 0, 1, 1], [], []>, transpose_lhs_hint = false} : vector<1000x64xf32>, vector<64x128xf32>, vector<1000x128xf32> -> vector<1000x128xf32>
    %add3A_95 = arith.addf %broadcast_in_dim3A_86, %dot_general3A_94 : vector<1000x128xf32>
    %get3A_96 = arith.constant 1 : index
    %get3A_97 = arith.constant 0 : index
    %get3A_98 = arith.constant 0 : index
    %get3A_99 = arith.constant 0 : index
    %get3A_100 = vector.load %arg3[%get3A_96, %get3A_97, %get3A_98, %get3A_99] : memref<3x4x64x128xf32, #tpu.memory_space<vmem>>, vector<1x1x64x128xf32>
    %get3A_101 = vector.shape_cast %get3A_100 : vector<1x1x64x128xf32> to vector<64x128xf32>
    %dot_general3A_102 = arith.constant dense<0.000000e+00> : vector<1000x128xf32>
    %dot_general3A_103 = tpu.matmul %mul3A_36, %get3A_101, %dot_general3A_102 {dimension_numbers = #tpu.dot_dimension_numbers<[1], [0], [0], [1], [0, 0, 1, 1], [], []>, transpose_lhs_hint = false} : vector<1000x64xf32>, vector<64x128xf32>, vector<1000x128xf32> -> vector<1000x128xf32>
    %add3A_104 = arith.addf %add3A_95, %dot_general3A_103 : vector<1000x128xf32>
    %get3A_105 = arith.constant 2 : index
    %get3A_106 = arith.constant 0 : index
    %get3A_107 = arith.constant 0 : index
    %get3A_108 = arith.constant 0 : index
    %get3A_109 = vector.load %arg3[%get3A_105, %get3A_106, %get3A_107, %get3A_108] : memref<3x4x64x128xf32, #tpu.memory_space<vmem>>, vector<1x1x64x128xf32>
    %get3A_110 = vector.shape_cast %get3A_109 : vector<1x1x64x128xf32> to vector<64x128xf32>
    %dot_general3A_111 = arith.constant dense<0.000000e+00> : vector<1000x128xf32>
    %dot_general3A_112 = tpu.matmul %mul3A_63, %get3A_110, %dot_general3A_111 {dimension_numbers = #tpu.dot_dimension_numbers<[1], [0], [0], [1], [0, 0, 1, 1], [], []>, transpose_lhs_hint = false} : vector<1000x64xf32>, vector<64x128xf32>, vector<1000x128xf32> -> vector<1000x128xf32>
    %add3A_113 = arith.addf %add3A_104, %dot_general3A_112 : vector<1000x128xf32>
    %swap3A_114 = arith.constant 0 : index
    %swap3A_115 = arith.constant 0 : index
    %swap3A_116 = vector.load %arg6[%swap3A_114, %swap3A_115] : memref<1000x512xf32, #tpu.memory_space<vmem>>, vector<1000x128xf32>
    tpu.vector_store %arg6[%swap3A_114, %swap3A_115], %add3A_113 {strides = array<i32>} : memref<1000x512xf32, #tpu.memory_space<vmem>>, vector<1000x128xf32>,
    %broadcast_in_dim3A_117 = arith.constant 0.000000e+00 : f32
    %broadcast_in_dim3A_118 = vector.broadcast %broadcast_in_dim3A_117 : f32 to vector<1000x128xf32>
    %get3A_119 = arith.constant 0 : index
    %get3A_120 = arith.constant 1 : index
    %get3A_121 = arith.constant 0 : index
    %get3A_122 = arith.constant 0 : index
    %get3A_123 = vector.load %arg3[%get3A_119, %get3A_120, %get3A_121, %get3A_122] : memref<3x4x64x128xf32, #tpu.memory_space<vmem>>, vector<1x1x64x128xf32>
    %get3A_124 = vector.shape_cast %get3A_123 : vector<1x1x64x128xf32> to vector<64x128xf32>
    %dot_general3A_125 = arith.constant dense<0.000000e+00> : vector<1000x128xf32>
    %dot_general3A_126 = tpu.matmul %mul3A_11, %get3A_124, %dot_general3A_125 {dimension_numbers = #tpu.dot_dimension_numbers<[1], [0], [0], [1], [0, 0, 1, 1], [], []>, transpose_lhs_hint = false} : vector<1000x64xf32>, vector<64x128xf32>, vector<1000x128xf32> -> vector<1000x128xf32>
    %add3A_127 = arith.addf %broadcast_in_dim3A_118, %dot_general3A_126 : vector<1000x128xf32>
    %get3A_128 = arith.constant 1 : index
    %get3A_129 = arith.constant 1 : index
    %get3A_130 = arith.constant 0 : index
    %get3A_131 = arith.constant 0 : index
    %get3A_132 = vector.load %arg3[%get3A_128, %get3A_129, %get3A_130, %get3A_131] : memref<3x4x64x128xf32, #tpu.memory_space<vmem>>, vector<1x1x64x128xf32>
    %get3A_133 = vector.shape_cast %get3A_132 : vector<1x1x64x128xf32> to vector<64x128xf32>
    %dot_general3A_134 = arith.constant dense<0.000000e+00> : vector<1000x128xf32>
    %dot_general3A_135 = tpu.matmul %mul3A_36, %get3A_133, %dot_general3A_134 {dimension_numbers = #tpu.dot_dimension_numbers<[1], [0], [0], [1], [0, 0, 1, 1], [], []>, transpose_lhs_hint = false} : vector<1000x64xf32>, vector<64x128xf32>, vector<1000x128xf32> -> vector<1000x128xf32>
    %add3A_136 = arith.addf %add3A_127, %dot_general3A_135 : vector<1000x128xf32>
    %get3A_137 = arith.constant 2 : index
    %get3A_138 = arith.constant 1 : index
    %get3A_139 = arith.constant 0 : index
    %get3A_140 = arith.constant 0 : index
    %get3A_141 = vector.load %arg3[%get3A_137, %get3A_138, %get3A_139, %get3A_140] : memref<3x4x64x128xf32, #tpu.memory_space<vmem>>, vector<1x1x64x128xf32>
    %get3A_142 = vector.shape_cast %get3A_141 : vector<1x1x64x128xf32> to vector<64x128xf32>
    %dot_general3A_143 = arith.constant dense<0.000000e+00> : vector<1000x128xf32>
    %dot_general3A_144 = tpu.matmul %mul3A_63, %get3A_142, %dot_general3A_143 {dimension_numbers = #tpu.dot_dimension_numbers<[1], [0], [0], [1], [0, 0, 1, 1], [], []>, transpose_lhs_hint = false} : vector<1000x64xf32>, vector<64x128xf32>, vector<1000x128xf32> -> vector<1000x128xf32>
    %add3A_145 = arith.addf %add3A_136, %dot_general3A_144 : vector<1000x128xf32>
    %swap3A_146 = arith.constant 0 : index
    %swap3A_147 = arith.constant 128 : index
    %swap3A_148 = vector.load %arg6[%swap3A_146, %swap3A_147] : memref<1000x512xf32, #tpu.memory_space<vmem>>, vector<1000x128xf32>
    tpu.vector_store %arg6[%swap3A_146, %swap3A_147], %add3A_145 {strides = array<i32>} : memref<1000x512xf32, #tpu.memory_space<vmem>>, vector<1000x128xf32>,
    %broadcast_in_dim3A_149 = arith.constant 0.000000e+00 : f32
    %broadcast_in_dim3A_150 = vector.broadcast %broadcast_in_dim3A_149 : f32 to vector<1000x128xf32>
    %get3A_151 = arith.constant 0 : index
    %get3A_152 = arith.constant 2 : index
    %get3A_153 = arith.constant 0 : index
    %get3A_154 = arith.constant 0 : index
    %get3A_155 = vector.load %arg3[%get3A_151, %get3A_152, %get3A_153, %get3A_154] : memref<3x4x64x128xf32, #tpu.memory_space<vmem>>, vector<1x1x64x128xf32>
    %get3A_156 = vector.shape_cast %get3A_155 : vector<1x1x64x128xf32> to vector<64x128xf32>
    %dot_general3A_157 = arith.constant dense<0.000000e+00> : vector<1000x128xf32>
    %dot_general3A_158 = tpu.matmul %mul3A_11, %get3A_156, %dot_general3A_157 {dimension_numbers = #tpu.dot_dimension_numbers<[1], [0], [0], [1], [0, 0, 1, 1], [], []>, transpose_lhs_hint = false} : vector<1000x64xf32>, vector<64x128xf32>, vector<1000x128xf32> -> vector<1000x128xf32>
    %add3A_159 = arith.addf %broadcast_in_dim3A_150, %dot_general3A_158 : vector<1000x128xf32>
    %get3A_160 = arith.constant 1 : index
    %get3A_161 = arith.constant 2 : index
    %get3A_162 = arith.constant 0 : index
    %get3A_163 = arith.constant 0 : index
    %get3A_164 = vector.load %arg3[%get3A_160, %get3A_161, %get3A_162, %get3A_163] : memref<3x4x64x128xf32, #tpu.memory_space<vmem>>, vector<1x1x64x128xf32>
    %get3A_165 = vector.shape_cast %get3A_164 : vector<1x1x64x128xf32> to vector<64x128xf32>
    %dot_general3A_166 = arith.constant dense<0.000000e+00> : vector<1000x128xf32>
    %dot_general3A_167 = tpu.matmul %mul3A_36, %get3A_165, %dot_general3A_166 {dimension_numbers = #tpu.dot_dimension_numbers<[1], [0], [0], [1], [0, 0, 1, 1], [], []>, transpose_lhs_hint = false} : vector<1000x64xf32>, vector<64x128xf32>, vector<1000x128xf32> -> vector<1000x128xf32>
    %add3A_168 = arith.addf %add3A_159, %dot_general3A_167 : vector<1000x128xf32>
    %get3A_169 = arith.constant 2 : index
    %get3A_170 = arith.constant 2 : index
    %get3A_171 = arith.constant 0 : index
    %get3A_172 = arith.constant 0 : index
    %get3A_173 = vector.load %arg3[%get3A_169, %get3A_170, %get3A_171, %get3A_172] : memref<3x4x64x128xf32, #tpu.memory_space<vmem>>, vector<1x1x64x128xf32>
    %get3A_174 = vector.shape_cast %get3A_173 : vector<1x1x64x128xf32> to vector<64x128xf32>
    %dot_general3A_175 = arith.constant dense<0.000000e+00> : vector<1000x128xf32>
    %dot_general3A_176 = tpu.matmul %mul3A_63, %get3A_174, %dot_general3A_175 {dimension_numbers = #tpu.dot_dimension_numbers<[1], [0], [0], [1], [0, 0, 1, 1], [], []>, transpose_lhs_hint = false} : vector<1000x64xf32>, vector<64x128xf32>, vector<1000x128xf32> -> vector<1000x128xf32>
    %add3A_177 = arith.addf %add3A_168, %dot_general3A_176 : vector<1000x128xf32>
    %swap3A_178 = arith.constant 0 : index
    %swap3A_179 = arith.constant 256 : index
    %swap3A_180 = vector.load %arg6[%swap3A_178, %swap3A_179] : memref<1000x512xf32, #tpu.memory_space<vmem>>, vector<1000x128xf32>
    tpu.vector_store %arg6[%swap3A_178, %swap3A_179], %add3A_177 {strides = array<i32>} : memref<1000x512xf32, #tpu.memory_space<vmem>>, vector<1000x128xf32>,
    %broadcast_in_dim3A_181 = arith.constant 0.000000e+00 : f32
    %broadcast_in_dim3A_182 = vector.broadcast %broadcast_in_dim3A_181 : f32 to vector<1000x128xf32>
    %get3A_183 = arith.constant 0 : index
    %get3A_184 = arith.constant 3 : index
    %get3A_185 = arith.constant 0 : index
    %get3A_186 = arith.constant 0 : index
    %get3A_187 = vector.load %arg3[%get3A_183, %get3A_184, %get3A_185, %get3A_186] : memref<3x4x64x128xf32, #tpu.memory_space<vmem>>, vector<1x1x64x128xf32>
    %get3A_188 = vector.shape_cast %get3A_187 : vector<1x1x64x128xf32> to vector<64x128xf32>
    %dot_general3A_189 = arith.constant dense<0.000000e+00> : vector<1000x128xf32>
    %dot_general3A_190 = tpu.matmul %mul3A_11, %get3A_188, %dot_general3A_189 {dimension_numbers = #tpu.dot_dimension_numbers<[1], [0], [0], [1], [0, 0, 1, 1], [], []>, transpose_lhs_hint = false} : vector<1000x64xf32>, vector<64x128xf32>, vector<1000x128xf32> -> vector<1000x128xf32>
    %add3A_191 = arith.addf %broadcast_in_dim3A_182, %dot_general3A_190 : vector<1000x128xf32>
    %get3A_192 = arith.constant 1 : index
    %get3A_193 = arith.constant 3 : index
    %get3A_194 = arith.constant 0 : index
    %get3A_195 = arith.constant 0 : index
    %get3A_196 = vector.load %arg3[%get3A_192, %get3A_193, %get3A_194, %get3A_195] : memref<3x4x64x128xf32, #tpu.memory_space<vmem>>, vector<1x1x64x128xf32>
    %get3A_197 = vector.shape_cast %get3A_196 : vector<1x1x64x128xf32> to vector<64x128xf32>
    %dot_general3A_198 = arith.constant dense<0.000000e+00> : vector<1000x128xf32>
    %dot_general3A_199 = tpu.matmul %mul3A_36, %get3A_197, %dot_general3A_198 {dimension_numbers = #tpu.dot_dimension_numbers<[1], [0], [0], [1], [0, 0, 1, 1], [], []>, transpose_lhs_hint = false} : vector<1000x64xf32>, vector<64x128xf32>, vector<1000x128xf32> -> vector<1000x128xf32>
    %add3A_200 = arith.addf %add3A_191, %dot_general3A_199 : vector<1000x128xf32>
    %get3A_201 = arith.constant 2 : index
    %get3A_202 = arith.constant 3 : index
    %get3A_203 = arith.constant 0 : index
    %get3A_204 = arith.constant 0 : index
    %get3A_205 = vector.load %arg3[%get3A_201, %get3A_202, %get3A_203, %get3A_204] : memref<3x4x64x128xf32, #tpu.memory_space<vmem>>, vector<1x1x64x128xf32>
    %get3A_206 = vector.shape_cast %get3A_205 : vector<1x1x64x128xf32> to vector<64x128xf32>
    %dot_general3A_207 = arith.constant dense<0.000000e+00> : vector<1000x128xf32>
    %dot_general3A_208 = tpu.matmul %mul3A_63, %get3A_206, %dot_general3A_207 {dimension_numbers = #tpu.dot_dimension_numbers<[1], [0], [0], [1], [0, 0, 1, 1], [], []>, transpose_lhs_hint = false} : vector<1000x64xf32>, vector<64x128xf32>, vector<1000x128xf32> -> vector<1000x128xf32>
    %add3A_209 = arith.addf %add3A_200, %dot_general3A_208 : vector<1000x128xf32>
    %swap3A_210 = arith.constant 0 : index
    %swap3A_211 = arith.constant 384 : index
    %swap3A_212 = vector.load %arg6[%swap3A_210, %swap3A_211] : memref<1000x512xf32, #tpu.memory_space<vmem>>, vector<1000x128xf32>
    tpu.vector_store %arg6[%swap3A_210, %swap3A_211], %add3A_209 {strides = array<i32>} : memref<1000x512xf32, #tpu.memory_space<vmem>>, vector<1000x128xf32>,
    return
  }
  func.func @transform_0(%arg0: i32) -> (i32, i32) {
    %c0_i32 = arith.constant 0 : i32
    %c0_i32_0 = arith.constant 0 : i32
    return %arg0, %c0_i32 : i32, i32
  }
  func.func @transform_1(%arg0: i32) -> (i32, i32) {
    %c0_i32 = arith.constant 0 : i32
    %c0_i32_0 = arith.constant 0 : i32
    return %arg0, %c0_i32 : i32, i32
  }
  func.func @transform_2(%arg0: i32) -> (i32, i32, i32, i32) {
    %c0_i32 = arith.constant 0 : i32
    %c0_i32_0 = arith.constant 0 : i32
    %c0_i32_1 = arith.constant 0 : i32
    %c0_i32_2 = arith.constant 0 : i32
    %c0_i32_3 = arith.constant 0 : i32
    return %c0_i32, %c0_i32_0, %c0_i32_1, %c0_i32_2 : i32, i32, i32, i32
  }
  func.func @transform_3(%arg0: i32) -> (i32, i32, i32) {
    %c0_i32 = arith.constant 0 : i32
    %c0_i32_0 = arith.constant 0 : i32
    %c0_i32_1 = arith.constant 0 : i32
    %c0_i32_2 = arith.constant 0 : i32
    return %c0_i32, %c0_i32_0, %c0_i32_1 : i32, i32, i32
  }
  func.func @transform_4(%arg0: i32) -> (i32, i32) {
    %c0_i32 = arith.constant 0 : i32
    %c0_i32_0 = arith.constant 0 : i32
    %c0_i32_1 = arith.constant 0 : i32
    return %c0_i32, %c0_i32_0 : i32, i32
  }
  func.func @transform_5(%arg0: i32) -> (i32, i32) {
    %c0_i32 = arith.constant 0 : i32
    %c0_i32_0 = arith.constant 0 : i32
    return %arg0, %c0_i32 : i32, i32
  }
  func.func @transform_6(%arg0: i32) -> (i32, i32) {
    %c0_i32 = arith.constant 0 : i32
    %c0_i32_0 = arith.constant 0 : i32
    return %arg0, %c0_i32 : i32, i32
  }
}

module attributes {stable_mosaic.version = 14 : i64} {
  func.func @_final_body(%arg0: i32, %arg1: memref<2x1000x128xf32, #tpu.memory_space<vmem>>, %arg2: memref<1000x64xf32, #tpu.memory_space<vmem>>, %arg3: memref<1000x1xi32, #tpu.memory_space<vmem>>, %arg4: memref<3x64x64xf32, #tpu.memory_space<vmem>>, %arg5: memref<3x64xf32, #tpu.memory_space<vmem>>, %arg6: memref<1x3xf32, #tpu.memory_space<vmem>>, %arg7: memref<1x64xf32, #tpu.memory_space<vmem>>, %arg8: memref<1x64xf32, #tpu.memory_space<vmem>>, %arg9: memref<1000x64xf32, #tpu.memory_space<vmem>>) attributes {dimension_semantics = [#tpu.dimension_semantics<arbitrary>], iteration_bounds = array<i64: 10>, scalar_prefetch = 0 : i64, scratch_operands = 0 : i64, tpu.core_type = #tpu.core_type<tc>, window_params = [{transform_indices = @transform_0, window_bounds = array<i64: 2, 1000, 128>}, {transform_indices = @transform_1, window_bounds = array<i64: 1000, 64>}, {transform_indices = @transform_2, window_bounds = array<i64: 1000, 1>}, {pipeline_mode = #tpu.pipeline_mode<synchronous>, transform_indices = @transform_3, window_bounds = array<i64: 3, 64, 64>}, {pipeline_mode = #tpu.pipeline_mode<synchronous>, transform_indices = @transform_4, window_bounds = array<i64: 3, 64>}, {pipeline_mode = #tpu.pipeline_mode<synchronous>, transform_indices = @transform_5, window_bounds = array<i64: 1, 3>}, {pipeline_mode = #tpu.pipeline_mode<synchronous>, transform_indices = @transform_6, window_bounds = array<i64: 1, 64>}, {pipeline_mode = #tpu.pipeline_mode<synchronous>, transform_indices = @transform_7, window_bounds = array<i64: 1, 64>}, {transform_indices = @transform_8, window_bounds = array<i64: 1000, 64>}]} {
    %get3A = arith.constant 0 : index
    %get3A_0 = arith.constant 0 : index
    %get3A_1 = arith.constant 0 : index
    %get3A_2 = vector.load %arg1[%get3A, %get3A_0, %get3A_1] : memref<2x1000x128xf32, #tpu.memory_space<vmem>>, vector<1x1000x128xf32>
    %get3A_3 = vector.shape_cast %get3A_2 : vector<1x1000x128xf32> to vector<1000x128xf32>
    %get3A_4 = arith.constant 1 : index
    %get3A_5 = arith.constant 0 : index
    %get3A_6 = arith.constant 0 : index
    %get3A_7 = vector.load %arg1[%get3A_4, %get3A_5, %get3A_6] : memref<2x1000x128xf32, #tpu.memory_space<vmem>>, vector<1x1000x128xf32>
    %get3A_8 = vector.shape_cast %get3A_7 : vector<1x1000x128xf32> to vector<1000x128xf32>
    %add3A = arith.addf %get3A_3, %get3A_8 : vector<1000x128xf32>
    %slice3A = vector.extract_strided_slice %add3A {offsets = [0, 64], sizes = [1000, 4], strides = [1, 1]} : vector<1000x128xf32> to vector<1000x4xf32>
    %iota3A = tpu.iota {dimensions = array<i32: 1>} : vector<4x64xi32>
    %jit3A = arith.constant 16 : i32
    %div3A = vector.broadcast %jit3A : i32 to vector<4x64xi32>
    %div3A_9 = arith.divsi %iota3A, %div3A : vector<4x64xi32>
    %sign3A = arith.constant 0 : i32
    %sign3A_10 = vector.broadcast %sign3A : i32 to vector<4x64xi32>
    %sign3A_11 = arith.cmpi sgt, %iota3A, %sign3A_10 : vector<4x64xi32>
    %sign3A_12 = arith.extui %sign3A_11 : vector<4x64xi1> to vector<4x64xi32>
    %sign3A_13 = arith.constant 0 : i32
    %sign3A_14 = vector.broadcast %sign3A_13 : i32 to vector<4x64xi32>
    %sign3A_15 = arith.cmpi slt, %iota3A, %sign3A_14 : vector<4x64xi32>
    %sign3A_16 = arith.extui %sign3A_15 : vector<4x64xi1> to vector<4x64xi32>
    %sign3A_17 = arith.subi %sign3A_12, %sign3A_16 : vector<4x64xi32>
    %sign3A_18 = arith.constant 0 : i32
    %sign3A_19 = arith.cmpi sgt, %jit3A, %sign3A_18 : i32
    %sign3A_20 = arith.extui %sign3A_19 : i1 to i32
    %sign3A_21 = arith.constant 0 : i32
    %sign3A_22 = arith.cmpi slt, %jit3A, %sign3A_21 : i32
    %sign3A_23 = arith.extui %sign3A_22 : i1 to i32
    %sign3A_24 = arith.subi %sign3A_20, %sign3A_23 : i32
    %ne3A = vector.broadcast %sign3A_24 : i32 to vector<4x64xi32>
    %ne3A_25 = arith.cmpi ne, %sign3A_17, %ne3A : vector<4x64xi32>
    %rem3A = vector.broadcast %jit3A : i32 to vector<4x64xi32>
    %rem3A_26 = arith.remsi %iota3A, %rem3A : vector<4x64xi32>
    %ne3A_27 = arith.constant 0 : i32
    %ne3A_28 = vector.broadcast %ne3A_27 : i32 to vector<4x64xi32>
    %ne3A_29 = arith.cmpi ne, %rem3A_26, %ne3A_28 : vector<4x64xi32>
    %and3A = arith.andi %ne3A_25, %ne3A_29 : vector<4x64xi1>
    %sub3A = arith.constant 1 : i32
    %sub3A_30 = vector.broadcast %sub3A : i32 to vector<4x64xi32>
    %sub3A_31 = arith.subi %div3A_9, %sub3A_30 : vector<4x64xi32>
    %select_n3A = arith.select %and3A, %sub3A_31, %div3A_9 : vector<4x64xi1>, vector<4x64xi32>
    %iota3A_32 = tpu.iota {dimensions = array<i32: 0>} : vector<4x64xi32>
    %eq3A = arith.cmpi eq, %select_n3A, %iota3A_32 : vector<4x64xi32>
    %convert_element_type3A = arith.extui %eq3A : vector<4x64xi1> to vector<4x64xi32>
    %convert_element_type3A_33 = arith.sitofp %convert_element_type3A : vector<4x64xi32> to vector<4x64xf32>
    %dot_general3A = arith.constant dense<0.000000e+00> : vector<1000x64xf32>
    %dot_general3A_34 = tpu.matmul %slice3A, %convert_element_type3A_33, %dot_general3A {dimension_numbers = #tpu.dot_dimension_numbers<[1], [0], [0], [1], [0, 0, 1, 1], [], []>, transpose_lhs_hint = false} : vector<1000x4xf32>, vector<4x64xf32>, vector<1000x64xf32> -> vector<1000x64xf32>
    %slice3A_35 = vector.extract_strided_slice %add3A {offsets = [0, 0], sizes = [1000, 64], strides = [1, 1]} : vector<1000x128xf32> to vector<1000x64xf32>
    %add3A_36 = arith.constant 9.99999971E-10 : f32
    %add3A_37 = vector.broadcast %add3A_36 : f32 to vector<1000x64xf32>
    %add3A_38 = arith.addf %dot_general3A_34, %add3A_37 : vector<1000x64xf32>
    %div3A_39 = arith.divf %slice3A_35, %add3A_38 : vector<1000x64xf32>
    %integer_pow3A = arith.mulf %div3A_39, %div3A_39 : vector<1000x64xf32>
    %integer_pow3A_40 = arith.mulf %div3A_39, %integer_pow3A : vector<1000x64xf32>
    %mul3A = arith.constant 4.471500e-02 : f32
    %mul3A_41 = vector.broadcast %mul3A : f32 to vector<1000x64xf32>
    %mul3A_42 = arith.mulf %mul3A_41, %integer_pow3A_40 : vector<1000x64xf32>
    %add3A_43 = arith.addf %div3A_39, %mul3A_42 : vector<1000x64xf32>
    %mul3A_44 = arith.constant 0.797884583 : f32
    %mul3A_45 = vector.broadcast %mul3A_44 : f32 to vector<1000x64xf32>
    %mul3A_46 = arith.mulf %mul3A_45, %add3A_43 : vector<1000x64xf32>
    %tanh3A = math.tanh %mul3A_46 : vector<1000x64xf32>
    %add3A_47 = arith.constant 1.000000e+00 : f32
    %add3A_48 = vector.broadcast %add3A_47 : f32 to vector<1000x64xf32>
    %add3A_49 = arith.addf %add3A_48, %tanh3A : vector<1000x64xf32>
    %mul3A_50 = arith.constant 5.000000e-01 : f32
    %mul3A_51 = vector.broadcast %mul3A_50 : f32 to vector<1000x64xf32>
    %mul3A_52 = arith.mulf %mul3A_51, %add3A_49 : vector<1000x64xf32>
    %mul3A_53 = arith.mulf %div3A_39, %mul3A_52 : vector<1000x64xf32>
    %get3A_54 = arith.constant 0 : index
    %get3A_55 = arith.constant 0 : index
    %get3A_56 = vector.load %arg3[%get3A_54, %get3A_55] : memref<1000x1xi32, #tpu.memory_space<vmem>>, vector<1000x1xi32>
    %broadcast_in_dim3A = arith.constant 0.000000e+00 : f32
    %broadcast_in_dim3A_57 = vector.broadcast %broadcast_in_dim3A : f32 to vector<1000x64xf32>
    %broadcast_in_dim3A_58 = arith.constant 0.000000e+00 : f32
    %broadcast_in_dim3A_59 = vector.broadcast %broadcast_in_dim3A_58 : f32 to vector<1000x1xf32>
    %eq3A_60 = arith.constant 0 : i32
    %eq3A_61 = vector.broadcast %eq3A_60 : i32 to vector<1000x1xi32>
    %eq3A_62 = arith.cmpi eq, %get3A_56, %eq3A_61 : vector<1000x1xi32>
    %jit3A_63 = arith.constant 1.000000e+00 : f32
    %jit3A_64 = arith.constant 0.000000e+00 : f32
    %broadcast_in_dim3A_65 = vector.broadcast %jit3A_63 : f32 to vector<1000x1xf32>
    %broadcast_in_dim3A_66 = vector.broadcast %jit3A_64 : f32 to vector<1000x1xf32>
    %select_n3A_67 = arith.select %eq3A_62, %broadcast_in_dim3A_65, %broadcast_in_dim3A_66 : vector<1000x1xi1>, vector<1000x1xf32>
    %get3A_68 = arith.constant 0 : index
    %get3A_69 = arith.constant 0 : index
    %get3A_70 = arith.constant 0 : index
    %get3A_71 = vector.load %arg4[%get3A_68, %get3A_69, %get3A_70] : memref<3x64x64xf32, #tpu.memory_space<vmem>>, vector<1x64x64xf32>
    %get3A_72 = vector.shape_cast %get3A_71 : vector<1x64x64xf32> to vector<64x64xf32>
    %dot_general3A_73 = arith.constant dense<0.000000e+00> : vector<1000x64xf32>
    %dot_general3A_74 = tpu.matmul %mul3A_53, %get3A_72, %dot_general3A_73 {dimension_numbers = #tpu.dot_dimension_numbers<[1], [1], [0], [0], [0, 0, 1, 0], [], []>, transpose_lhs_hint = false} : vector<1000x64xf32>, vector<64x64xf32>, vector<1000x64xf32> -> vector<1000x64xf32>
    %get3A_75 = arith.constant 0 : index
    %get3A_76 = arith.constant 0 : index
    %get3A_77 = vector.load %arg5[%get3A_75, %get3A_76] : memref<3x64xf32, #tpu.memory_space<vmem>>, vector<1x64xf32>
    %get3A_78 = vector.shape_cast %get3A_77 : vector<1x64xf32> to vector<64xf32>
    %broadcast_in_dim3A_79 = vector.shape_cast %get3A_78 : vector<64xf32> to vector<1x64xf32>
    %add3A_80 = vector.broadcast %broadcast_in_dim3A_79 : vector<1x64xf32> to vector<1000x64xf32>
    %add3A_81 = arith.addf %dot_general3A_74, %add3A_80 : vector<1000x64xf32>
    %mul3A_82 = vector.broadcast %select_n3A_67 : vector<1000x1xf32> to vector<1000x64xf32>
    %mul3A_83 = arith.mulf %mul3A_82, %add3A_81 : vector<1000x64xf32>
    %add3A_84 = arith.addf %broadcast_in_dim3A_57, %mul3A_83 : vector<1000x64xf32>
    %get3A_85 = arith.constant 0 : index
    %get3A_86 = arith.constant 0 : index
    %get3A_87 = vector.load %arg6[%get3A_85, %get3A_86] : memref<1x3xf32, #tpu.memory_space<vmem>>, vector<1x1xf32>
    %get3A_88 = vector.extract %get3A_87[0, 0] : f32 from vector<1x1xf32>
    %logistic3A = arith.negf %get3A_88 : f32
    %logistic3A_89 = math.exp %logistic3A : f32
    %logistic3A_90 = arith.constant 1.000000e+00 : f32
    %logistic3A_91 = arith.addf %logistic3A_90, %logistic3A_89 : f32
    %logistic3A_92 = arith.divf %logistic3A_90, %logistic3A_91 : f32
    %mul3A_93 = vector.broadcast %logistic3A_92 : f32 to vector<1000x1xf32>
    %mul3A_94 = arith.mulf %select_n3A_67, %mul3A_93 : vector<1000x1xf32>
    %add3A_95 = arith.addf %broadcast_in_dim3A_59, %mul3A_94 : vector<1000x1xf32>
    %eq3A_96 = arith.constant 1 : i32
    %eq3A_97 = vector.broadcast %eq3A_96 : i32 to vector<1000x1xi32>
    %eq3A_98 = arith.cmpi eq, %get3A_56, %eq3A_97 : vector<1000x1xi32>
    %jit3A_99 = arith.constant 1.000000e+00 : f32
    %jit3A_100 = arith.constant 0.000000e+00 : f32
    %broadcast_in_dim3A_101 = vector.broadcast %jit3A_99 : f32 to vector<1000x1xf32>
    %broadcast_in_dim3A_102 = vector.broadcast %jit3A_100 : f32 to vector<1000x1xf32>
    %select_n3A_103 = arith.select %eq3A_98, %broadcast_in_dim3A_101, %broadcast_in_dim3A_102 : vector<1000x1xi1>, vector<1000x1xf32>
    %get3A_104 = arith.constant 1 : index
    %get3A_105 = arith.constant 0 : index
    %get3A_106 = arith.constant 0 : index
    %get3A_107 = vector.load %arg4[%get3A_104, %get3A_105, %get3A_106] : memref<3x64x64xf32, #tpu.memory_space<vmem>>, vector<1x64x64xf32>
    %get3A_108 = vector.shape_cast %get3A_107 : vector<1x64x64xf32> to vector<64x64xf32>
    %dot_general3A_109 = arith.constant dense<0.000000e+00> : vector<1000x64xf32>
    %dot_general3A_110 = tpu.matmul %mul3A_53, %get3A_108, %dot_general3A_109 {dimension_numbers = #tpu.dot_dimension_numbers<[1], [1], [0], [0], [0, 0, 1, 0], [], []>, transpose_lhs_hint = false} : vector<1000x64xf32>, vector<64x64xf32>, vector<1000x64xf32> -> vector<1000x64xf32>
    %get3A_111 = arith.constant 1 : index
    %get3A_112 = arith.constant 0 : index
    %get3A_113 = vector.load %arg5[%get3A_111, %get3A_112] : memref<3x64xf32, #tpu.memory_space<vmem>>, vector<1x64xf32>
    %get3A_114 = vector.shape_cast %get3A_113 : vector<1x64xf32> to vector<64xf32>
    %broadcast_in_dim3A_115 = vector.shape_cast %get3A_114 : vector<64xf32> to vector<1x64xf32>
    %add3A_116 = vector.broadcast %broadcast_in_dim3A_115 : vector<1x64xf32> to vector<1000x64xf32>
    %add3A_117 = arith.addf %dot_general3A_110, %add3A_116 : vector<1000x64xf32>
    %mul3A_118 = vector.broadcast %select_n3A_103 : vector<1000x1xf32> to vector<1000x64xf32>
    %mul3A_119 = arith.mulf %mul3A_118, %add3A_117 : vector<1000x64xf32>
    %add3A_120 = arith.addf %add3A_84, %mul3A_119 : vector<1000x64xf32>
    %get3A_121 = arith.constant 0 : index
    %get3A_122 = arith.constant 1 : index
    %get3A_123 = vector.load %arg6[%get3A_121, %get3A_122] : memref<1x3xf32, #tpu.memory_space<vmem>>, vector<1x1xf32>
    %get3A_124 = vector.extract %get3A_123[0, 0] : f32 from vector<1x1xf32>
    %logistic3A_125 = arith.negf %get3A_124 : f32
    %logistic3A_126 = math.exp %logistic3A_125 : f32
    %logistic3A_127 = arith.constant 1.000000e+00 : f32
    %logistic3A_128 = arith.addf %logistic3A_127, %logistic3A_126 : f32
    %logistic3A_129 = arith.divf %logistic3A_127, %logistic3A_128 : f32
    %mul3A_130 = vector.broadcast %logistic3A_129 : f32 to vector<1000x1xf32>
    %mul3A_131 = arith.mulf %select_n3A_103, %mul3A_130 : vector<1000x1xf32>
    %add3A_132 = arith.addf %add3A_95, %mul3A_131 : vector<1000x1xf32>
    %eq3A_133 = arith.constant 2 : i32
    %eq3A_134 = vector.broadcast %eq3A_133 : i32 to vector<1000x1xi32>
    %eq3A_135 = arith.cmpi eq, %get3A_56, %eq3A_134 : vector<1000x1xi32>
    %jit3A_136 = arith.constant 1.000000e+00 : f32
    %jit3A_137 = arith.constant 0.000000e+00 : f32
    %broadcast_in_dim3A_138 = vector.broadcast %jit3A_136 : f32 to vector<1000x1xf32>
    %broadcast_in_dim3A_139 = vector.broadcast %jit3A_137 : f32 to vector<1000x1xf32>
    %select_n3A_140 = arith.select %eq3A_135, %broadcast_in_dim3A_138, %broadcast_in_dim3A_139 : vector<1000x1xi1>, vector<1000x1xf32>
    %get3A_141 = arith.constant 2 : index
    %get3A_142 = arith.constant 0 : index
    %get3A_143 = arith.constant 0 : index
    %get3A_144 = vector.load %arg4[%get3A_141, %get3A_142, %get3A_143] : memref<3x64x64xf32, #tpu.memory_space<vmem>>, vector<1x64x64xf32>
    %get3A_145 = vector.shape_cast %get3A_144 : vector<1x64x64xf32> to vector<64x64xf32>
    %dot_general3A_146 = arith.constant dense<0.000000e+00> : vector<1000x64xf32>
    %dot_general3A_147 = tpu.matmul %mul3A_53, %get3A_145, %dot_general3A_146 {dimension_numbers = #tpu.dot_dimension_numbers<[1], [1], [0], [0], [0, 0, 1, 0], [], []>, transpose_lhs_hint = false} : vector<1000x64xf32>, vector<64x64xf32>, vector<1000x64xf32> -> vector<1000x64xf32>
    %get3A_148 = arith.constant 2 : index
    %get3A_149 = arith.constant 0 : index
    %get3A_150 = vector.load %arg5[%get3A_148, %get3A_149] : memref<3x64xf32, #tpu.memory_space<vmem>>, vector<1x64xf32>
    %get3A_151 = vector.shape_cast %get3A_150 : vector<1x64xf32> to vector<64xf32>
    %broadcast_in_dim3A_152 = vector.shape_cast %get3A_151 : vector<64xf32> to vector<1x64xf32>
    %add3A_153 = vector.broadcast %broadcast_in_dim3A_152 : vector<1x64xf32> to vector<1000x64xf32>
    %add3A_154 = arith.addf %dot_general3A_147, %add3A_153 : vector<1000x64xf32>
    %mul3A_155 = vector.broadcast %select_n3A_140 : vector<1000x1xf32> to vector<1000x64xf32>
    %mul3A_156 = arith.mulf %mul3A_155, %add3A_154 : vector<1000x64xf32>
    %add3A_157 = arith.addf %add3A_120, %mul3A_156 : vector<1000x64xf32>
    %get3A_158 = arith.constant 0 : index
    %get3A_159 = arith.constant 2 : index
    %get3A_160 = vector.load %arg6[%get3A_158, %get3A_159] : memref<1x3xf32, #tpu.memory_space<vmem>>, vector<1x1xf32>
    %get3A_161 = vector.extract %get3A_160[0, 0] : f32 from vector<1x1xf32>
    %logistic3A_162 = arith.negf %get3A_161 : f32
    %logistic3A_163 = math.exp %logistic3A_162 : f32
    %logistic3A_164 = arith.constant 1.000000e+00 : f32
    %logistic3A_165 = arith.addf %logistic3A_164, %logistic3A_163 : f32
    %logistic3A_166 = arith.divf %logistic3A_164, %logistic3A_165 : f32
    %mul3A_167 = vector.broadcast %logistic3A_166 : f32 to vector<1000x1xf32>
    %mul3A_168 = arith.mulf %select_n3A_140, %mul3A_167 : vector<1000x1xf32>
    %add3A_169 = arith.addf %add3A_132, %mul3A_168 : vector<1000x1xf32>
    %mul3A_170 = vector.broadcast %add3A_169 : vector<1000x1xf32> to vector<1000x64xf32>
    %mul3A_171 = arith.mulf %add3A_157, %mul3A_170 : vector<1000x64xf32>
    %get3A_172 = arith.constant 0 : index
    %get3A_173 = arith.constant 0 : index
    %get3A_174 = vector.load %arg2[%get3A_172, %get3A_173] : memref<1000x64xf32, #tpu.memory_space<vmem>>, vector<1000x64xf32>
    %sub3A_175 = arith.constant 1.000000e+00 : f32
    %sub3A_176 = vector.broadcast %sub3A_175 : f32 to vector<1000x1xf32>
    %sub3A_177 = arith.subf %sub3A_176, %add3A_169 : vector<1000x1xf32>
    %mul3A_178 = vector.broadcast %sub3A_177 : vector<1000x1xf32> to vector<1000x64xf32>
    %mul3A_179 = arith.mulf %get3A_174, %mul3A_178 : vector<1000x64xf32>
    %add3A_180 = arith.addf %mul3A_171, %mul3A_179 : vector<1000x64xf32>
    %reduce_sum3A = arith.constant dense<0.000000e+00> : vector<1000xf32>
    %reduce_sum3A_181 = vector.multi_reduction <add>, %add3A_180, %reduce_sum3A [1] : vector<1000x64xf32> to vector<1000xf32>
    %broadcast_in_dim3A_182 = vector.shape_cast %reduce_sum3A_181 : vector<1000xf32> to vector<1000x1xf32>
    %div3A_183 = arith.constant 6.400000e+01 : f32
    %div3A_184 = vector.broadcast %div3A_183 : f32 to vector<1000x1xf32>
    %div3A_185 = arith.divf %broadcast_in_dim3A_182, %div3A_184 : vector<1000x1xf32>
    %sub3A_186 = vector.broadcast %div3A_185 : vector<1000x1xf32> to vector<1000x64xf32>
    %sub3A_187 = arith.subf %add3A_180, %sub3A_186 : vector<1000x64xf32>
    %integer_pow3A_188 = arith.mulf %sub3A_187, %sub3A_187 : vector<1000x64xf32>
    %reduce_sum3A_189 = arith.constant dense<0.000000e+00> : vector<1000xf32>
    %reduce_sum3A_190 = vector.multi_reduction <add>, %integer_pow3A_188, %reduce_sum3A_189 [1] : vector<1000x64xf32> to vector<1000xf32>
    %broadcast_in_dim3A_191 = vector.shape_cast %reduce_sum3A_190 : vector<1000xf32> to vector<1000x1xf32>
    %div3A_192 = arith.constant 6.400000e+01 : f32
    %div3A_193 = vector.broadcast %div3A_192 : f32 to vector<1000x1xf32>
    %div3A_194 = arith.divf %broadcast_in_dim3A_191, %div3A_193 : vector<1000x1xf32>
    %get3A_195 = arith.constant 0 : index
    %get3A_196 = arith.constant 0 : index
    %get3A_197 = vector.load %arg7[%get3A_195, %get3A_196] : memref<1x64xf32, #tpu.memory_space<vmem>>, vector<1x64xf32>
    %sub3A_198 = vector.broadcast %div3A_185 : vector<1000x1xf32> to vector<1000x64xf32>
    %sub3A_199 = arith.subf %add3A_180, %sub3A_198 : vector<1000x64xf32>
    %mul3A_200 = vector.broadcast %get3A_197 : vector<1x64xf32> to vector<1000x64xf32>
    %mul3A_201 = arith.mulf %mul3A_200, %sub3A_199 : vector<1000x64xf32>
    %add3A_202 = arith.constant 9.99999974E-6 : f32
    %add3A_203 = vector.broadcast %add3A_202 : f32 to vector<1000x1xf32>
    %add3A_204 = arith.addf %div3A_194, %add3A_203 : vector<1000x1xf32>
    %rsqrt3A = math.rsqrt %add3A_204 : vector<1000x1xf32>
    %mul3A_205 = vector.broadcast %rsqrt3A : vector<1000x1xf32> to vector<1000x64xf32>
    %mul3A_206 = arith.mulf %mul3A_201, %mul3A_205 : vector<1000x64xf32>
    %get3A_207 = arith.constant 0 : index
    %get3A_208 = arith.constant 0 : index
    %get3A_209 = vector.load %arg8[%get3A_207, %get3A_208] : memref<1x64xf32, #tpu.memory_space<vmem>>, vector<1x64xf32>
    %add3A_210 = vector.broadcast %get3A_209 : vector<1x64xf32> to vector<1000x64xf32>
    %add3A_211 = arith.addf %mul3A_206, %add3A_210 : vector<1000x64xf32>
    %swap3A = arith.constant 0 : index
    %swap3A_212 = arith.constant 0 : index
    %swap3A_213 = vector.load %arg9[%swap3A, %swap3A_212] : memref<1000x64xf32, #tpu.memory_space<vmem>>, vector<1000x64xf32>
    tpu.vector_store %arg9[%swap3A, %swap3A_212], %add3A_211 {strides = array<i32>} : memref<1000x64xf32, #tpu.memory_space<vmem>>, vector<1000x64xf32>,
    return
  }
  func.func @transform_0(%arg0: i32) -> (i32, i32, i32) {
    %c0_i32 = arith.constant 0 : i32
    %c0_i32_0 = arith.constant 0 : i32
    %c0_i32_1 = arith.constant 0 : i32
    return %c0_i32, %arg0, %c0_i32_0 : i32, i32, i32
  }
  func.func @transform_1(%arg0: i32) -> (i32, i32) {
    %c0_i32 = arith.constant 0 : i32
    %c0_i32_0 = arith.constant 0 : i32
    return %arg0, %c0_i32 : i32, i32
  }
  func.func @transform_2(%arg0: i32) -> (i32, i32) {
    %c0_i32 = arith.constant 0 : i32
    %c0_i32_0 = arith.constant 0 : i32
    return %arg0, %c0_i32 : i32, i32
  }
  func.func @transform_3(%arg0: i32) -> (i32, i32, i32) {
    %c0_i32 = arith.constant 0 : i32
    %c0_i32_0 = arith.constant 0 : i32
    %c0_i32_1 = arith.constant 0 : i32
    %c0_i32_2 = arith.constant 0 : i32
    return %c0_i32, %c0_i32_0, %c0_i32_1 : i32, i32, i32
  }
  func.func @transform_4(%arg0: i32) -> (i32, i32) {
    %c0_i32 = arith.constant 0 : i32
    %c0_i32_0 = arith.constant 0 : i32
    %c0_i32_1 = arith.constant 0 : i32
    return %c0_i32, %c0_i32_0 : i32, i32
  }
  func.func @transform_5(%arg0: i32) -> (i32, i32) {
    %c0_i32 = arith.constant 0 : i32
    %c0_i32_0 = arith.constant 0 : i32
    %c0_i32_1 = arith.constant 0 : i32
    return %c0_i32, %c0_i32_0 : i32, i32
  }
  func.func @transform_6(%arg0: i32) -> (i32, i32) {
    %c0_i32 = arith.constant 0 : i32
    %c0_i32_0 = arith.constant 0 : i32
    %c0_i32_1 = arith.constant 0 : i32
    return %c0_i32, %c0_i32_0 : i32, i32
  }
  func.func @transform_7(%arg0: i32) -> (i32, i32) {
    %c0_i32 = arith.constant 0 : i32
    %c0_i32_0 = arith.constant 0 : i32
    %c0_i32_1 = arith.constant 0 : i32
    return %c0_i32, %c0_i32_0 : i32, i32
  }
  func.func @transform_8(%arg0: i32) -> (i32, i32) {
    %c0_i32 = arith.constant 0 : i32
    %c0_i32_0 = arith.constant 0 : i32
    return %arg0, %c0_i32 : i32, i32
  }
}

</mosaic_0001>

<sc_bundles>
// kernel: kernel.12.cloned.1.call-start
scs
__scs_entry_jumppad:
0x0: {  	(pc) =	sbr.rel $0x88, $3  }
0x1: {  	(tag) =	ssettag $0x0;
	lr =	simm.s32 $0x1  }
0x2: {  	[smem:$0x3F8A] =	sst lr;
	_ =	strace $0xD0000000  }
0x3: {  	_ = 	snop  }
0x4: {  	_ = 	snop  }
0x5: {  	_ = 	snop  }
0x6: {  	_ = 	snop  }
0x7: {  	_ = 	snop  }
__scs_overlays_trampoline_lowered:
0x8: {  	[smem:$0x3F99] =	sst s0  }
0x9: {  	[smem:$0x3F9A] =	sst s1  }
0xa: {  	[smem:$0x3F9B] =	sst s2  }
0xb: {  	[smem:$0x3F9C] =	sst s3  }
0xc: {  	[smem:$0x3F9D] =	sst s4  }
0xd: {  	[smem:$0x3F9E] =	sst s5  }
0xe: {  	[smem:$0x3F9F] =	sst s6  }
0xf: {  	[smem:$0x3FA0] =	sst s7  }
0x10: {  	[smem:$0x3FA1] =	sst s8  }
0x11: {  	[smem:$0x3FA2] =	sst s9;
	s0 =	simm.s32 @!p0 $0x0  }
0x12: {  	s1 =	sld [smem:$0x3F88];
	s0 =	simm.s32 @p0 $0x1  }
0x13: {  	[smem:$0x3FA3] =	sst s0;
	s0 =	simm.s32 @!p1 $0x0  }
0x14: {  	s2 =	sld [smem:$0x3F87];
	s0 =	simm.s32 @p1 $0x1  }
0x15: {  	[smem:$0x3FA4] =	sst s0;
	s0 =	simm.s32 @!p2 $0x0  }
0x16: {  	s3 =	sld [smem:$0x3FDB];
	s0 =	simm.s32 @p2 $0x1  }
0x17: {  	s4 =	simm.s32 $0x1BF5;
	[smem:$0x3FA6] =	sst s0  }
0x18: {  	s0 =	sld [smem:$0x3F89];
	_ =	swait.ge [sflag:s4], $0x0  }
0x19: {  	s7 =	sld [smem:$0x3F8A]  }
0x1a: {  	s8 =	sadd.s32 $0xFFFFE003, lr  }
0x1b: {  	s9 =	sadd.s32 $0xFFFFFEF7, lr;
	s5 =	simm.s32 $0xFFFFFFFF;
	p2 =	slt.u32 s8, $0xFFFFF086  }
0x1c: {  	p1 =	slt.u32 s9, $0xF7A;
	s5 =	simm.s32 @!p2 $0x0  }
0x1d: {  	s5 =	simm.s32 @p1 $0x1;
	p0 =	seq.s32 s7, s2  }
0x1e: {  	s7 =	smul.u32 @!p0 $0xF7A, s2;
	p2 =	seq.s32 @!p0 s5, $0x0  }
0x1f: {  	s9 =	smul.u32 $0xF7A, s1;
	s8 =	simm.s32 @!p0 $0x1BF5;
	p2 =	por !p2, p0  }
0x20: {  	[sflag:s8] =	ssyncset.s32 @!p0 $0xFFFFF086;
	s6 =	sadd.s32 @!p0 s3, s7;
	s7 =	simm.s32 @!p0 $0x108  }
0x21: {  	s3 =	sadd.s32 s3, s9;
	s6 =	sadd.s32 @!p0 $0x88, s6;
	s7 =	simm.s32 @p2 $0x1082  }
0x22: {  	[simem:s7], [sflag:s8] =	dma.local @!p0 [hbm:s6], $0xF7A  }
0x23: {  	s9 =	sor.u32 $0xD0000000, s2;
	s6 =	simm.s32 $0x108;
	_ =	swait.ge @!p0 [sflag:s8], $0x0  }
0x24: {  	s3 =	sadd.s32 $0x88, s3;
	s6 =	simm.s32 @!p1 $0x1082;
	[sflag:s4] =	ssyncset.s32 $0xFFFFF086  }
0x25: {  	[simem:s6], [sflag:s4] =	dma.local [hbm:s3], $0xF7A  }
0x26: {  	[smem:$0x3F8A] =	sst s1;
	(tag) =	ssettag s2;
	_ =	strace s9  }
0x27: {  	s1 =	sld [smem:$0x3F9A]  }
0x28: {  	s2 =	sld [smem:$0x3F9B]  }
0x29: {  	s4 =	sld [smem:$0x3F9D]  }
0x2a: {  	p0 =	seq.s32 s5, $0x0;
	s5 =	sld [smem:$0x3F9E]  }
0x2b: {  	s6 =	sld [smem:$0x3F9F]  }
0x2c: {  	s7 =	sld [smem:$0x3FA0]  }
0x2d: {  	s3 =	simm.s32 $0x108;
	s8 =	sld [smem:$0x3FA1]  }
0x2e: {  	s3 =	simm.s32 @!p0 $0x1082;
	s9 =	sld [smem:$0x3FA2]  }
0x2f: {  	lr =	sadd.s32 s0, s3;
	s0 =	sld [smem:$0x3F99]  }
0x30: {  	s3 =	sld [smem:$0x3F9C]  }
0x31: {  	[smem:$0x3FA5] =	sst s10  }
0x32: {  	s10 =	sld [smem:$0x3FA3];
	_ =	sdelay $0x3  }
0x33: {  	p0 =	seq.s32 s10, $0x1;
	s10 =	sld [smem:$0x3FA5];
	_ =	sdelay $0x3  }
0x34: {  	[smem:$0x3FA5] =	sst s10  }
0x35: {  	s10 =	sld [smem:$0x3FA4];
	_ =	sdelay $0x3  }
0x36: {  	p1 =	seq.s32 s10, $0x1;
	s10 =	sld [smem:$0x3FA5];
	_ =	sdelay $0x3  }
0x37: {  	[smem:$0x3FA5] =	sst s10  }
0x38: {  	s10 =	sld [smem:$0x3FA6]  }
0x39: {  	_ = 	snop;
	(pc) =	sbr.ind lr, $3  }
0x3a: {  	_ = 	snop  }
0x3b: {  	_ = 	snop  }
0x3c: {  	p2 =	seq.s32 s10, $0x1;
	s10 =	sld [smem:$0x3FA5]  }
0x3d: {  	_ =	shalt  }
0x3e: {  	_ =	shalt  }
0x3f: {  	_ =	shalt  }
0x40: {  	_ =	shalt  }
0x41: {  	_ =	shalt  }
0x42: {  	_ =	shalt  }
0x43: {  	_ =	shalt  }
0x44: {  	_ =	shalt  }
0x45: {  	_ =	shalt  }
0x46: {  	_ =	shalt  }
0x47: {  	_ =	shalt  }
0x48: {  	_ =	shalt  }
0x49: {  	_ =	shalt  }
0x4a: {  	_ =	shalt  }
0x4b: {  	_ =	shalt  }
0x4c: {  	_ =	shalt  }
0x4d: {  	_ =	shalt  }
0x4e: {  	_ =	shalt  }
0x4f: {  	_ =	shalt  }
0x50: {  	_ =	shalt  }
0x51: {  	_ =	shalt  }
0x52: {  	_ =	shalt  }
0x53: {  	_ =	shalt  }
0x54: {  	_ =	shalt  }
0x55: {  	_ =	shalt  }
0x56: {  	_ =	shalt  }
0x57: {  	_ =	shalt  }
0x58: {  	_ =	shalt  }
0x59: {  	_ =	shalt  }
0x5a: {  	_ =	shalt  }
0x5b: {  	_ =	shalt  }
0x5c: {  	_ =	shalt  }
0x5d: {  	_ =	shalt  }
0x5e: {  	_ =	shalt  }
0x5f: {  	_ =	shalt  }
0x60: {  	_ =	shalt  }
0x61: {  	_ =	shalt  }
0x62: {  	_ =	shalt  }
0x63: {  	_ =	shalt  }
0x64: {  	_ =	shalt  }
0x65: {  	_ =	shalt  }
0x66: {  	_ =	shalt  }
0x67: {  	_ =	shalt  }
0x68: {  	_ =	shalt  }
0x69: {  	_ =	shalt  }
0x6a: {  	_ =	shalt  }
0x6b: {  	_ =	shalt  }
0x6c: {  	_ =	shalt  }
0x6d: {  	_ =	shalt  }
0x6e: {  	_ =	shalt  }
0x6f: {  	_ =	shalt  }
0x70: {  	_ =	shalt  }
0x71: {  	_ =	shalt  }
0x72: {  	_ =	shalt  }
0x73: {  	_ =	shalt  }
0x74: {  	_ =	shalt  }
0x75: {  	_ =	shalt  }
0x76: {  	_ =	shalt  }
0x77: {  	_ =	shalt  }
0x78: {  	_ =	shalt  }
0x79: {  	_ =	shalt  }
0x7a: {  	_ =	shalt  }
0x7b: {  	_ =	shalt  }
0x7c: {  	_ =	shalt  }
0x7d: {  	_ =	shalt  }
0x7e: {  	_ =	shalt  }
0x7f: {  	_ =	shalt  }
0x80: {  	_ =	shalt  }
0x81: {  	_ =	shalt  }
0x82: {  	_ =	shalt  }
0x83: {  	_ =	shalt  }
0x84: {  	_ =	shalt  }
0x85: {  	_ =	shalt  }
0x86: {  	_ =	shalt  }
0x87: {  	_ =	shalt  }
.Lfunc_end0:
.L_simem_size_0:
called_computation.1_lowered:
.L_overlay_start_0:
0x88: {  	s2 =	sld [smem:$0x3FD9]  }
0x89: {  	s3 =	sld [smem:$0x3FFE];
	_ =	sdelay $0x1  }
0x8a: {  	s1 =	srdreg.scid  }
0x8b: {  	s0 =	sand.u32 $0x1, s1  }
0x8c: {  	s17 =	sshll.u32 s0, $0xA;
	s2 =	sadd.s32 s3, s2  }
0x8d: {  	s2 =	sadd.s32 s2, s17  }
0x8e: {  	[smem:$0x3FB1] =	sst s2  }
0x8f: {  	_ = 	snop  }
0x90: {  	s2 =	sld [smem:$0x3FD0];
	(tm) =	ssettm $0x1  }
0x91: {  	s18 =	sld [smem:$0x3FFB];
	_ =	sdelay $0x3  }
0x92: {  	_ =	strace s18  }
0x93: {  	s3 =	sld [smem:$0x3FFC];
	_ =	sdelay $0x3  }
0x94: {  	_ =	strace s3  }
0x95: {  	s3 =	sld [smem:$0x3FFD];
	_ =	sdelay $0x3  }
0x96: {  	_ =	strace s3  }
0x97: {  	_ =	strace $0x8FFFFFFF  }
0x98: {  	s19 =	sld [smem:$0x3FDB];
	_ =	sdelay $0x1  }
0x99: {  	s4 =	simm.s32 $_scs_section_size  }
0x9a: {  	s5 =	simm.s32 $_size__tile_overlayer_lowered;
	s6 =	simm.s32 $_tile_overlayer_lowered  }
0x9b: {  	s22 =	simm.s32 $0x1BFF;
	s21 =	sshll.u32 s6, $0x1;
	s3 =	sadd.s32 s4, s19  }
0x9c: {  	s7 =	simm.s32 $0x0;
	s20 =	sshll.u32 s5, $0x1;
	s5 =	sadd.s32 s21, s3  }
0x9d: {  	[timem:s7], [sflag:s22] =	dma.local [hbm:s5], s20  }
0x9e: {  	_ =	swait.ge [sflag:s22], s20  }
0x9f: {  	s4 =	ssub.s32 $0x0, s20;
	[sflag:s22] =	ssyncset.done $0x0  }
0xa0: {  	[sflag:s22] =	ssyncadd.s32 s4;
	_ =	sdelay $0x1  }
0xa1: {  	s23 =	simm.s32 $0x1B8B  }
0xa2: {  	_ =	swait.ge [sflag:s23], $0x1  }
0xa3: {  	[sflag:s23] =	ssyncset.done $0x0  }
0xa4: {  	s25 =	simm.s32 $0x1B8E;
	s24 =	sld [smem:$0x3FFE];
	[sflag:s23] =	ssyncadd.s32 $0xFFFFFFFF  }
0xa5: {  	s26 =	simm.s32 $execute0_lowered;
	[smem:$0x3FD2] =	sst s25  }
0xa6: {  	s5 =	sshll.u32 s26, $0x1;
	_ =	strace $0x80000049;
	[dreg:$0x1] =	wrdreg $0xFFFFFFFF  }
0xa7: {  	s28 =	simm.s32 $_size_execute0_lowered;
	s3 =	sadd.s32 s3, s5;
	[dreg:$0x0] =	wrdreg $0x0  }
0xa8: {  	s5 =	sshll.u32 s28, $0x1;
	[dreg:$0x2] =	wrdreg s3  }
0xa9: {  	[dreg:$0x3] =	wrdreg s5  }
0xaa: {  	[dreg:$0x4] =	wrdreg $0xC0  }
0xab: {  	_ =	task [dreg:s7], $0x5FFFF  }
0xac: {  	[dreg:$0x1] =	wrdreg $0xFFFFFFFF  }
0xad: {  	[dreg:$0x0] =	wrdreg $0x60  }
0xae: {  	[dreg:$0x2] =	wrdreg s24  }
0xaf: {  	[dreg:$0x3] =	wrdreg s2  }
0xb0: {  	[dreg:$0x4] =	wrdreg $0xA1800  }
0xb1: {  	[dreg:$0x5] =	wrdreg $0x9  }
0xb2: {  	_ =	task.clear_ibuf [dreg:s7], $0x6FFFF;
	_ =	strace $0x90000049  }
0xb3: {  	s29 =	simm.s32 $0x9;
	_ =	strace $0x8000004B  }
0xb4: {  	_ =	swait.ge [sflag:s29], $0x1  }
0xb5: {  	[sflag:s29] =	ssyncadd.s32 $0xFFFFFFFF  }
0xb6: {  	_ =	strace $0x9000004B  }
0xb7: {  	_ =	sfence  }
0xb8: {  	s30 =	sld [smem:$0x0];
	_ =	sdelay $0x2  }
0xb9: {  	s31 =	sshll.u32 s1, $0xD;
	s1 =	sshrl.u32 s1, $0x2  }
0xba: {  	s3 =	sand.u32 $0x4000, s31;
	s1 =	sadd.s32 s1, s30  }
0xbb: {  	s0 =	sor.u32 s3, s0;
	s1 =	sshll.u32 s1, $0x11  }
0xbc: {  	s0 =	sor.u32 s1, s0  }
0xbd: {  	s0 =	sadd.s32 $0x8F2B, s0  }
0xbe: {  	[sflag:s0] =	ssyncadd.remote.s32 $0x1  }
0xbf: {  	_ =	sfence.sel $0xFFFF  }
0xc0: {  	[dreg:$0x0] =	wrdreg $0xFFFFFFFF;
	(pc) =	sbr.abs _section_cstart, $3  }
0xc1: {  	[dreg:$0x1] =	wrdreg $0xFFFFFFFF  }
0xc2: {  	_ =	task.clear_ibuf [dreg:s7], $0x2FFFF;
	_ =	strace $0x9FFFFFFF  }
0xc3: {  	(tm) =	ssettm $0x7FFFFFFF  }
tec
execute0_lowered:
.L_overlay_start_1:
0x0: {  	(tag) =	ssettag $0x1  }
0x1: {  	s4 =	rddreg [dreg:$0x0]  }
0x2: {  	s1 =	rddreg [dreg:$0x1]  }
0x3: {  	s2 =	rddreg [dreg:$0x2];
	s3 =	simm.s32 $0x0;
	s0 =	srdreg.scid  }
0x4: {  	s28 =	stileid.u32;
	s29 =	simm.s32 $0x7980;
	s30 =	simm.s32 $0x4  }
0x5: {  	s31 =	simm.s32 $0x100;
	[smem:$0x7FF] =	sst s3;
	s6 =	sand.u32 $0x1, s0  }
0x6: {  	s5 =	sadd.s32 $0x12D600, s4;
	s8 =	sadd.s32 $0x91200, s4;
	s10 =	smul.u32 $0x2800, s28  }
0x7: {  	s9 =	sor.u32 $0x10, s28;
	s11 =	sor.u32 $0x20, s28;
	s7 =	smul.u32 $0x138800, s6  }
0x8: {  	s17 =	sor.u32 $0x30, s28;
	s16 =	sshll.u32 s28, $0x1;
	s12 =	smul.u32 $0x2800, s9  }
0x9: {  	s18 =	sor.u32 $0x50, s28;
	s21 =	sor.u32 $0x60, s28;
	s14 =	smul.u32 $0x2800, s11  }
0xa: {  	s22 =	sor.u32 $0x70, s28;
	p0 =	sgt.u32 s28, $0xC;
	s15 =	smul.u32 $0x2800, s17  }
0xb: {  	_ =	strace $0x8000004A;
	s0 =	ssub.s32 $0x2, s6;
	s25 =	smul.u32 $0x2800, s18  }
0xc: {  	s6 =	sor.u32 s6, s16;
	s20 =	smul.u32 $0x2800, s21;
	s13 =	sshrl.u32 s0, $0x1  }
0xd: {  	s23 =	smul.u32 $0x2800, s22;
	s0 =	ssub.s32 s0, s13;
	s13 =	sor.u32 $0x40, s28  }
0xe: {  	s10 =	sadd.s32 s10, s7;
	s12 =	sadd.s32 s7, s12;
	s14 =	sadd.s32 s7, s14  }
0xf: {  	s15 =	sadd.s32 s7, s15;
	s16 =	sadd.s32 s7, s25;
	s20 =	sadd.s32 s7, s20  }
0x10: {  	s19 =	smul.u32 $0x2800, s13;
	s10 =	sshrl.u32 s10, $0x3;
	s26 =	sshrl.u32 s12, $0x3  }
0x11: {  	s12 =	sshrl.u32 s14, $0x3;
	s14 =	sshrl.u32 s15, $0x3;
	s24 =	sshrl.u32 s16, $0x3  }
0x12: {  	s25 =	sshrl.u32 s20, $0x3;
	s16 =	sadd.s32 $0x71E00, s4;
	s0 =	smax.u32 s0, $0x1  }
0x13: {  	s10 =	sadd.s32 s8, s10;
	s15 =	sadd.s32 s8, s14;
	s14 =	sadd.s32 $0x8600, s4  }
0x14: {  	s19 =	sadd.s32 s7, s19;
	s7 =	sadd.s32 s7, s23;
	s23 =	smul.u32 $0xA000, s28  }
0x15: {  	[dreg:$0x4] =	wrdreg s10;
	s10 =	sadd.s32 s8, s26;
	s26 =	sadd.s32 s8, s25  }
0x16: {  	s25 =	smul.u32 $0xA000, s22;
	[dreg:$0x5] =	wrdreg s10;
	s10 =	sadd.s32 s8, s12  }
0x17: {  	s19 =	sshrl.u32 s19, $0x3;
	s7 =	sshrl.u32 s7, $0x3;
	s12 =	smul.u32 $0xA000, s13  }
0x18: {  	[dreg:$0x6] =	wrdreg s10;
	s10 =	sadd.s32 s8, s19;
	s7 =	sadd.s32 s8, s7  }
0x19: {  	[dreg:$0x8] =	wrdreg s10;
	s10 =	sadd.s32 s8, s24;
	s8 =	smul.u32 $0xA000, s9  }
0x1a: {  	[dreg:$0xf] =	wrdreg s0;
	s0 =	simm.s32 $0x50;
	s9 =	smul.u32 $0xA000, s11  }
0x1b: {  	[dreg:$0x7] =	wrdreg s15;
	s15 =	sadd.s32 $0x14600, s4;
	s11 =	smul.u32 $0xA000, s17  }
0x1c: {  	[dreg:$0xa] =	wrdreg s26;
	s26 =	sshrl.u32 s25, $0x2;
	s17 =	smul.u32 $0xA000, s18  }
0x1d: {  	[dreg:$0xb] =	wrdreg s7;
	s25 =	sadd.s32 s26, s2;
	s26 =	smul.u32 $0x3E80, s6  }
0x1e: {  	[dreg:$0x9] =	wrdreg s10;
	s10 =	sshrl.u32 s23, $0x2;
	s23 =	smul.u32 $0xA000, s21  }
0x1f: {  	s7 =	sshrl.u32 s8, $0x2;
	s19 =	sadd.s32 s10, s2;
	s4 =	sshrl.u32 s9, $0x2  }
0x20: {  	s13 =	sshrl.u32 s11, $0x2;
	s24 =	sshrl.u32 s17, $0x2;
	s8 =	simm.s32 $0x5180  }
0x21: {  	s9 =	simm.s32 $0x1;
	s10 =	simm.s32 $0x2;
	s11 =	simm.s32 $0x3  }
0x22: {  	s7 =	sadd.s32 s7, s2;
	s18 =	sadd.s32 s4, s2;
	s20 =	sadd.s32 s13, s2  }
0x23: {  	s22 =	sadd.s32 s24, s2;
	s4 =	sshrl.u32 s23, $0x2;
	s24 =	smul.u32 $0x7D00, s6  }
0x24: {  	v0 =	vimm.f32 $0.0e+00;
	vm0 =	vcmask $0x300;
	vm15 =	vcmask $0x704;
	s6 =	simm.s32 $0x80;
	[dreg:$0xc] =	wrdreg s7;
	s7 =	sshrl.u32 s12, $0x2  }
0x25: {  	vm1 =	vcmask $0xB08;
	vm2 =	vcmask $0xF0C;
	v1 =	vsel vm0, $0x3F800000, v0;
	[dreg:$0xd] =	wrdreg s20;
	s23 =	sadd.s32 s4, s2;
	s7 =	sadd.s32 s7, s2  }
0x26: {  	v2 =	vsel vm15, $0x3F800000, v0;
	v3 =	vsel vm1, $0x3F800000, v0;
	v4 =	vsel vm2, $0x3F800000, v0;
	s4 =	simm.s32 $0x180;
	[dreg:$0xe] =	wrdreg s7;
	s7 =	simm.s32 $0x2980  }
.LBB2_1:
0x27: {  	s12 =	simm.s32 $0x0;
	s13 =	simm.s32 $0x200  }
.LBB2_2:
0x28: {  	p1 =	sne.s32 s13, $0x9E00;
	[tilespmem:s12+$0x79F0] =	vst v0  }
0x29: {  	[tilespmem:s12+$0x7980] =	vst v0  }
0x2a: {  	[tilespmem:s12+$0x7990] =	vst v0  }
.Ltmp0:
0x2b: {  	[tilespmem:s12+$0x79A0] =	vst v0;
	(pc) =	sbr.rel @p1 .LBB2_2-.Ltmp0, $4  }
0x2c: {  	[tilespmem:s12+$0x79B0] =	vst v0  }
0x2d: {  	[tilespmem:s12+$0x79C0] =	vst v0  }
0x2e: {  	[tilespmem:s12+$0x79D0] =	vst v0  }
0x2f: {  	[tilespmem:s12+$0x79E0] =	vst v0;
	s12 =	sshra.s32 s13, $0x2;
	s13 =	sadd.s32 $0x200, s13  }
0x30: {  	[tilespmem:s12+$0x79F0] =	vst v0  }
0x31: {  	[tilespmem:s12+$0x7980] =	vst v0  }
0x32: {  	[tilespmem:s12+$0x7990] =	vst v0  }
0x33: {  	[tilespmem:s12+$0x79A0] =	vst v0  }
0x34: {  	[tilespmem:s12+$0x79B0] =	vst v0  }
0x35: {  	[tilespmem:s12+$0x79C0] =	vst v0  }
0x36: {  	[tilespmem:s12+$0x79D0] =	vst v0  }
0x37: {  	[tilespmem:s12+$0x79E0] =	vst v0  }
0x38: {  	[spmem:s19] =	stream.linear.scatter [tilespmem:s29], [sflag:$0x4], $0x2800, $0x38;
	[tilespmem:$0x1DA00] =	vst v63  }
0x39: {  	_ =	swait.ge [sflag:s30], $0x2800  }
0x3a: {  	[sflag:s30] =	ssyncset.done $0x0  }
0x3b: {  	s17 =	rddreg [dreg:$0xc];
	[sflag:s30] =	ssyncadd.s32 $0xFFFFD800  }
0x3c: {  	[spmem:s17] =	stream.linear.scatter [tilespmem:s29], [sflag:$0x4], $0x2800, $0x38;
	[tilespmem:$0x1DA00] =	vst v63  }
0x3d: {  	_ =	swait.ge [sflag:s30], $0x2800  }
0x3e: {  	[sflag:s30] =	ssyncset.done $0x0  }
0x3f: {  	[sflag:s30] =	ssyncadd.s32 $0xFFFFD800  }
0x40: {  	[spmem:s18] =	stream.linear.scatter [tilespmem:s29], [sflag:$0x4], $0x2800, $0x38;
	[tilespmem:$0x1DA00] =	vst v63  }
0x41: {  	_ =	swait.ge [sflag:s30], $0x2800  }
0x42: {  	[sflag:s30] =	ssyncset.done $0x0  }
0x43: {  	s20 =	smov.u32 s19;
	s19 =	rddreg [dreg:$0xd];
	[sflag:s30] =	ssyncadd.s32 $0xFFFFD800  }
0x44: {  	[spmem:s19] =	stream.linear.scatter [tilespmem:s29], [sflag:$0x4], $0x2800, $0x38;
	[tilespmem:$0x1DA00] =	vst v63  }
0x45: {  	_ =	swait.ge [sflag:s30], $0x2800  }
0x46: {  	[sflag:s30] =	ssyncset.done $0x0  }
0x47: {  	s28 =	rddreg [dreg:$0xe];
	[sflag:s30] =	ssyncadd.s32 $0xFFFFD800  }
0x48: {  	[spmem:s28] =	stream.linear.scatter [tilespmem:s29], [sflag:$0x4], $0x2800, $0x38;
	[tilespmem:$0x1DA00] =	vst v63  }
0x49: {  	_ =	swait.ge [sflag:s30], $0x2800  }
0x4a: {  	[sflag:s30] =	ssyncset.done $0x0  }
0x4b: {  	[sflag:s30] =	ssyncadd.s32 $0xFFFFD800  }
0x4c: {  	[spmem:s22] =	stream.linear.scatter [tilespmem:s29], [sflag:$0x4], $0x2800, $0x38;
	[tilespmem:$0x1DA00] =	vst v63  }
0x4d: {  	_ =	swait.ge [sflag:s30], $0x2800  }
0x4e: {  	[sflag:s30] =	ssyncset.done $0x0  }
0x4f: {  	[sflag:s30] =	ssyncadd.s32 $0xFFFFD800  }
0x50: {  	[spmem:s23] =	stream.linear.scatter [tilespmem:s29], [sflag:$0x4], $0x2800, $0x38;
	[tilespmem:$0x1DA00] =	vst v63  }
0x51: {  	_ =	swait.ge [sflag:s30], $0x2800  }
0x52: {  	[sflag:s30] =	ssyncset.done $0x0  }
0x53: {  	s12 =	simm.s32 @!p0 $0x7980;
	[sflag:s30] =	ssyncadd.s32 $0xFFFFD800  }
0x54: {  	[spmem:s25] =	stream.linear.scatter @!p0 [tilespmem:s12], [sflag:$0x4], $0x2800, $0x38;
	[tilespmem:$0x1DA00] =	vst v63  }
0x55: {  	s12 =	simm.s32 @!p0 $0x4  }
0x56: {  	_ =	swait.ge @!p0 [sflag:s12], $0x2800  }
0x57: {  	[sflag:s12] =	ssyncset.done @!p0 $0x0  }
0x58: {  	s21 =	smov.u32 s18;
	[sflag:s12] =	ssyncadd.s32 @!p0 $0xFFFFD800  }
0x59: {  	s13 =	simm.s32 $0x0;
	s12 =	simm.s32 $0x0;
	[bflag:$0x0] =	sbarrier.arrive $0xFFFF  }
.LBB2_4:
0x5a: {  	s17 =	sshll.u32 s13, $0x8  }
0x5b: {  	s17 =	sadd.s32 s24, s17  }
0x5c: {  	s17 =	sshrl.u32 s17, $0x3  }
0x5d: {  	s19 =	sshll.u32 s13, $0x7;
	s17 =	sadd.s32 s16, s17  }
0x5e: {  	[tilespmem:s12], [sflag:$0x4] =	stream.linear.gather [hbm4b:s17+s12], $0x100, $0x38;
	[tilespmem:$0x1DA00] =	vst v63  }
0x5f: {  	s17 =	sadd.s32 s26, s19;
	_ =	swait.ge [sflag:s30], $0x100  }
0x60: {  	s17 =	sshrl.u32 s17, $0x3;
	[sflag:s30] =	ssyncset.done $0x0  }
0x61: {  	s17 =	sadd.s32 s1, s17;
	[sflag:s30] =	ssyncadd.s32 $0xFFFFFF00  }
0x62: {  	[tilespmem:s31], [sflag:$0x4] =	stream.linear.gather [hbm4b:s17+s12], $0x80, $0x38;
	[tilespmem:$0x1DA00] =	vst v63  }
0x63: {  	_ =	swait.ge [sflag:s30], $0x80  }
0x64: {  	[sflag:s30] =	ssyncset.done $0x0  }
0x65: {  	[sflag:s30] =	ssyncadd.s32 $0xFFFFFF80  }
0x66: {  	[tilespmem:s4], [sflag:$0x1] =	stream.indirect.gather [hbm4b:s5+s0], $0x80, s12, s0, $0xb8;
	[tilespmem:$0x1DA00] =	vst v63  }
0x67: {  	_ = 	snop  }
0x68: {  	[tilespmem:s7], [sflag:$0x2] =	stream.indirect.gather [hbm4b:s14+s0], $0x80, s6, s0, $0xb8;
	[tilespmem:$0x1DA00] =	vst v63  }
0x69: {  	_ = 	snop  }
0x6a: {  	[tilespmem:s8], [sflag:$0x3] =	stream.indirect.gather [hbm4b:s15+s0], $0x80, s31, s0, $0xb8;
	[tilespmem:$0x1DA00] =	vst v63  }
0x6b: {  	_ =	swait.ge [sflag:s9], $0x2800  }
0x6c: {  	[sflag:s9] =	ssyncset.done $0x0  }
0x6d: {  	[sflag:s9] =	ssyncadd.s32 $0xFFFFD800  }
0x6e: {  	_ =	swait.ge [sflag:s10], $0x2800  }
0x6f: {  	[sflag:s10] =	ssyncset.done $0x0  }
0x70: {  	[sflag:s10] =	ssyncadd.s32 $0xFFFFD800  }
0x71: {  	_ =	swait.ge [sflag:s11], $0x2800  }
0x72: {  	[sflag:s11] =	ssyncset.done $0x0  }
0x73: {  	s17 =	simm.s32 $0x0;
	[sflag:s11] =	ssyncadd.s32 $0xFFFFD800  }
0x74: {  	v5 =	vld [tilespmem:s17+$0x1A0]  }
0x75: {  	v6 =	vld [tilespmem:s17+$0x29A0]  }
0x76: {  	v8 =	vld [tilespmem:s17+$0x51A0]  }
0x77: {  	v9 =	vld [tilespmem:s17+$0x180]  }
0x78: {  	v10 =	vld [tilespmem:s17+$0x2980]  }
0x79: {  	v12 =	vld [tilespmem:s17+$0x5180]  }
0x7a: {  	v13 =	vld [tilespmem:s17+$0x190]  }
0x7b: {  	v14 =	vld [tilespmem:s17+$0x2990]  }
0x7c: {  	v15 =	vld [tilespmem:s17+$0x1B0]  }
0x7d: {  	v16 =	vld [tilespmem:s17+$0x5190];
	v5 =	vadd.f32 v6, v5  }
0x7e: {  	v6 =	vld [tilespmem:s17+$0x29B0];
	v9 =	vadd.f32 v10, v9  }
0x7f: {  	v7 =	vld [tilespmem:s17+$0x1C0];
	v5 =	vmul.f32 v8, v5  }
0x80: {  	v8 =	vld [tilespmem:s17+$0x51B0];
	v9 =	vmul.f32 v12, v9  }
0x81: {  	s28 =	simm.s32 $0x80;
	v11 =	vld [tilespmem:s17+$0x29C0];
	(xrf2) =	vadd.scan.msk.f32 $0xffff, v5;
	v5 =	vadd.f32 v14, v13  }
0x82: {  	v17 =	vld [tilespmem:s28+$0x180];
	(xrf2) =	vadd.scan.msk.f32 $0xffff, v9  }
0x83: {  	v18 =	vld [tilespmem:s28+$0x2980];
	v6 =	vadd.f32 v6, v15;
	v5 =	vmul.f32 v16, v5  }
0x84: {  	v20 =	vld [tilespmem:s28+$0x29C0]  }
0x85: {  	v6 =	vmul.f32 v8, v6;
	v8 =	vld [tilespmem:s28+$0x29A0];
	(xrf2) =	vadd.scan.msk.f32 $0xffff, v5  }
0x86: {  	v5 =	vld [tilespmem:s28+$0x1A0]  }
0x87: {  	v22 =	vld [tilespmem:s28+$0x5180]  }
0x88: {  	(xrf2) =	vadd.scan.msk.f32 $0xffff, v6;
	v6 =	vld [tilespmem:s28+$0x51A0]  }
0x89: {  	v23 =	vld [tilespmem:s28+$0x190]  }
0x8a: {  	v24 =	vld [tilespmem:s28+$0x2990]  }
0x8b: {  	v25 =	vld [tilespmem:s28+$0x1B0];
	v5 =	vadd.f32 v8, v5;
	v19, _, _ =	vpop (xrf2)  }
0x8c: {  	v26 =	vld [tilespmem:s28+$0x5190];
	v21, _, _ =	vpop (xrf2)  }
0x8d: {  	v27 =	vld [tilespmem:s28+$0x1E0];
	v5 =	vmul.f32 v6, v5;
	v21 =	vmul.f32 $1.442695020e+00, v21  }
0x8e: {  	v10 =	vld [tilespmem:s17+$0x1D0]  }
0x8f: {  	v12 =	vld [tilespmem:s17+$0x29D0];
	(xrf2) =	vadd.scan.msk.f32 $0xffff, v5;
	v8, _, _ =	vpop (xrf2);
	v21 =	vbroadcast v21, $0xF  }
0x90: {  	v13 =	vld [tilespmem:s17+$0x1E0];
	v8 =	vmul.f32 $1.442695020e+00, v8  }
0x91: {  	v14 =	vld [tilespmem:s17+$0x1F0];
	v6 =	vadd.f32 v18, v17;
	v18 =	vmul.f32 $1.442695020e+00, v19;
	(erf) = vpow2.f32 v21  }
0x92: {  	v9 =	vld [tilespmem:s17+$0x29E0];
	v8 =	vbroadcast v8, $0xF  }
0x93: {  	v15 =	vld [tilespmem:s17+$0x29F0];
	v6 =	vmul.f32 v22, v6;
	v5 =	vbroadcast v18, $0xF;
	v19, _, _ =	vpop (xrf2)  }
0x94: {  	v17 =	vld [tilespmem:s28+$0x29B0];
	v19 =	vmul.f32 $1.442695020e+00, v19;
	(erf) = vpow2.f32 v8  }
0x95: {  	v16 =	vld [tilespmem:s28+$0x1C0];
	(erf) = vpow2.f32 v5;
	v5 =	vadd.f32 v11, v7  }
0x96: {  	v22 =	vld [tilespmem:s28+$0x51B0];
	(xrf2) =	vadd.scan.msk.f32 $0xffff, v6;
	v6 =	vbroadcast v19, $0xF;
	v7 =	vadd.f32 v12, v10;
	v10 =	vadd.f32 v24, v23  }
0x97: {  	v28 =	vld [tilespmem:s28+$0x1F0]  }
0x98: {  	v29 =	vld [tilespmem:s28+$0x29F0];
	v23 =	vadd.f32 v9, v13;
	(erf) = vpow2.f32 v6;
	v10 =	vmul.f32 v26, v10  }
0x99: {  	v18 =	vld [tilespmem:s28+$0x29D0];
	v9 =	vadd.f32 v15, v14;
	v15 =	vadd.f32 v17, v25;
	v12, _, _ =	vpop (xrf2)  }
0x9a: {  	v21 =	vld [tilespmem:s28+$0x1D0];
	(xrf2) =	vadd.scan.msk.f32 $0xffff, v10;
	v6 =	vpop (erf)  }
0x9b: {  	s18 =	simm.s32 $0x100;
	v19 =	vld [tilespmem:s28+$0x29E0];
	v11 =	vmul.f32 v6, v5;
	v5 =	vadd.f32 v20, v16;
	v20 =	vmul.f32 v22, v15  }
0x9c: {  	v30 =	vld [tilespmem:s18+$0x1A0]  }
0x9d: {  	v31 =	vld [tilespmem:s18+$0x29A0];
	v6 =	vmul.f32 v1, v6;
	v14 =	vpop (erf);
	(xrf2) =	vadd.scan.msk.f32 $0xffff, v20  }
0x9e: {  	v8 =	vld [tilespmem:s18+$0x1C0];
	v16 =	vmul.f32 v14, v7  }
0x9f: {  	v13 =	vld [tilespmem:s18+$0x51A0];
	[tilespmem:s17+$0x7980] =	vst v11;
	v11 =	vadd.f32 $0.0e+00, v6;
	v17 =	vmul.f32 v2, v14  }
0xa0: {  	v6 =	vadd.f32 v18, v21;
	v14 =	vld [tilespmem:s18+$0x180];
	v7 =	vadd.f32 v19, v27;
	v19 =	vpop (erf)  }
0xa1: {  	v15 =	vld [tilespmem:s18+$0x2980];
	v20 =	vmul.f32 v19, v23;
	v19 =	vmul.f32 v3, v19;
	v21 =	vpop (erf);
	[tilespmem:s17+$0x7990] =	vst v16;
	v18 =	vadd.f32 v17, v11  }
0xa2: {  	s19 =	simm.s32 $0x600;
	v10 =	vadd.f32 v29, v28;
	v17 =	vadd.f32 v31, v30;
	v11 =	vld [tilespmem:s18+$0x29C0];
	v16, _, _ =	vpop (xrf2)  }
.LBB2_5:
0xa3: {  	p1 =	sne.s32 s19, $0x9E00;
	v22 =	vld [tilespmem:s18+$0x5180];
	v16 =	vmul.f32 $1.442695020e+00, v16;
	[tilespmem:s17+$0x79A0] =	vst v20;
	v18 =	vadd.f32 v19, v18;
	v19 =	vmul.f32 v4, v21  }
0xa4: {  	v21 =	vmul.f32 v21, v9;
	v9 =	vmov v10;
	v20 =	vld [tilespmem:s18+$0x190];
	v13 =	vmul.f32 v13, v17;
	v17, _, _ =	vpop (xrf2)  }
0xa5: {  	v10 =	vld [tilespmem:s18+$0x2990];
	v23 =	vbroadcast v16, $0xF;
	v17 =	vmul.f32 $1.442695020e+00, v17;
	v18 =	vadd.f32 v19, v18  }
0xa6: {  	v12 =	vmul.f32 $1.442695020e+00, v12;
	v14 =	vadd.f32 v15, v14;
	v15 =	vld [tilespmem:s18+$0x1B0];
	[tilespmem:s17+$0x79B0] =	vst v21  }
0xa7: {  	v19 =	vld [tilespmem:s18+$0x5190];
	(xrf2) =	vadd.scan.msk.f32 $0xffff, v13;
	v13 =	vbroadcast v17, $0xF;
	(erf) = vpow2.f32 v23;
	v16, _, _ =	vpop (xrf2);
	[tilespmem:s17+$0x79C0] =	vst v18;
	s17 =	smov.u32 s28;
	s28 =	smov.u32 s18  }
0xa8: {  	v8 =	vadd.f32 v11, v8;
	v14 =	vmul.f32 v22, v14;
	v11 =	vld [tilespmem:s28+$0x29B0];
	v16 =	vmul.f32 $1.442695020e+00, v16  }
0xa9: {  	v12 =	vbroadcast v12, $0xF;
	v17 =	vld [tilespmem:s28+$0x1D0];
	(erf) = vpow2.f32 v13  }
0xaa: {  	v10 =	vadd.f32 v10, v20;
	v13 =	vld [tilespmem:s28+$0x51B0]  }
0xab: {  	v18 =	vld [tilespmem:s28+$0x29D0];
	(xrf2) =	vadd.scan.msk.f32 $0xffff, v14;
	v14 =	vbroadcast v16, $0xF;
	(erf) = vpow2.f32 v12  }
0xac: {  	v10 =	vmul.f32 v19, v10;
	v16 =	vld [tilespmem:s28+$0x1E0]  }
0xad: {  	v19 =	vld [tilespmem:s28+$0x29E0];
	v11 =	vadd.f32 v11, v15;
	(erf) = vpow2.f32 v14  }
0xae: {  	v15 =	vld [tilespmem:s28+$0x1F0];
	(xrf2) =	vadd.scan.msk.f32 $0xffff, v10  }
0xaf: {  	s18 =	sshra.s32 s19, $0x2;
	v10 =	vmul.f32 v13, v11;
	v11 =	vld [tilespmem:s28+$0x29F0]  }
0xb0: {  	v21 =	vld [tilespmem:s18+$0x1A0];
	v14 =	vadd.f32 v18, v17;
	v13 =	vpop (erf)  }
0xb1: {  	v17 =	vld [tilespmem:s18+$0x29A0];
	v12, _, _ =	vpop (xrf2);
	(xrf2) =	vadd.scan.msk.f32 $0xffff, v10;
	v10 =	vmul.f32 v13, v5;
	v18 =	vmul.f32 v1, v13;
	v5 =	vmov v8  }
.Ltmp1:
0xb2: {  	v8 =	vld [tilespmem:s18+$0x1C0];
	v22 =	vadd.f32 v19, v16;
	v16 =	vpop (erf);
	(pc) =	sbr.rel @p1 .LBB2_5-.Ltmp1, $4  }
0xb3: {  	v13 =	vld [tilespmem:s18+$0x51A0];
	[tilespmem:s17+$0x7980] =	vst v10;
	v18 =	vadd.f32 $0.0e+00, v18;
	v19 =	vmul.f32 v16, v6;
	v20 =	vmul.f32 v2, v16;
	v6 =	vmovc v14  }
0xb4: {  	v14 =	vld [tilespmem:s18+$0x180];
	v10 =	vadd.f32 v11, v15;
	v11 =	vpop (erf)  }
0xb5: {  	v15 =	vld [tilespmem:s18+$0x2980];
	v16, _, _ =	vpop (xrf2);
	[tilespmem:s17+$0x7990] =	vst v19;
	v18 =	vadd.f32 v20, v18;
	v20 =	vmul.f32 v11, v7;
	v19 =	vmul.f32 v3, v11  }
0xb6: {  	s19 =	sadd.s32 $0x200, s19;
	v7 =	vmov v22;
	v11 =	vld [tilespmem:s18+$0x29C0];
	v17 =	vadd.f32 v17, v21;
	v21 =	vpop (erf)  }
0xb7: {  	v22 =	vld [tilespmem:s18+$0x5180];
	[tilespmem:s17+$0x79A0] =	vst v20  }
0xb8: {  	v18 =	vadd.f32 v19, v18;
	v63 =	vmul.f32 v4, v21;
	v9 =	vmul.f32 v21, v9;
	v20 =	vld [tilespmem:s18+$0x190]  }
0xb9: {  	v24 =	vld [tilespmem:s18+$0x2990]  }
0xba: {  	v23 =	vld [tilespmem:s18+$0x1B0];
	v18 =	vadd.f32 v63, v18;
	[tilespmem:s17+$0x79B0] =	vst v9  }
0xbb: {  	v9 =	vld [tilespmem:s18+$0x5190]  }
0xbc: {  	v14 =	vadd.f32 v15, v14;
	[tilespmem:s17+$0x79C0] =	vst v18  }
0xbd: {  	v13 =	vmul.f32 v13, v17;
	v25 =	vld [tilespmem:s18+$0x29B0]  }
0xbe: {  	v14 =	vmul.f32 v22, v14;
	v26 =	vadd.f32 v24, v20  }
0xbf: {  	(xrf2) =	vadd.scan.msk.f32 $0xffff, v13;
	v18 =	vld [tilespmem:s18+$0x51B0]  }
0xc0: {  	(xrf2) =	vadd.scan.msk.f32 $0xffff, v14;
	v9 =	vmul.f32 v9, v26;
	_ =	sdelay $0x1  }
0xc1: {  	v27 =	vadd.f32 v25, v23;
	(xrf2) =	vadd.scan.msk.f32 $0xffff, v9;
	_ =	sdelay $0x1  }
0xc2: {  	v29 =	vmul.f32 $1.442695020e+00, v16;
	v28 =	vmul.f32 v18, v27  }
0xc3: {  	v30, _, _ =	vpop (xrf2)  }
0xc4: {  	v13 =	vbroadcast v29, $0xF;
	v9 =	vmul.f32 $1.442695020e+00, v30;
	(xrf2) =	vadd.scan.msk.f32 $0xffff, v28  }
0xc5: {  	v12 =	vmul.f32 $1.442695020e+00, v12  }
0xc6: {  	v31, _, _ =	vpop (xrf2);
	(erf) = vpow2.f32 v13;
	v9 =	vbroadcast v9, $0xF  }
0xc7: {  	v12 =	vbroadcast v12, $0xF;
	v32, _, _ =	vpop (xrf2)  }
0xc8: {  	v33 =	vmul.f32 $1.442695020e+00, v31;
	(erf) = vpow2.f32 v9;
	v34, _, _ =	vpop (xrf2)  }
0xc9: {  	v35 =	vmul.f32 $1.442695020e+00, v34  }
0xca: {  	v13 =	vbroadcast v33, $0xF;
	(erf) = vpow2.f32 v12;
	v36, _, _ =	vpop (xrf2)  }
0xcb: {  	v9 =	vbroadcast v35, $0xF;
	v12 =	vmul.f32 $1.442695020e+00, v36  }
0xcc: {  	v37 =	vmul.f32 $1.442695020e+00, v32;
	(erf) = vpow2.f32 v13  }
0xcd: {  	(erf) = vpow2.f32 v9;
	v12 =	vbroadcast v12, $0xF  }
0xce: {  	v13 =	vbroadcast v37, $0xF;
	v38, _, _ =	vpop (xrf2)  }
0xcf: {  	v40 =	vpop (erf);
	v9 =	vmul.f32 $1.442695020e+00, v38;
	(erf) = vpow2.f32 v12  }
0xd0: {  	v42 =	vmul.f32 v1, v40  }
0xd1: {  	v39 =	vld [tilespmem:s18+$0x1D0];
	v43 =	vpop (erf);
	(erf) = vpow2.f32 v13;
	v9 =	vbroadcast v9, $0xF  }
0xd2: {  	v45 =	vld [tilespmem:s18+$0x1E0];
	v15 =	vadd.f32 $0.0e+00, v42;
	v46 =	vmul.f32 v2, v43  }
0xd3: {  	v48 =	vld [tilespmem:s18+$0x29E0];
	v44 =	vpop (erf);
	(erf) = vpow2.f32 v9  }
0xd4: {  	v41 =	vld [tilespmem:s18+$0x29D0];
	v5 =	vmul.f32 v40, v5;
	v51 =	vmul.f32 v3, v44;
	v50 =	vadd.f32 v46, v15  }
0xd5: {  	v49 =	vld [tilespmem:s18+$0x1F0];
	v47 =	vpop (erf)  }
0xd6: {  	v53 =	vld [tilespmem:s18+$0x29F0];
	[tilespmem:s28+$0x7980] =	vst v5;
	v5 =	vmul.f32 v44, v7;
	v7 =	vadd.f32 v51, v50;
	v52 =	vpop (erf)  }
0xd7: {  	v6 =	vmul.f32 v43, v6;
	v54 =	vmul.f32 v1, v52  }
0xd8: {  	v8 =	vadd.f32 v11, v8;
	v11 =	vadd.f32 v48, v45;
	v55 =	vmul.f32 v4, v47;
	v56 =	vpop (erf)  }
0xd9: {  	[tilespmem:s28+$0x7990] =	vst v6;
	v6 =	vmul.f32 v47, v10;
	v57 =	vadd.f32 $0.0e+00, v54;
	v58 =	vmul.f32 v2, v56  }
0xda: {  	v12 =	vadd.f32 v41, v39;
	[tilespmem:s28+$0x79A0] =	vst v5;
	v5 =	vadd.f32 v55, v7;
	v7 =	vpop (erf)  }
0xdb: {  	[tilespmem:s28+$0x79B0] =	vst v6;
	v6 =	vmul.f32 v52, v8;
	v60 =	vmul.f32 v3, v7;
	v59 =	vadd.f32 v58, v57  }
0xdc: {  	v61 =	vadd.f32 v53, v49;
	[tilespmem:s28+$0x79C0] =	vst v5;
	v5 =	vmul.f32 v56, v12;
	v62 =	vpop (erf)  }
0xdd: {  	[tilespmem:s18+$0x7980] =	vst v6;
	v6 =	vmul.f32 v7, v11;
	v7 =	vadd.f32 v60, v59;
	v63 =	vmul.f32 v4, v62  }
0xde: {  	[tilespmem:s18+$0x7990] =	vst v5;
	v5 =	vmul.f32 v62, v61  }
0xdf: {  	s13 =	sadd.s32 $0x1, s13;
	[tilespmem:s18+$0x79A0] =	vst v6;
	v6 =	vadd.f32 v63, v7  }
0xe0: {  	p1 =	sne.s32 s13, $0x7D;
	[tilespmem:s18+$0x79B0] =	vst v5  }
.Ltmp2:
0xe1: {  	[tilespmem:s18+$0x79C0] =	vst v6;
	(pc) =	sbr.rel @p1 .LBB2_4-.Ltmp2, $4  }
0xe2: {  	[spmem:s2] =	stream.indirect.scatter.add.f32 [tilespmem:s29], [sflag:$0x4], $0x80, s31, s0, $0xb8;
	[tilespmem:$0x1DA00] =	vst v63  }
0xe3: {  	_ =	swait.ge [sflag:s30], $0x2800  }
0xe4: {  	[sflag:s30] =	ssyncset.done $0x0  }
0xe5: {  	[sflag:s30] =	ssyncadd.s32 $0xFFFFD800  }
0xe6: {  	s12 =	stileid.u32  }
0xe7: {  	[bflag:$0x0] =	sbarrier.arrive $0xFFFF;
	s12 =	sshll.u32 s12, $0x6  }
0xe8: {  	s13 =	sshrl.u32 s20, $0x3;
	s17 =	rddreg [dreg:$0x4];
	s12 =	sor.u32 $0x1C04, s12  }
0xe9: {  	[hbm:s17], [sflag:s12] =	dma.local [spmem:s13], $0x500  }
0xea: {  	_ =	swait.ge [sflag:s30], $0x500  }
0xeb: {  	s19 =	smov.u32 s20;
	[sflag:s30] =	ssyncset.done $0x0;
	s20 =	rddreg [dreg:$0xc]  }
0xec: {  	s28 =	rddreg [dreg:$0x5];
	[sflag:s30] =	ssyncadd.s32 $0xFFFFFB00;
	s13 =	sshrl.u32 s20, $0x3  }
0xed: {  	[hbm:s28], [sflag:s12] =	dma.local [spmem:s13], $0x500  }
0xee: {  	_ =	swait.ge [sflag:s30], $0x500  }
0xef: {  	[sflag:s30] =	ssyncset.done $0x0  }
0xf0: {  	s17 =	sshrl.u32 s21, $0x3;
	s20 =	rddreg [dreg:$0x6];
	[sflag:s30] =	ssyncadd.s32 $0xFFFFFB00  }
0xf1: {  	[hbm:s20], [sflag:s12] =	dma.local [spmem:s17], $0x500  }
0xf2: {  	_ =	swait.ge [sflag:s30], $0x500  }
0xf3: {  	s18 =	smov.u32 s21;
	[sflag:s30] =	ssyncset.done $0x0;
	s21 =	rddreg [dreg:$0xd]  }
0xf4: {  	s28 =	rddreg [dreg:$0x7];
	[sflag:s30] =	ssyncadd.s32 $0xFFFFFB00;
	s13 =	sshrl.u32 s21, $0x3  }
0xf5: {  	[hbm:s28], [sflag:s12] =	dma.local [spmem:s13], $0x500  }
0xf6: {  	_ =	swait.ge [sflag:s30], $0x500  }
0xf7: {  	[sflag:s30] =	ssyncset.done $0x0;
	s17 =	rddreg [dreg:$0xe]  }
0xf8: {  	s20 =	rddreg [dreg:$0x8];
	[sflag:s30] =	ssyncadd.s32 $0xFFFFFB00;
	s13 =	sshrl.u32 s17, $0x3  }
0xf9: {  	[hbm:s20], [sflag:s12] =	dma.local [spmem:s13], $0x500  }
0xfa: {  	_ =	swait.ge [sflag:s30], $0x500  }
0xfb: {  	[sflag:s30] =	ssyncset.done $0x0  }
0xfc: {  	s21 =	sshrl.u32 s22, $0x3;
	s28 =	rddreg [dreg:$0x9];
	[sflag:s30] =	ssyncadd.s32 $0xFFFFFB00  }
0xfd: {  	[hbm:s28], [sflag:s12] =	dma.local [spmem:s21], $0x500  }
0xfe: {  	_ =	swait.ge [sflag:s30], $0x500  }
0xff: {  	[sflag:s30] =	ssyncset.done $0x0  }
0x100: {  	s20 =	sshrl.u32 s23, $0x3;
	s21 =	rddreg [dreg:$0xa];
	[sflag:s30] =	ssyncadd.s32 $0xFFFFFB00  }
0x101: {  	[hbm:s21], [sflag:s12] =	dma.local [spmem:s20], $0x500  }
0x102: {  	_ =	swait.ge [sflag:s30], $0x500  }
0x103: {  	[sflag:s30] =	ssyncset.done $0x0  }
0x104: {  	s13 =	sshrl.u32 @!p0 s25, $0x3;
	s17 =	rddreg [dreg:$0xb];
	[sflag:s30] =	ssyncadd.s32 $0xFFFFFB00  }
0x105: {  	[hbm:s17], [sflag:s12] =	dma.local @!p0 [spmem:s13], $0x500  }
0x106: {  	s12 =	simm.s32 @!p0 $0x4  }
0x107: {  	_ =	swait.ge @!p0 [sflag:s12], $0x500  }
0x108: {  	s3 =	sadd.s32 $0x1, s3;
	s28 =	rddreg [dreg:$0xf]  }
0x109: {  	p1 =	sne.s32 s3, s28  }
.Ltmp3:
0x10a: {  	_ = 	snop;
	(pc) =	sbr.rel @p1 .LBB2_1-.Ltmp3, $3  }
0x10b: {  	_ =	sdelay $0x1  }
0x10c: {  	[sflag:s12] =	ssyncset.done @!p0 $0x0  }
0x10d: {  	[sflag:s12] =	ssyncadd.s32 @!p0 $0xFFFFFB00  }
0x10e: {  	_ =	sfence.sel $0x180000  }
0x10f: {  	[bflag:$0x0] =	sbarrier.arrive $0xFFFF  }
0x110: {  	_ =	strace $0x9000004A  }
0x111: {  	s0 =	stileid.u32;
	[bflag:$0x2] =	sbarrier.arrive $0xFFFF  }
0x112: {  	p0 =	sne.s32 s0, $0x0;
	s0 =	rddreg [dreg:$0x3]  }
0x113: {  	s0 =	sadd.s32 @!p0 $0x100000, s0  }
0x114: {  	[sflag:s0] =	ssyncadd.tile.s32 @!p0 $0x1;
	_ =	shalt  }
.Lfunc_end2:
_tile_overlayer_lowered:
.L_overlay_start_2:
0x115: {  	(tag) =	ssettag $0x2  }
0x116: {  	s0 =	rddreg [dreg:$0x0];
	s2 =	stileid.u32  }
0x117: {  	s1 =	rddreg [dreg:$0x1];
	p0 =	sne.s32 s2, $0x0  }
0x118: {  	s3 =	rddreg [dreg:$0x2];
	[bflag:$0x3] =	sbarrier.arrive $0xFFFF;
	s2 =	simm.s32 @!p0 $0x1C04  }
0x119: {  	[timem:s3], [sflag:s2] =	dma.local @!p0 [hbm:s0], s1  }
0x11a: {  	s0 =	simm.s32 @!p0 $0x4  }
0x11b: {  	_ =	swait.ge @!p0 [sflag:s0], s1  }
0x11c: {  	s1 =	ssub.s32 @!p0 $0x0, s1;
	[sflag:s0] =	ssyncset.done @!p0 $0x0  }
0x11d: {  	[sflag:s0] =	ssyncadd.s32 @!p0 s1  }
0x11e: {  	[bflag:$0x3] =	sbarrier.arrive $0xFFFF  }
0x11f: {  	_ =	shalt  }

// kernel: kernel.9.cloned.1.call-start
scs
__scs_entry_jumppad:
0x0: {  	(pc) =	sbr.rel $0x88, $3  }
0x1: {  	(tag) =	ssettag $0x0;
	lr =	simm.s32 $0x1  }
0x2: {  	[smem:$0x3F8A] =	sst lr;
	_ =	strace $0xD0000000  }
0x3: {  	_ = 	snop  }
0x4: {  	_ = 	snop  }
0x5: {  	_ = 	snop  }
0x6: {  	_ = 	snop  }
0x7: {  	_ = 	snop  }
__scs_overlays_trampoline_lowered:
0x8: {  	[smem:$0x3F99] =	sst s0  }
0x9: {  	[smem:$0x3F9A] =	sst s1  }
0xa: {  	[smem:$0x3F9B] =	sst s2  }
0xb: {  	[smem:$0x3F9C] =	sst s3  }
0xc: {  	[smem:$0x3F9D] =	sst s4  }
0xd: {  	[smem:$0x3F9E] =	sst s5  }
0xe: {  	[smem:$0x3F9F] =	sst s6  }
0xf: {  	[smem:$0x3FA0] =	sst s7  }
0x10: {  	[smem:$0x3FA1] =	sst s8  }
0x11: {  	[smem:$0x3FA2] =	sst s9;
	s0 =	simm.s32 @!p0 $0x0  }
0x12: {  	s1 =	sld [smem:$0x3F88];
	s0 =	simm.s32 @p0 $0x1  }
0x13: {  	[smem:$0x3FA3] =	sst s0;
	s0 =	simm.s32 @!p1 $0x0  }
0x14: {  	s2 =	sld [smem:$0x3F87];
	s0 =	simm.s32 @p1 $0x1  }
0x15: {  	[smem:$0x3FA4] =	sst s0;
	s0 =	simm.s32 @!p2 $0x0  }
0x16: {  	s3 =	sld [smem:$0x3FDB];
	s0 =	simm.s32 @p2 $0x1  }
0x17: {  	s4 =	simm.s32 $0x1BF5;
	[smem:$0x3FA6] =	sst s0  }
0x18: {  	s0 =	sld [smem:$0x3F89];
	_ =	swait.ge [sflag:s4], $0x0  }
0x19: {  	s7 =	sld [smem:$0x3F8A]  }
0x1a: {  	s8 =	sadd.s32 $0xFFFFE003, lr  }
0x1b: {  	s9 =	sadd.s32 $0xFFFFFEF7, lr;
	s5 =	simm.s32 $0xFFFFFFFF;
	p2 =	slt.u32 s8, $0xFFFFF086  }
0x1c: {  	p1 =	slt.u32 s9, $0xF7A;
	s5 =	simm.s32 @!p2 $0x0  }
0x1d: {  	s5 =	simm.s32 @p1 $0x1;
	p0 =	seq.s32 s7, s2  }
0x1e: {  	s7 =	smul.u32 @!p0 $0xF7A, s2;
	p2 =	seq.s32 @!p0 s5, $0x0  }
0x1f: {  	s9 =	smul.u32 $0xF7A, s1;
	s8 =	simm.s32 @!p0 $0x1BF5;
	p2 =	por !p2, p0  }
0x20: {  	[sflag:s8] =	ssyncset.s32 @!p0 $0xFFFFF086;
	s6 =	sadd.s32 @!p0 s3, s7;
	s7 =	simm.s32 @!p0 $0x108  }
0x21: {  	s3 =	sadd.s32 s3, s9;
	s6 =	sadd.s32 @!p0 $0x88, s6;
	s7 =	simm.s32 @p2 $0x1082  }
0x22: {  	[simem:s7], [sflag:s8] =	dma.local @!p0 [hbm:s6], $0xF7A  }
0x23: {  	s9 =	sor.u32 $0xD0000000, s2;
	s6 =	simm.s32 $0x108;
	_ =	swait.ge @!p0 [sflag:s8], $0x0  }
0x24: {  	s3 =	sadd.s32 $0x88, s3;
	s6 =	simm.s32 @!p1 $0x1082;
	[sflag:s4] =	ssyncset.s32 $0xFFFFF086  }
0x25: {  	[simem:s6], [sflag:s4] =	dma.local [hbm:s3], $0xF7A  }
0x26: {  	[smem:$0x3F8A] =	sst s1;
	(tag) =	ssettag s2;
	_ =	strace s9  }
0x27: {  	s1 =	sld [smem:$0x3F9A]  }
0x28: {  	s2 =	sld [smem:$0x3F9B]  }
0x29: {  	s4 =	sld [smem:$0x3F9D]  }
0x2a: {  	p0 =	seq.s32 s5, $0x0;
	s5 =	sld [smem:$0x3F9E]  }
0x2b: {  	s6 =	sld [smem:$0x3F9F]  }
0x2c: {  	s7 =	sld [smem:$0x3FA0]  }
0x2d: {  	s3 =	simm.s32 $0x108;
	s8 =	sld [smem:$0x3FA1]  }
0x2e: {  	s3 =	simm.s32 @!p0 $0x1082;
	s9 =	sld [smem:$0x3FA2]  }
0x2f: {  	lr =	sadd.s32 s0, s3;
	s0 =	sld [smem:$0x3F99]  }
0x30: {  	s3 =	sld [smem:$0x3F9C]  }
0x31: {  	[smem:$0x3FA5] =	sst s10  }
0x32: {  	s10 =	sld [smem:$0x3FA3];
	_ =	sdelay $0x3  }
0x33: {  	p0 =	seq.s32 s10, $0x1;
	s10 =	sld [smem:$0x3FA5];
	_ =	sdelay $0x3  }
0x34: {  	[smem:$0x3FA5] =	sst s10  }
0x35: {  	s10 =	sld [smem:$0x3FA4];
	_ =	sdelay $0x3  }
0x36: {  	p1 =	seq.s32 s10, $0x1;
	s10 =	sld [smem:$0x3FA5];
	_ =	sdelay $0x3  }
0x37: {  	[smem:$0x3FA5] =	sst s10  }
0x38: {  	s10 =	sld [smem:$0x3FA6]  }
0x39: {  	_ = 	snop;
	(pc) =	sbr.ind lr, $3  }
0x3a: {  	_ = 	snop  }
0x3b: {  	_ = 	snop  }
0x3c: {  	p2 =	seq.s32 s10, $0x1;
	s10 =	sld [smem:$0x3FA5]  }
0x3d: {  	_ =	shalt  }
0x3e: {  	_ =	shalt  }
0x3f: {  	_ =	shalt  }
0x40: {  	_ =	shalt  }
0x41: {  	_ =	shalt  }
0x42: {  	_ =	shalt  }
0x43: {  	_ =	shalt  }
0x44: {  	_ =	shalt  }
0x45: {  	_ =	shalt  }
0x46: {  	_ =	shalt  }
0x47: {  	_ =	shalt  }
0x48: {  	_ =	shalt  }
0x49: {  	_ =	shalt  }
0x4a: {  	_ =	shalt  }
0x4b: {  	_ =	shalt  }
0x4c: {  	_ =	shalt  }
0x4d: {  	_ =	shalt  }
0x4e: {  	_ =	shalt  }
0x4f: {  	_ =	shalt  }
0x50: {  	_ =	shalt  }
0x51: {  	_ =	shalt  }
0x52: {  	_ =	shalt  }
0x53: {  	_ =	shalt  }
0x54: {  	_ =	shalt  }
0x55: {  	_ =	shalt  }
0x56: {  	_ =	shalt  }
0x57: {  	_ =	shalt  }
0x58: {  	_ =	shalt  }
0x59: {  	_ =	shalt  }
0x5a: {  	_ =	shalt  }
0x5b: {  	_ =	shalt  }
0x5c: {  	_ =	shalt  }
0x5d: {  	_ =	shalt  }
0x5e: {  	_ =	shalt  }
0x5f: {  	_ =	shalt  }
0x60: {  	_ =	shalt  }
0x61: {  	_ =	shalt  }
0x62: {  	_ =	shalt  }
0x63: {  	_ =	shalt  }
0x64: {  	_ =	shalt  }
0x65: {  	_ =	shalt  }
0x66: {  	_ =	shalt  }
0x67: {  	_ =	shalt  }
0x68: {  	_ =	shalt  }
0x69: {  	_ =	shalt  }
0x6a: {  	_ =	shalt  }
0x6b: {  	_ =	shalt  }
0x6c: {  	_ =	shalt  }
0x6d: {  	_ =	shalt  }
0x6e: {  	_ =	shalt  }
0x6f: {  	_ =	shalt  }
0x70: {  	_ =	shalt  }
0x71: {  	_ =	shalt  }
0x72: {  	_ =	shalt  }
0x73: {  	_ =	shalt  }
0x74: {  	_ =	shalt  }
0x75: {  	_ =	shalt  }
0x76: {  	_ =	shalt  }
0x77: {  	_ =	shalt  }
0x78: {  	_ =	shalt  }
0x79: {  	_ =	shalt  }
0x7a: {  	_ =	shalt  }
0x7b: {  	_ =	shalt  }
0x7c: {  	_ =	shalt  }
0x7d: {  	_ =	shalt  }
0x7e: {  	_ =	shalt  }
0x7f: {  	_ =	shalt  }
0x80: {  	_ =	shalt  }
0x81: {  	_ =	shalt  }
0x82: {  	_ =	shalt  }
0x83: {  	_ =	shalt  }
0x84: {  	_ =	shalt  }
0x85: {  	_ =	shalt  }
0x86: {  	_ =	shalt  }
0x87: {  	_ =	shalt  }
.Lfunc_end0:
.L_simem_size_0:
called_computation_lowered:
.L_overlay_start_0:
0x88: {  	s2 =	sld [smem:$0x3FD9]  }
0x89: {  	s3 =	sld [smem:$0x3FFE];
	_ =	sdelay $0x1  }
0x8a: {  	s1 =	srdreg.scid  }
0x8b: {  	s0 =	sand.u32 $0x1, s1  }
0x8c: {  	s17 =	sshll.u32 s0, $0xA;
	s2 =	sadd.s32 s3, s2  }
0x8d: {  	s2 =	sadd.s32 s2, s17  }
0x8e: {  	[smem:$0x3FB1] =	sst s2  }
0x8f: {  	_ = 	snop  }
0x90: {  	s2 =	sld [smem:$0x3FD0];
	(tm) =	ssettm $0x1  }
0x91: {  	s18 =	sld [smem:$0x3FFB];
	_ =	sdelay $0x3  }
0x92: {  	_ =	strace s18  }
0x93: {  	s3 =	sld [smem:$0x3FFC];
	_ =	sdelay $0x3  }
0x94: {  	_ =	strace s3  }
0x95: {  	s3 =	sld [smem:$0x3FFD];
	_ =	sdelay $0x3  }
0x96: {  	_ =	strace s3  }
0x97: {  	_ =	strace $0x8FFFFFFF  }
0x98: {  	s19 =	sld [smem:$0x3FDB];
	_ =	sdelay $0x1  }
0x99: {  	s4 =	simm.s32 $_scs_section_size  }
0x9a: {  	s5 =	simm.s32 $_size__tile_overlayer_lowered;
	s6 =	simm.s32 $_tile_overlayer_lowered  }
0x9b: {  	s22 =	simm.s32 $0x1BFF;
	s21 =	sshll.u32 s6, $0x1;
	s3 =	sadd.s32 s4, s19  }
0x9c: {  	s7 =	simm.s32 $0x0;
	s20 =	sshll.u32 s5, $0x1;
	s5 =	sadd.s32 s21, s3  }
0x9d: {  	[timem:s7], [sflag:s22] =	dma.local [hbm:s5], s20  }
0x9e: {  	_ =	swait.ge [sflag:s22], s20  }
0x9f: {  	s4 =	ssub.s32 $0x0, s20;
	[sflag:s22] =	ssyncset.done $0x0  }
0xa0: {  	[sflag:s22] =	ssyncadd.s32 s4;
	_ =	sdelay $0x1  }
0xa1: {  	s23 =	simm.s32 $0x1B8B  }
0xa2: {  	_ =	swait.ge [sflag:s23], $0x1  }
0xa3: {  	[sflag:s23] =	ssyncset.done $0x0  }
0xa4: {  	s25 =	simm.s32 $0x1B8E;
	s24 =	sld [smem:$0x3FFE];
	[sflag:s23] =	ssyncadd.s32 $0xFFFFFFFF  }
0xa5: {  	s26 =	simm.s32 $execute0_lowered;
	[smem:$0x3FD2] =	sst s25  }
0xa6: {  	s5 =	sshll.u32 s26, $0x1;
	_ =	strace $0x80000046;
	[dreg:$0x1] =	wrdreg $0xFFFFFFFF  }
0xa7: {  	s28 =	simm.s32 $_size_execute0_lowered;
	s3 =	sadd.s32 s3, s5;
	[dreg:$0x0] =	wrdreg $0x0  }
0xa8: {  	s5 =	sshll.u32 s28, $0x1;
	[dreg:$0x2] =	wrdreg s3  }
0xa9: {  	[dreg:$0x3] =	wrdreg s5  }
0xaa: {  	[dreg:$0x4] =	wrdreg $0xC0  }
0xab: {  	_ =	task [dreg:s7], $0x5FFFF  }
0xac: {  	[dreg:$0x1] =	wrdreg $0xFFFFFFFF  }
0xad: {  	[dreg:$0x0] =	wrdreg $0x60  }
0xae: {  	[dreg:$0x2] =	wrdreg s24  }
0xaf: {  	[dreg:$0x3] =	wrdreg s2  }
0xb0: {  	[dreg:$0x4] =	wrdreg $0xA1800  }
0xb1: {  	[dreg:$0x5] =	wrdreg $0x9  }
0xb2: {  	_ =	task.clear_ibuf [dreg:s7], $0x6FFFF;
	_ =	strace $0x90000046  }
0xb3: {  	s29 =	simm.s32 $0x9;
	_ =	strace $0x80000048  }
0xb4: {  	_ =	swait.ge [sflag:s29], $0x1  }
0xb5: {  	[sflag:s29] =	ssyncadd.s32 $0xFFFFFFFF  }
0xb6: {  	_ =	strace $0x90000048  }
0xb7: {  	_ =	sfence  }
0xb8: {  	s30 =	sld [smem:$0x0];
	_ =	sdelay $0x2  }
0xb9: {  	s31 =	sshll.u32 s1, $0xD;
	s1 =	sshrl.u32 s1, $0x2  }
0xba: {  	s3 =	sand.u32 $0x4000, s31;
	s1 =	sadd.s32 s1, s30  }
0xbb: {  	s0 =	sor.u32 s3, s0;
	s1 =	sshll.u32 s1, $0x11  }
0xbc: {  	s0 =	sor.u32 s1, s0  }
0xbd: {  	s0 =	sadd.s32 $0x8F2B, s0  }
0xbe: {  	[sflag:s0] =	ssyncadd.remote.s32 $0x1  }
0xbf: {  	_ =	sfence.sel $0xFFFF  }
0xc0: {  	[dreg:$0x0] =	wrdreg $0xFFFFFFFF;
	(pc) =	sbr.abs _section_cstart, $3  }
0xc1: {  	[dreg:$0x1] =	wrdreg $0xFFFFFFFF  }
0xc2: {  	_ =	task.clear_ibuf [dreg:s7], $0x2FFFF;
	_ =	strace $0x9FFFFFFF  }
0xc3: {  	(tm) =	ssettm $0x7FFFFFFF  }
tec
execute0_lowered:
.L_overlay_start_1:
0x0: {  	(tag) =	ssettag $0x1  }
0x1: {  	s4 =	rddreg [dreg:$0x0]  }
0x2: {  	s1 =	rddreg [dreg:$0x1]  }
0x3: {  	s2 =	rddreg [dreg:$0x2];
	s3 =	simm.s32 $0x0;
	s0 =	srdreg.scid  }
0x4: {  	s28 =	stileid.u32;
	s29 =	simm.s32 $0x7980;
	s30 =	simm.s32 $0x4  }
0x5: {  	s31 =	simm.s32 $0x100;
	[smem:$0x7FF] =	sst s3;
	s6 =	sand.u32 $0x1, s0  }
0x6: {  	s5 =	sadd.s32 $0x129400, s4;
	s8 =	sadd.s32 $0x91200, s4;
	s10 =	smul.u32 $0x2800, s28  }
0x7: {  	s9 =	sor.u32 $0x10, s28;
	s11 =	sor.u32 $0x20, s28;
	s7 =	smul.u32 $0x138800, s6  }
0x8: {  	s17 =	sor.u32 $0x30, s28;
	s16 =	sshll.u32 s28, $0x1;
	s12 =	smul.u32 $0x2800, s9  }
0x9: {  	s18 =	sor.u32 $0x50, s28;
	s21 =	sor.u32 $0x60, s28;
	s14 =	smul.u32 $0x2800, s11  }
0xa: {  	s22 =	sor.u32 $0x70, s28;
	p0 =	sgt.u32 s28, $0xC;
	s15 =	smul.u32 $0x2800, s17  }
0xb: {  	_ =	strace $0x80000047;
	s0 =	ssub.s32 $0x2, s6;
	s25 =	smul.u32 $0x2800, s18  }
0xc: {  	s6 =	sor.u32 s6, s16;
	s20 =	smul.u32 $0x2800, s21;
	s13 =	sshrl.u32 s0, $0x1  }
0xd: {  	s23 =	smul.u32 $0x2800, s22;
	s0 =	ssub.s32 s0, s13;
	s13 =	sor.u32 $0x40, s28  }
0xe: {  	s10 =	sadd.s32 s10, s7;
	s12 =	sadd.s32 s7, s12;
	s14 =	sadd.s32 s7, s14  }
0xf: {  	s15 =	sadd.s32 s7, s15;
	s16 =	sadd.s32 s7, s25;
	s20 =	sadd.s32 s7, s20  }
0x10: {  	s19 =	smul.u32 $0x2800, s13;
	s10 =	sshrl.u32 s10, $0x3;
	s26 =	sshrl.u32 s12, $0x3  }
0x11: {  	s12 =	sshrl.u32 s14, $0x3;
	s14 =	sshrl.u32 s15, $0x3;
	s24 =	sshrl.u32 s16, $0x3  }
0x12: {  	s25 =	sshrl.u32 s20, $0x3;
	s16 =	sadd.s32 $0x71E00, s4;
	s0 =	smax.u32 s0, $0x1  }
0x13: {  	s10 =	sadd.s32 s8, s10;
	s15 =	sadd.s32 s8, s14;
	s14 =	sadd.s32 $0x65E00, s4  }
0x14: {  	s19 =	sadd.s32 s7, s19;
	s7 =	sadd.s32 s7, s23;
	s23 =	smul.u32 $0xA000, s28  }
0x15: {  	[dreg:$0x4] =	wrdreg s10;
	s10 =	sadd.s32 s8, s26;
	s26 =	sadd.s32 s8, s25  }
0x16: {  	s25 =	smul.u32 $0xA000, s22;
	[dreg:$0x5] =	wrdreg s10;
	s10 =	sadd.s32 s8, s12  }
0x17: {  	s19 =	sshrl.u32 s19, $0x3;
	s7 =	sshrl.u32 s7, $0x3;
	s12 =	smul.u32 $0xA000, s13  }
0x18: {  	[dreg:$0x6] =	wrdreg s10;
	s10 =	sadd.s32 s8, s19;
	s7 =	sadd.s32 s8, s7  }
0x19: {  	[dreg:$0x8] =	wrdreg s10;
	s10 =	sadd.s32 s8, s24;
	s8 =	smul.u32 $0xA000, s9  }
0x1a: {  	[dreg:$0xf] =	wrdreg s0;
	s0 =	simm.s32 $0x50;
	s9 =	smul.u32 $0xA000, s11  }
0x1b: {  	[dreg:$0x7] =	wrdreg s15;
	s15 =	sadd.s32 $0x102200, s4;
	s11 =	smul.u32 $0xA000, s17  }
0x1c: {  	[dreg:$0xa] =	wrdreg s26;
	s26 =	sshrl.u32 s25, $0x2;
	s17 =	smul.u32 $0xA000, s18  }
0x1d: {  	[dreg:$0xb] =	wrdreg s7;
	s25 =	sadd.s32 s26, s2;
	s26 =	smul.u32 $0x3E80, s6  }
0x1e: {  	[dreg:$0x9] =	wrdreg s10;
	s10 =	sshrl.u32 s23, $0x2;
	s23 =	smul.u32 $0xA000, s21  }
0x1f: {  	s7 =	sshrl.u32 s8, $0x2;
	s19 =	sadd.s32 s10, s2;
	s4 =	sshrl.u32 s9, $0x2  }
0x20: {  	s13 =	sshrl.u32 s11, $0x2;
	s24 =	sshrl.u32 s17, $0x2;
	s8 =	simm.s32 $0x5180  }
0x21: {  	s9 =	simm.s32 $0x1;
	s10 =	simm.s32 $0x2;
	s11 =	simm.s32 $0x3  }
0x22: {  	s7 =	sadd.s32 s7, s2;
	s18 =	sadd.s32 s4, s2;
	s20 =	sadd.s32 s13, s2  }
0x23: {  	s22 =	sadd.s32 s24, s2;
	s4 =	sshrl.u32 s23, $0x2;
	s24 =	smul.u32 $0x7D00, s6  }
0x24: {  	v0 =	vimm.f32 $0.0e+00;
	vm0 =	vcmask $0x300;
	vm15 =	vcmask $0x704;
	s6 =	simm.s32 $0x80;
	[dreg:$0xc] =	wrdreg s7;
	s7 =	sshrl.u32 s12, $0x2  }
0x25: {  	vm1 =	vcmask $0xB08;
	vm2 =	vcmask $0xF0C;
	v1 =	vsel vm0, $0x3F800000, v0;
	[dreg:$0xd] =	wrdreg s20;
	s23 =	sadd.s32 s4, s2;
	s7 =	sadd.s32 s7, s2  }
0x26: {  	v2 =	vsel vm15, $0x3F800000, v0;
	v3 =	vsel vm1, $0x3F800000, v0;
	v4 =	vsel vm2, $0x3F800000, v0;
	s4 =	simm.s32 $0x180;
	[dreg:$0xe] =	wrdreg s7;
	s7 =	simm.s32 $0x2980  }
.LBB2_1:
0x27: {  	s12 =	simm.s32 $0x0;
	s13 =	simm.s32 $0x200  }
.LBB2_2:
0x28: {  	p1 =	sne.s32 s13, $0x9E00;
	[tilespmem:s12+$0x79F0] =	vst v0  }
0x29: {  	[tilespmem:s12+$0x7980] =	vst v0  }
0x2a: {  	[tilespmem:s12+$0x7990] =	vst v0  }
.Ltmp0:
0x2b: {  	[tilespmem:s12+$0x79A0] =	vst v0;
	(pc) =	sbr.rel @p1 .LBB2_2-.Ltmp0, $4  }
0x2c: {  	[tilespmem:s12+$0x79B0] =	vst v0  }
0x2d: {  	[tilespmem:s12+$0x79C0] =	vst v0  }
0x2e: {  	[tilespmem:s12+$0x79D0] =	vst v0  }
0x2f: {  	[tilespmem:s12+$0x79E0] =	vst v0;
	s12 =	sshra.s32 s13, $0x2;
	s13 =	sadd.s32 $0x200, s13  }
0x30: {  	[tilespmem:s12+$0x79F0] =	vst v0  }
0x31: {  	[tilespmem:s12+$0x7980] =	vst v0  }
0x32: {  	[tilespmem:s12+$0x7990] =	vst v0  }
0x33: {  	[tilespmem:s12+$0x79A0] =	vst v0  }
0x34: {  	[tilespmem:s12+$0x79B0] =	vst v0  }
0x35: {  	[tilespmem:s12+$0x79C0] =	vst v0  }
0x36: {  	[tilespmem:s12+$0x79D0] =	vst v0  }
0x37: {  	[tilespmem:s12+$0x79E0] =	vst v0  }
0x38: {  	[spmem:s19] =	stream.linear.scatter [tilespmem:s29], [sflag:$0x4], $0x2800, $0x38;
	[tilespmem:$0x1DA00] =	vst v63  }
0x39: {  	_ =	swait.ge [sflag:s30], $0x2800  }
0x3a: {  	[sflag:s30] =	ssyncset.done $0x0  }
0x3b: {  	s17 =	rddreg [dreg:$0xc];
	[sflag:s30] =	ssyncadd.s32 $0xFFFFD800  }
0x3c: {  	[spmem:s17] =	stream.linear.scatter [tilespmem:s29], [sflag:$0x4], $0x2800, $0x38;
	[tilespmem:$0x1DA00] =	vst v63  }
0x3d: {  	_ =	swait.ge [sflag:s30], $0x2800  }
0x3e: {  	[sflag:s30] =	ssyncset.done $0x0  }
0x3f: {  	[sflag:s30] =	ssyncadd.s32 $0xFFFFD800  }
0x40: {  	[spmem:s18] =	stream.linear.scatter [tilespmem:s29], [sflag:$0x4], $0x2800, $0x38;
	[tilespmem:$0x1DA00] =	vst v63  }
0x41: {  	_ =	swait.ge [sflag:s30], $0x2800  }
0x42: {  	[sflag:s30] =	ssyncset.done $0x0  }
0x43: {  	s20 =	smov.u32 s19;
	s19 =	rddreg [dreg:$0xd];
	[sflag:s30] =	ssyncadd.s32 $0xFFFFD800  }
0x44: {  	[spmem:s19] =	stream.linear.scatter [tilespmem:s29], [sflag:$0x4], $0x2800, $0x38;
	[tilespmem:$0x1DA00] =	vst v63  }
0x45: {  	_ =	swait.ge [sflag:s30], $0x2800  }
0x46: {  	[sflag:s30] =	ssyncset.done $0x0  }
0x47: {  	s28 =	rddreg [dreg:$0xe];
	[sflag:s30] =	ssyncadd.s32 $0xFFFFD800  }
0x48: {  	[spmem:s28] =	stream.linear.scatter [tilespmem:s29], [sflag:$0x4], $0x2800, $0x38;
	[tilespmem:$0x1DA00] =	vst v63  }
0x49: {  	_ =	swait.ge [sflag:s30], $0x2800  }
0x4a: {  	[sflag:s30] =	ssyncset.done $0x0  }
0x4b: {  	[sflag:s30] =	ssyncadd.s32 $0xFFFFD800  }
0x4c: {  	[spmem:s22] =	stream.linear.scatter [tilespmem:s29], [sflag:$0x4], $0x2800, $0x38;
	[tilespmem:$0x1DA00] =	vst v63  }
0x4d: {  	_ =	swait.ge [sflag:s30], $0x2800  }
0x4e: {  	[sflag:s30] =	ssyncset.done $0x0  }
0x4f: {  	[sflag:s30] =	ssyncadd.s32 $0xFFFFD800  }
0x50: {  	[spmem:s23] =	stream.linear.scatter [tilespmem:s29], [sflag:$0x4], $0x2800, $0x38;
	[tilespmem:$0x1DA00] =	vst v63  }
0x51: {  	_ =	swait.ge [sflag:s30], $0x2800  }
0x52: {  	[sflag:s30] =	ssyncset.done $0x0  }
0x53: {  	s12 =	simm.s32 @!p0 $0x7980;
	[sflag:s30] =	ssyncadd.s32 $0xFFFFD800  }
0x54: {  	[spmem:s25] =	stream.linear.scatter @!p0 [tilespmem:s12], [sflag:$0x4], $0x2800, $0x38;
	[tilespmem:$0x1DA00] =	vst v63  }
0x55: {  	s12 =	simm.s32 @!p0 $0x4  }
0x56: {  	_ =	swait.ge @!p0 [sflag:s12], $0x2800  }
0x57: {  	[sflag:s12] =	ssyncset.done @!p0 $0x0  }
0x58: {  	s21 =	smov.u32 s18;
	[sflag:s12] =	ssyncadd.s32 @!p0 $0xFFFFD800  }
0x59: {  	s13 =	simm.s32 $0x0;
	s12 =	simm.s32 $0x0;
	[bflag:$0x0] =	sbarrier.arrive $0xFFFF  }
.LBB2_4:
0x5a: {  	s17 =	sshll.u32 s13, $0x8  }
0x5b: {  	s17 =	sadd.s32 s24, s17  }
0x5c: {  	s17 =	sshrl.u32 s17, $0x3  }
0x5d: {  	s19 =	sshll.u32 s13, $0x7;
	s17 =	sadd.s32 s16, s17  }
0x5e: {  	[tilespmem:s12], [sflag:$0x4] =	stream.linear.gather [hbm4b:s17+s12], $0x100, $0x38;
	[tilespmem:$0x1DA00] =	vst v63  }
0x5f: {  	s17 =	sadd.s32 s26, s19;
	_ =	swait.ge [sflag:s30], $0x100  }
0x60: {  	s17 =	sshrl.u32 s17, $0x3;
	[sflag:s30] =	ssyncset.done $0x0  }
0x61: {  	s17 =	sadd.s32 s1, s17;
	[sflag:s30] =	ssyncadd.s32 $0xFFFFFF00  }
0x62: {  	[tilespmem:s31], [sflag:$0x4] =	stream.linear.gather [hbm4b:s17+s12], $0x80, $0x38;
	[tilespmem:$0x1DA00] =	vst v63  }
0x63: {  	_ =	swait.ge [sflag:s30], $0x80  }
0x64: {  	[sflag:s30] =	ssyncset.done $0x0  }
0x65: {  	[sflag:s30] =	ssyncadd.s32 $0xFFFFFF80  }
0x66: {  	[tilespmem:s4], [sflag:$0x1] =	stream.indirect.gather [hbm4b:s5+s0], $0x80, s12, s0, $0xb8;
	[tilespmem:$0x1DA00] =	vst v63  }
0x67: {  	_ = 	snop  }
0x68: {  	[tilespmem:s7], [sflag:$0x2] =	stream.indirect.gather [hbm4b:s14+s0], $0x80, s6, s0, $0xb8;
	[tilespmem:$0x1DA00] =	vst v63  }
0x69: {  	_ = 	snop  }
0x6a: {  	[tilespmem:s8], [sflag:$0x3] =	stream.indirect.gather [hbm4b:s15+s0], $0x80, s31, s0, $0xb8;
	[tilespmem:$0x1DA00] =	vst v63  }
0x6b: {  	_ =	swait.ge [sflag:s9], $0x2800  }
0x6c: {  	[sflag:s9] =	ssyncset.done $0x0  }
0x6d: {  	[sflag:s9] =	ssyncadd.s32 $0xFFFFD800  }
0x6e: {  	_ =	swait.ge [sflag:s10], $0x2800  }
0x6f: {  	[sflag:s10] =	ssyncset.done $0x0  }
0x70: {  	[sflag:s10] =	ssyncadd.s32 $0xFFFFD800  }
0x71: {  	_ =	swait.ge [sflag:s11], $0x2800  }
0x72: {  	[sflag:s11] =	ssyncset.done $0x0  }
0x73: {  	s17 =	simm.s32 $0x0;
	[sflag:s11] =	ssyncadd.s32 $0xFFFFD800  }
0x74: {  	v5 =	vld [tilespmem:s17+$0x1A0]  }
0x75: {  	v6 =	vld [tilespmem:s17+$0x29A0]  }
0x76: {  	v8 =	vld [tilespmem:s17+$0x51A0]  }
0x77: {  	v9 =	vld [tilespmem:s17+$0x180]  }
0x78: {  	v10 =	vld [tilespmem:s17+$0x2980]  }
0x79: {  	v12 =	vld [tilespmem:s17+$0x5180]  }
0x7a: {  	v13 =	vld [tilespmem:s17+$0x190]  }
0x7b: {  	v14 =	vld [tilespmem:s17+$0x2990]  }
0x7c: {  	v15 =	vld [tilespmem:s17+$0x1B0]  }
0x7d: {  	v16 =	vld [tilespmem:s17+$0x5190];
	v5 =	vadd.f32 v6, v5  }
0x7e: {  	v6 =	vld [tilespmem:s17+$0x29B0];
	v9 =	vadd.f32 v10, v9  }
0x7f: {  	v7 =	vld [tilespmem:s17+$0x1C0];
	v5 =	vmul.f32 v8, v5  }
0x80: {  	v8 =	vld [tilespmem:s17+$0x51B0];
	v9 =	vmul.f32 v12, v9  }
0x81: {  	s28 =	simm.s32 $0x80;
	v11 =	vld [tilespmem:s17+$0x29C0];
	(xrf2) =	vadd.scan.msk.f32 $0xffff, v5;
	v5 =	vadd.f32 v14, v13  }
0x82: {  	v17 =	vld [tilespmem:s28+$0x180];
	(xrf2) =	vadd.scan.msk.f32 $0xffff, v9  }
0x83: {  	v18 =	vld [tilespmem:s28+$0x2980];
	v6 =	vadd.f32 v6, v15;
	v5 =	vmul.f32 v16, v5  }
0x84: {  	v20 =	vld [tilespmem:s28+$0x29C0]  }
0x85: {  	v6 =	vmul.f32 v8, v6;
	v8 =	vld [tilespmem:s28+$0x29A0];
	(xrf2) =	vadd.scan.msk.f32 $0xffff, v5  }
0x86: {  	v5 =	vld [tilespmem:s28+$0x1A0]  }
0x87: {  	v22 =	vld [tilespmem:s28+$0x5180]  }
0x88: {  	(xrf2) =	vadd.scan.msk.f32 $0xffff, v6;
	v6 =	vld [tilespmem:s28+$0x51A0]  }
0x89: {  	v23 =	vld [tilespmem:s28+$0x190]  }
0x8a: {  	v24 =	vld [tilespmem:s28+$0x2990]  }
0x8b: {  	v25 =	vld [tilespmem:s28+$0x1B0];
	v5 =	vadd.f32 v8, v5;
	v19, _, _ =	vpop (xrf2)  }
0x8c: {  	v26 =	vld [tilespmem:s28+$0x5190];
	v21, _, _ =	vpop (xrf2)  }
0x8d: {  	v27 =	vld [tilespmem:s28+$0x1E0];
	v5 =	vmul.f32 v6, v5;
	v21 =	vmul.f32 $1.442695020e+00, v21  }
0x8e: {  	v10 =	vld [tilespmem:s17+$0x1D0]  }
0x8f: {  	v12 =	vld [tilespmem:s17+$0x29D0];
	(xrf2) =	vadd.scan.msk.f32 $0xffff, v5;
	v8, _, _ =	vpop (xrf2);
	v21 =	vbroadcast v21, $0xF  }
0x90: {  	v13 =	vld [tilespmem:s17+$0x1E0];
	v8 =	vmul.f32 $1.442695020e+00, v8  }
0x91: {  	v14 =	vld [tilespmem:s17+$0x1F0];
	v6 =	vadd.f32 v18, v17;
	v18 =	vmul.f32 $1.442695020e+00, v19;
	(erf) = vpow2.f32 v21  }
0x92: {  	v9 =	vld [tilespmem:s17+$0x29E0];
	v8 =	vbroadcast v8, $0xF  }
0x93: {  	v15 =	vld [tilespmem:s17+$0x29F0];
	v6 =	vmul.f32 v22, v6;
	v5 =	vbroadcast v18, $0xF;
	v19, _, _ =	vpop (xrf2)  }
0x94: {  	v17 =	vld [tilespmem:s28+$0x29B0];
	v19 =	vmul.f32 $1.442695020e+00, v19;
	(erf) = vpow2.f32 v8  }
0x95: {  	v16 =	vld [tilespmem:s28+$0x1C0];
	(erf) = vpow2.f32 v5;
	v5 =	vadd.f32 v11, v7  }
0x96: {  	v22 =	vld [tilespmem:s28+$0x51B0];
	(xrf2) =	vadd.scan.msk.f32 $0xffff, v6;
	v6 =	vbroadcast v19, $0xF;
	v7 =	vadd.f32 v12, v10;
	v10 =	vadd.f32 v24, v23  }
0x97: {  	v28 =	vld [tilespmem:s28+$0x1F0]  }
0x98: {  	v29 =	vld [tilespmem:s28+$0x29F0];
	v23 =	vadd.f32 v9, v13;
	(erf) = vpow2.f32 v6;
	v10 =	vmul.f32 v26, v10  }
0x99: {  	v18 =	vld [tilespmem:s28+$0x29D0];
	v9 =	vadd.f32 v15, v14;
	v15 =	vadd.f32 v17, v25;
	v12, _, _ =	vpop (xrf2)  }
0x9a: {  	v21 =	vld [tilespmem:s28+$0x1D0];
	(xrf2) =	vadd.scan.msk.f32 $0xffff, v10;
	v6 =	vpop (erf)  }
0x9b: {  	s18 =	simm.s32 $0x100;
	v19 =	vld [tilespmem:s28+$0x29E0];
	v11 =	vmul.f32 v6, v5;
	v5 =	vadd.f32 v20, v16;
	v20 =	vmul.f32 v22, v15  }
0x9c: {  	v30 =	vld [tilespmem:s18+$0x1A0]  }
0x9d: {  	v31 =	vld [tilespmem:s18+$0x29A0];
	v6 =	vmul.f32 v1, v6;
	v14 =	vpop (erf);
	(xrf2) =	vadd.scan.msk.f32 $0xffff, v20  }
0x9e: {  	v8 =	vld [tilespmem:s18+$0x1C0];
	v16 =	vmul.f32 v14, v7  }
0x9f: {  	v13 =	vld [tilespmem:s18+$0x51A0];
	[tilespmem:s17+$0x7980] =	vst v11;
	v11 =	vadd.f32 $0.0e+00, v6;
	v17 =	vmul.f32 v2, v14  }
0xa0: {  	v6 =	vadd.f32 v18, v21;
	v14 =	vld [tilespmem:s18+$0x180];
	v7 =	vadd.f32 v19, v27;
	v19 =	vpop (erf)  }
0xa1: {  	v15 =	vld [tilespmem:s18+$0x2980];
	v20 =	vmul.f32 v19, v23;
	v19 =	vmul.f32 v3, v19;
	v21 =	vpop (erf);
	[tilespmem:s17+$0x7990] =	vst v16;
	v18 =	vadd.f32 v17, v11  }
0xa2: {  	s19 =	simm.s32 $0x600;
	v10 =	vadd.f32 v29, v28;
	v17 =	vadd.f32 v31, v30;
	v11 =	vld [tilespmem:s18+$0x29C0];
	v16, _, _ =	vpop (xrf2)  }
.LBB2_5:
0xa3: {  	p1 =	sne.s32 s19, $0x9E00;
	v22 =	vld [tilespmem:s18+$0x5180];
	v16 =	vmul.f32 $1.442695020e+00, v16;
	[tilespmem:s17+$0x79A0] =	vst v20;
	v18 =	vadd.f32 v19, v18;
	v19 =	vmul.f32 v4, v21  }
0xa4: {  	v21 =	vmul.f32 v21, v9;
	v9 =	vmov v10;
	v20 =	vld [tilespmem:s18+$0x190];
	v13 =	vmul.f32 v13, v17;
	v17, _, _ =	vpop (xrf2)  }
0xa5: {  	v10 =	vld [tilespmem:s18+$0x2990];
	v23 =	vbroadcast v16, $0xF;
	v17 =	vmul.f32 $1.442695020e+00, v17;
	v18 =	vadd.f32 v19, v18  }
0xa6: {  	v12 =	vmul.f32 $1.442695020e+00, v12;
	v14 =	vadd.f32 v15, v14;
	v15 =	vld [tilespmem:s18+$0x1B0];
	[tilespmem:s17+$0x79B0] =	vst v21  }
0xa7: {  	v19 =	vld [tilespmem:s18+$0x5190];
	(xrf2) =	vadd.scan.msk.f32 $0xffff, v13;
	v13 =	vbroadcast v17, $0xF;
	(erf) = vpow2.f32 v23;
	v16, _, _ =	vpop (xrf2);
	[tilespmem:s17+$0x79C0] =	vst v18;
	s17 =	smov.u32 s28;
	s28 =	smov.u32 s18  }
0xa8: {  	v8 =	vadd.f32 v11, v8;
	v14 =	vmul.f32 v22, v14;
	v11 =	vld [tilespmem:s28+$0x29B0];
	v16 =	vmul.f32 $1.442695020e+00, v16  }
0xa9: {  	v12 =	vbroadcast v12, $0xF;
	v17 =	vld [tilespmem:s28+$0x1D0];
	(erf) = vpow2.f32 v13  }
0xaa: {  	v10 =	vadd.f32 v10, v20;
	v13 =	vld [tilespmem:s28+$0x51B0]  }
0xab: {  	v18 =	vld [tilespmem:s28+$0x29D0];
	(xrf2) =	vadd.scan.msk.f32 $0xffff, v14;
	v14 =	vbroadcast v16, $0xF;
	(erf) = vpow2.f32 v12  }
0xac: {  	v10 =	vmul.f32 v19, v10;
	v16 =	vld [tilespmem:s28+$0x1E0]  }
0xad: {  	v19 =	vld [tilespmem:s28+$0x29E0];
	v11 =	vadd.f32 v11, v15;
	(erf) = vpow2.f32 v14  }
0xae: {  	v15 =	vld [tilespmem:s28+$0x1F0];
	(xrf2) =	vadd.scan.msk.f32 $0xffff, v10  }
0xaf: {  	s18 =	sshra.s32 s19, $0x2;
	v10 =	vmul.f32 v13, v11;
	v11 =	vld [tilespmem:s28+$0x29F0]  }
0xb0: {  	v21 =	vld [tilespmem:s18+$0x1A0];
	v14 =	vadd.f32 v18, v17;
	v13 =	vpop (erf)  }
0xb1: {  	v17 =	vld [tilespmem:s18+$0x29A0];
	v12, _, _ =	vpop (xrf2);
	(xrf2) =	vadd.scan.msk.f32 $0xffff, v10;
	v10 =	vmul.f32 v13, v5;
	v18 =	vmul.f32 v1, v13;
	v5 =	vmov v8  }
.Ltmp1:
0xb2: {  	v8 =	vld [tilespmem:s18+$0x1C0];
	v22 =	vadd.f32 v19, v16;
	v16 =	vpop (erf);
	(pc) =	sbr.rel @p1 .LBB2_5-.Ltmp1, $4  }
0xb3: {  	v13 =	vld [tilespmem:s18+$0x51A0];
	[tilespmem:s17+$0x7980] =	vst v10;
	v18 =	vadd.f32 $0.0e+00, v18;
	v19 =	vmul.f32 v16, v6;
	v20 =	vmul.f32 v2, v16;
	v6 =	vmovc v14  }
0xb4: {  	v14 =	vld [tilespmem:s18+$0x180];
	v10 =	vadd.f32 v11, v15;
	v11 =	vpop (erf)  }
0xb5: {  	v15 =	vld [tilespmem:s18+$0x2980];
	v16, _, _ =	vpop (xrf2);
	[tilespmem:s17+$0x7990] =	vst v19;
	v18 =	vadd.f32 v20, v18;
	v20 =	vmul.f32 v11, v7;
	v19 =	vmul.f32 v3, v11  }
0xb6: {  	s19 =	sadd.s32 $0x200, s19;
	v7 =	vmov v22;
	v11 =	vld [tilespmem:s18+$0x29C0];
	v17 =	vadd.f32 v17, v21;
	v21 =	vpop (erf)  }
0xb7: {  	v22 =	vld [tilespmem:s18+$0x5180];
	[tilespmem:s17+$0x79A0] =	vst v20  }
0xb8: {  	v18 =	vadd.f32 v19, v18;
	v63 =	vmul.f32 v4, v21;
	v9 =	vmul.f32 v21, v9;
	v20 =	vld [tilespmem:s18+$0x190]  }
0xb9: {  	v24 =	vld [tilespmem:s18+$0x2990]  }
0xba: {  	v23 =	vld [tilespmem:s18+$0x1B0];
	v18 =	vadd.f32 v63, v18;
	[tilespmem:s17+$0x79B0] =	vst v9  }
0xbb: {  	v9 =	vld [tilespmem:s18+$0x5190]  }
0xbc: {  	v14 =	vadd.f32 v15, v14;
	[tilespmem:s17+$0x79C0] =	vst v18  }
0xbd: {  	v13 =	vmul.f32 v13, v17;
	v25 =	vld [tilespmem:s18+$0x29B0]  }
0xbe: {  	v14 =	vmul.f32 v22, v14;
	v26 =	vadd.f32 v24, v20  }
0xbf: {  	(xrf2) =	vadd.scan.msk.f32 $0xffff, v13;
	v18 =	vld [tilespmem:s18+$0x51B0]  }
0xc0: {  	(xrf2) =	vadd.scan.msk.f32 $0xffff, v14;
	v9 =	vmul.f32 v9, v26;
	_ =	sdelay $0x1  }
0xc1: {  	v27 =	vadd.f32 v25, v23;
	(xrf2) =	vadd.scan.msk.f32 $0xffff, v9;
	_ =	sdelay $0x1  }
0xc2: {  	v29 =	vmul.f32 $1.442695020e+00, v16;
	v28 =	vmul.f32 v18, v27  }
0xc3: {  	v30, _, _ =	vpop (xrf2)  }
0xc4: {  	v13 =	vbroadcast v29, $0xF;
	v9 =	vmul.f32 $1.442695020e+00, v30;
	(xrf2) =	vadd.scan.msk.f32 $0xffff, v28  }
0xc5: {  	v12 =	vmul.f32 $1.442695020e+00, v12  }
0xc6: {  	v31, _, _ =	vpop (xrf2);
	(erf) = vpow2.f32 v13;
	v9 =	vbroadcast v9, $0xF  }
0xc7: {  	v12 =	vbroadcast v12, $0xF;
	v32, _, _ =	vpop (xrf2)  }
0xc8: {  	v33 =	vmul.f32 $1.442695020e+00, v31;
	(erf) = vpow2.f32 v9;
	v34, _, _ =	vpop (xrf2)  }
0xc9: {  	v35 =	vmul.f32 $1.442695020e+00, v34  }
0xca: {  	v13 =	vbroadcast v33, $0xF;
	(erf) = vpow2.f32 v12;
	v36, _, _ =	vpop (xrf2)  }
0xcb: {  	v9 =	vbroadcast v35, $0xF;
	v12 =	vmul.f32 $1.442695020e+00, v36  }
0xcc: {  	v37 =	vmul.f32 $1.442695020e+00, v32;
	(erf) = vpow2.f32 v13  }
0xcd: {  	(erf) = vpow2.f32 v9;
	v12 =	vbroadcast v12, $0xF  }
0xce: {  	v13 =	vbroadcast v37, $0xF;
	v38, _, _ =	vpop (xrf2)  }
0xcf: {  	v40 =	vpop (erf);
	v9 =	vmul.f32 $1.442695020e+00, v38;
	(erf) = vpow2.f32 v12  }
0xd0: {  	v42 =	vmul.f32 v1, v40  }
0xd1: {  	v39 =	vld [tilespmem:s18+$0x1D0];
	v43 =	vpop (erf);
	(erf) = vpow2.f32 v13;
	v9 =	vbroadcast v9, $0xF  }
0xd2: {  	v45 =	vld [tilespmem:s18+$0x1E0];
	v15 =	vadd.f32 $0.0e+00, v42;
	v46 =	vmul.f32 v2, v43  }
0xd3: {  	v48 =	vld [tilespmem:s18+$0x29E0];
	v44 =	vpop (erf);
	(erf) = vpow2.f32 v9  }
0xd4: {  	v41 =	vld [tilespmem:s18+$0x29D0];
	v5 =	vmul.f32 v40, v5;
	v51 =	vmul.f32 v3, v44;
	v50 =	vadd.f32 v46, v15  }
0xd5: {  	v49 =	vld [tilespmem:s18+$0x1F0];
	v47 =	vpop (erf)  }
0xd6: {  	v53 =	vld [tilespmem:s18+$0x29F0];
	[tilespmem:s28+$0x7980] =	vst v5;
	v5 =	vmul.f32 v44, v7;
	v7 =	vadd.f32 v51, v50;
	v52 =	vpop (erf)  }
0xd7: {  	v6 =	vmul.f32 v43, v6;
	v54 =	vmul.f32 v1, v52  }
0xd8: {  	v8 =	vadd.f32 v11, v8;
	v11 =	vadd.f32 v48, v45;
	v55 =	vmul.f32 v4, v47;
	v56 =	vpop (erf)  }
0xd9: {  	[tilespmem:s28+$0x7990] =	vst v6;
	v6 =	vmul.f32 v47, v10;
	v57 =	vadd.f32 $0.0e+00, v54;
	v58 =	vmul.f32 v2, v56  }
0xda: {  	v12 =	vadd.f32 v41, v39;
	[tilespmem:s28+$0x79A0] =	vst v5;
	v5 =	vadd.f32 v55, v7;
	v7 =	vpop (erf)  }
0xdb: {  	[tilespmem:s28+$0x79B0] =	vst v6;
	v6 =	vmul.f32 v52, v8;
	v60 =	vmul.f32 v3, v7;
	v59 =	vadd.f32 v58, v57  }
0xdc: {  	v61 =	vadd.f32 v53, v49;
	[tilespmem:s28+$0x79C0] =	vst v5;
	v5 =	vmul.f32 v56, v12;
	v62 =	vpop (erf)  }
0xdd: {  	[tilespmem:s18+$0x7980] =	vst v6;
	v6 =	vmul.f32 v7, v11;
	v7 =	vadd.f32 v60, v59;
	v63 =	vmul.f32 v4, v62  }
0xde: {  	[tilespmem:s18+$0x7990] =	vst v5;
	v5 =	vmul.f32 v62, v61  }
0xdf: {  	s13 =	sadd.s32 $0x1, s13;
	[tilespmem:s18+$0x79A0] =	vst v6;
	v6 =	vadd.f32 v63, v7  }
0xe0: {  	p1 =	sne.s32 s13, $0x7D;
	[tilespmem:s18+$0x79B0] =	vst v5  }
.Ltmp2:
0xe1: {  	[tilespmem:s18+$0x79C0] =	vst v6;
	(pc) =	sbr.rel @p1 .LBB2_4-.Ltmp2, $4  }
0xe2: {  	[spmem:s2] =	stream.indirect.scatter.add.f32 [tilespmem:s29], [sflag:$0x4], $0x80, s31, s0, $0xb8;
	[tilespmem:$0x1DA00] =	vst v63  }
0xe3: {  	_ =	swait.ge [sflag:s30], $0x2800  }
0xe4: {  	[sflag:s30] =	ssyncset.done $0x0  }
0xe5: {  	[sflag:s30] =	ssyncadd.s32 $0xFFFFD800  }
0xe6: {  	s12 =	stileid.u32  }
0xe7: {  	[bflag:$0x0] =	sbarrier.arrive $0xFFFF;
	s12 =	sshll.u32 s12, $0x6  }
0xe8: {  	s13 =	sshrl.u32 s20, $0x3;
	s17 =	rddreg [dreg:$0x4];
	s12 =	sor.u32 $0x1C04, s12  }
0xe9: {  	[hbm:s17], [sflag:s12] =	dma.local [spmem:s13], $0x500  }
0xea: {  	_ =	swait.ge [sflag:s30], $0x500  }
0xeb: {  	s19 =	smov.u32 s20;
	[sflag:s30] =	ssyncset.done $0x0;
	s20 =	rddreg [dreg:$0xc]  }
0xec: {  	s28 =	rddreg [dreg:$0x5];
	[sflag:s30] =	ssyncadd.s32 $0xFFFFFB00;
	s13 =	sshrl.u32 s20, $0x3  }
0xed: {  	[hbm:s28], [sflag:s12] =	dma.local [spmem:s13], $0x500  }
0xee: {  	_ =	swait.ge [sflag:s30], $0x500  }
0xef: {  	[sflag:s30] =	ssyncset.done $0x0  }
0xf0: {  	s17 =	sshrl.u32 s21, $0x3;
	s20 =	rddreg [dreg:$0x6];
	[sflag:s30] =	ssyncadd.s32 $0xFFFFFB00  }
0xf1: {  	[hbm:s20], [sflag:s12] =	dma.local [spmem:s17], $0x500  }
0xf2: {  	_ =	swait.ge [sflag:s30], $0x500  }
0xf3: {  	s18 =	smov.u32 s21;
	[sflag:s30] =	ssyncset.done $0x0;
	s21 =	rddreg [dreg:$0xd]  }
0xf4: {  	s28 =	rddreg [dreg:$0x7];
	[sflag:s30] =	ssyncadd.s32 $0xFFFFFB00;
	s13 =	sshrl.u32 s21, $0x3  }
0xf5: {  	[hbm:s28], [sflag:s12] =	dma.local [spmem:s13], $0x500  }
0xf6: {  	_ =	swait.ge [sflag:s30], $0x500  }
0xf7: {  	[sflag:s30] =	ssyncset.done $0x0;
	s17 =	rddreg [dreg:$0xe]  }
0xf8: {  	s20 =	rddreg [dreg:$0x8];
	[sflag:s30] =	ssyncadd.s32 $0xFFFFFB00;
	s13 =	sshrl.u32 s17, $0x3  }
0xf9: {  	[hbm:s20], [sflag:s12] =	dma.local [spmem:s13], $0x500  }
0xfa: {  	_ =	swait.ge [sflag:s30], $0x500  }
0xfb: {  	[sflag:s30] =	ssyncset.done $0x0  }
0xfc: {  	s21 =	sshrl.u32 s22, $0x3;
	s28 =	rddreg [dreg:$0x9];
	[sflag:s30] =	ssyncadd.s32 $0xFFFFFB00  }
0xfd: {  	[hbm:s28], [sflag:s12] =	dma.local [spmem:s21], $0x500  }
0xfe: {  	_ =	swait.ge [sflag:s30], $0x500  }
0xff: {  	[sflag:s30] =	ssyncset.done $0x0  }
0x100: {  	s20 =	sshrl.u32 s23, $0x3;
	s21 =	rddreg [dreg:$0xa];
	[sflag:s30] =	ssyncadd.s32 $0xFFFFFB00  }
0x101: {  	[hbm:s21], [sflag:s12] =	dma.local [spmem:s20], $0x500  }
0x102: {  	_ =	swait.ge [sflag:s30], $0x500  }
0x103: {  	[sflag:s30] =	ssyncset.done $0x0  }
0x104: {  	s13 =	sshrl.u32 @!p0 s25, $0x3;
	s17 =	rddreg [dreg:$0xb];
	[sflag:s30] =	ssyncadd.s32 $0xFFFFFB00  }
0x105: {  	[hbm:s17], [sflag:s12] =	dma.local @!p0 [spmem:s13], $0x500  }
0x106: {  	s12 =	simm.s32 @!p0 $0x4  }
0x107: {  	_ =	swait.ge @!p0 [sflag:s12], $0x500  }
0x108: {  	s3 =	sadd.s32 $0x1, s3;
	s28 =	rddreg [dreg:$0xf]  }
0x109: {  	p1 =	sne.s32 s3, s28  }
.Ltmp3:
0x10a: {  	_ = 	snop;
	(pc) =	sbr.rel @p1 .LBB2_1-.Ltmp3, $3  }
0x10b: {  	_ =	sdelay $0x1  }
0x10c: {  	[sflag:s12] =	ssyncset.done @!p0 $0x0  }
0x10d: {  	[sflag:s12] =	ssyncadd.s32 @!p0 $0xFFFFFB00  }
0x10e: {  	_ =	sfence.sel $0x180000  }
0x10f: {  	[bflag:$0x0] =	sbarrier.arrive $0xFFFF  }
0x110: {  	_ =	strace $0x90000047  }
0x111: {  	s0 =	stileid.u32;
	[bflag:$0x2] =	sbarrier.arrive $0xFFFF  }
0x112: {  	p0 =	sne.s32 s0, $0x0;
	s0 =	rddreg [dreg:$0x3]  }
0x113: {  	s0 =	sadd.s32 @!p0 $0x100000, s0  }
0x114: {  	[sflag:s0] =	ssyncadd.tile.s32 @!p0 $0x1;
	_ =	shalt  }
.Lfunc_end2:
_tile_overlayer_lowered:
.L_overlay_start_2:
0x115: {  	(tag) =	ssettag $0x2  }
0x116: {  	s0 =	rddreg [dreg:$0x0];
	s2 =	stileid.u32  }
0x117: {  	s1 =	rddreg [dreg:$0x1];
	p0 =	sne.s32 s2, $0x0  }
0x118: {  	s3 =	rddreg [dreg:$0x2];
	[bflag:$0x3] =	sbarrier.arrive $0xFFFF;
	s2 =	simm.s32 @!p0 $0x1C04  }
0x119: {  	[timem:s3], [sflag:s2] =	dma.local @!p0 [hbm:s0], s1  }
0x11a: {  	s0 =	simm.s32 @!p0 $0x4  }
0x11b: {  	_ =	swait.ge @!p0 [sflag:s0], s1  }
0x11c: {  	s1 =	ssub.s32 @!p0 $0x0, s1;
	[sflag:s0] =	ssyncset.done @!p0 $0x0  }
0x11d: {  	[sflag:s0] =	ssyncadd.s32 @!p0 s1  }
0x11e: {  	[bflag:$0x3] =	sbarrier.arrive $0xFFFF  }
0x11f: {  	_ =	shalt  }

</sc_bundles>
